<compile_context>
chip_gen: v7x
topology: tpu7x:2x2x1
jax: 0.10.2.dev20260603
libtpu: 0.0.44.dev20260713+nightly
codegen_flags: <defaults>
</compile_context>

<pallas_src>
import functools

import jax
import jax.numpy as jnp
from jax import lax
from jax.experimental import pallas as pl
from jax.experimental.pallas import tpu as pltpu
from jax.experimental.pallas import tpu_sc as plsc

_NS = 16
_CH = 128


def _node_proj(nfeat, w1_src, w1_dst):
    n, d = nfeat.shape
    h = w1_src.shape[1]

    def body(n_ref, ws_ref, wd_ref, t_ref):
        x = n_ref[...]
        p = jnp.dot(x, ws_ref[...], preferred_element_type=jnp.float32)
        q = jnp.dot(x, wd_ref[...], preferred_element_type=jnp.float32)
        pb = lax.bitcast_convert_type(
            p.astype(jnp.bfloat16).astype(jnp.float32), jnp.int32)
        qb = lax.bitcast_convert_type(
            q.astype(jnp.bfloat16).astype(jnp.float32), jnp.int32)
        t_ref[...] = jnp.bitwise_or(
            lax.shift_right_logical(pb, 16),
            jnp.bitwise_and(qb, jnp.int32(-65536)))

    return pl.pallas_call(
        body,
        out_shape=jax.ShapeDtypeStruct((n, h), jnp.int32),
    )(nfeat, w1_src, w1_dst)


def _sc_gather(table, src_pad, dst_pad, seg_off, half_rows, cph):
    n, d = table.shape
    mesh = plsc.VectorSubcoreMesh(
        core_axis_name="c", subcore_axis_name="s", num_cores=1)
    nbuf = 2
    pf = 1
    cpw = 2 * cph
    slab = cph * _CH

    @functools.partial(
        pl.kernel,
        mesh=mesh,
        out_type=(jax.ShapeDtypeStruct((half_rows, d), jnp.int32),
                  jax.ShapeDtypeStruct((half_rows, d), jnp.int32)),
        scratch_types=[
            pltpu.VMEM((cpw * _CH,), jnp.int32),
            pltpu.VMEM_SHARED((n, d), jnp.int32),
        ]
        + [pltpu.VMEM((_CH, d), jnp.int32)] * nbuf
        + [pltpu.SemaphoreType.DMA] * (2 * nbuf + 1),
    )
    def gather_k(t_hbm, src_hbm, dst_hbm, outs_hbm, outd_hbm, idx_v, t_sh,
                 *bufs_and_sems):
        rbufs = bufs_and_sems[:nbuf]
        gsems = bufs_and_sems[nbuf:2 * nbuf]
        wsems = bufs_and_sems[2 * nbuf:3 * nbuf]
        tsem = bufs_and_sems[3 * nbuf]
        s = lax.axis_index("s")
        base = s * slab

        @pl.when(s == 0)
        def _():
            pltpu.async_copy(t_hbm, t_sh, tsem).wait()

        pltpu.sync_copy(src_hbm.at[pl.ds(seg_off + base, slab)],
                        idx_v.at[pl.ds(0, slab)])
        pltpu.sync_copy(dst_hbm.at[pl.ds(seg_off + base, slab)],
                        idx_v.at[pl.ds(slab, slab)])
        plsc.subcore_barrier()

        def gat(jj, b):
            return pltpu.make_async_copy(
                t_sh.at[idx_v.at[pl.ds(jj * _CH, _CH)]], rbufs[b], gsems[b])

        def wrb_start(jj, b):
            @pl.when(jj < cph)
            def _():
                pltpu.make_async_copy(
                    rbufs[b], outs_hbm.at[pl.ds(base + jj * _CH, _CH)],
                    wsems[b]).start()

            @pl.when(jj >= cph)
            def _():
                pltpu.make_async_copy(
                    rbufs[b],
                    outd_hbm.at[pl.ds(base + (jj - cph) * _CH, _CH)],
                    wsems[b]).start()

        def wrb_wait(b):
            pltpu.make_async_copy(
                rbufs[b], outs_hbm.at[pl.ds(base, _CH)], wsems[b]).wait()

        for b in range(pf):
            gat(b, b).start()

        @pl.loop(0, cpw, step=nbuf)
        def _(j):
            for b in range(nbuf):
                jj = j + b
                gat(jj, b).wait()
                wrb_start(jj, b)
                jn = jj + pf
                bn = (b + pf) % nbuf

                @pl.when(jn < cpw)
                def _():
                    @pl.when(jj >= nbuf - pf)
                    def _():
                        wrb_wait(bn)

                    gat(jn, bn).start()

        for b in range(nbuf):
            wrb_wait(b)

    return gather_k(table, src_pad, dst_pad)


def _mlp_core(x_ref, rs_ref, rd_ref, we_ref, w2_ref, b1_ref, b2_ref,
              g_ref, bb_ref, o_ref):
    x = x_ref[...]
    ps = lax.bitcast_convert_type(
        lax.shift_left(rs_ref[...], 16), jnp.float32)
    qd = lax.bitcast_convert_type(
        jnp.bitwise_and(rd_ref[...], jnp.int32(-65536)), jnp.float32)
    h = jnp.dot(x.astype(jnp.bfloat16), we_ref[...],
                preferred_element_type=jnp.float32)
    h = h + ps + qd + b1_ref[...]
    h = h * jax.nn.sigmoid(h)
    h2 = jnp.dot(h.astype(jnp.bfloat16), w2_ref[...],
                 preferred_element_type=jnp.float32)
    h2 = h2 + b2_ref[...]
    mu = jnp.mean(h2, axis=-1, keepdims=True)
    var = jnp.mean((h2 - mu) * (h2 - mu), axis=-1, keepdims=True)
    o_ref[...] = (h2 - mu) * lax.rsqrt(var + 1e-5) * g_ref[...] + bb_ref[...] + x


def _edge_mlp_seg(efeat, rows_s, rows_d, w1_edge, w2, b1, b2, ln_g, ln_b,
                  block, seg, nseg, buf):
    e, d = efeat.shape
    e_seg = e // nseg
    nblk = e_seg // block
    base_blk = seg * nblk
    hid = w1_edge.shape[1]
    out_dim = w2.shape[1]
    full = lambda *s: pl.BlockSpec(s, lambda i: tuple(0 for _ in s))
    in_specs = [
        pl.BlockSpec((block, d), lambda i: (base_blk + i, 0)),
        pl.BlockSpec((block, hid), lambda i: (i, 0)),
        pl.BlockSpec((block, hid), lambda i: (i, 0)),
        full(d, hid),
        full(hid, out_dim),
        full(1, hid),
        full(1, out_dim),
        full(1, out_dim),
        full(1, out_dim),
    ]
    operands = (efeat, rows_s, rows_d, w1_edge, w2, b1, b2, ln_g, ln_b)
    kwargs = {}
    body = _mlp_core
    if buf is not None:
        def body(x, rs, rd, we, w2r, b1r, b2r, gr, bbr, _buf, o):
            _mlp_core(x, rs, rd, we, w2r, b1r, b2r, gr, bbr, o)
        in_specs = in_specs + [pl.BlockSpec(memory_space=pl.ANY)]
        operands = operands + (buf,)
        kwargs = dict(input_output_aliases={9: 0})
    return pl.pallas_call(
        body,
        grid=(nblk,),
        in_specs=in_specs,
        out_specs=pl.BlockSpec((block, out_dim), lambda i: (base_blk + i, 0)),
        out_shape=jax.ShapeDtypeStruct((e, out_dim), jnp.float32),
        compiler_params=pltpu.CompilerParams(
            dimension_semantics=("arbitrary",),
        ),
        **kwargs,
    )(*operands)


def kernel(efeat, nfeat, edge_index, W1, b1, W2, b2, ln_g, ln_b):
    e, d_edge = efeat.shape
    n, d_node = nfeat.shape

    table = _node_proj(nfeat, W1[d_edge:d_edge + d_node], W1[d_edge + d_node:])

    nseg = 5
    e_seg = e // nseg
    quantum = _NS * _CH
    half_rows = ((e_seg + quantum - 1) // quantum) * quantum
    cph = half_rows // _CH // _NS
    pad = half_rows - e_seg
    zpad = jnp.zeros((2, pad), dtype=jnp.int32)
    src_pad, dst_pad = jnp.concatenate([edge_index, zpad], axis=1)
    b1r, b2r = b1.reshape(1, -1), b2.reshape(1, -1)
    gr, br = ln_g.reshape(1, -1), ln_b.reshape(1, -1)
    w1e = W1[:d_edge].astype(jnp.bfloat16)
    w2b = W2.astype(jnp.bfloat16)

    buf = None
    for k in range(nseg):
        rs_k, rd_k = _sc_gather(table, src_pad, dst_pad, k * e_seg,
                                half_rows, cph)
        buf = _edge_mlp_seg(efeat, rs_k, rd_k, w1e, w2b, b1r, b2r, gr, br,
                            block=4000, seg=k, nseg=nseg, buf=buf)
    return (buf, nfeat)

# --- scband reference (transcript-rebuilt; emitter-appended) ---
"""Pipeline reference for scband-edge-block-dglconcat-14027363189334 (READ-ONLY COPY).

The authoritative reference and input builder live on the scoring server;
editing this copy changes nothing except your own understanding.
"""

import jax, jax.numpy as jnp
import numpy as np

N = 10000
E = 320000
D_NODE = 128
D_EDGE = 128
HIDDEN = 128
OUT = 128


def setup_inputs(seed: int = 0) -> dict:
    key = jax.random.key(seed)
    ks = jax.random.split(key, 8)
    efeat = jax.random.normal(ks[0], (E, D_EDGE), dtype=jnp.float32)
    nfeat = jax.random.normal(ks[1], (N, D_NODE), dtype=jnp.float32)
    edge_index = jax.random.randint(ks[2], (2, E), 0, N)
    d_in = 2 * D_NODE + D_EDGE
    W1 = jax.random.normal(ks[3], (d_in, HIDDEN), dtype=jnp.float32) / np.sqrt(d_in)
    b1 = jnp.zeros((HIDDEN,), dtype=jnp.float32)
    W2 = jax.random.normal(ks[4], (HIDDEN, OUT), dtype=jnp.float32) / np.sqrt(HIDDEN)
    b2 = jnp.zeros((OUT,), dtype=jnp.float32)
    ln_g = jnp.ones((OUT,), dtype=jnp.float32)
    ln_b = jnp.zeros((OUT,), dtype=jnp.float32)
    return {"efeat": efeat, "nfeat": nfeat, "edge_index": edge_index,
            "W1": W1, "b1": b1, "W2": W2, "b2": b2, "ln_g": ln_g, "ln_b": ln_b}


def _layer_norm(x, g, b, eps=1e-5):
    mu = jnp.mean(x, axis=-1, keepdims=True)
    var = jnp.var(x, axis=-1, keepdims=True)
    return (x - mu) / jnp.sqrt(var + eps) * g + b


def reference(efeat, nfeat, edge_index, W1, b1, W2, b2, ln_g, ln_b):
    # concat_efeat_dgl_mesh: cat(edge feat, src node feat, dst node feat) per edge (gather)
    src = edge_index[0]
    dst = edge_index[1]
    cat_feat = jnp.concatenate(
        [efeat, jnp.take(nfeat, src, axis=0), jnp.take(nfeat, dst, axis=0)], axis=-1
    )
    # edge MLP: Linear -> SiLU -> Linear -> LayerNorm (hidden_layers=1)
    h = jax.nn.silu(cat_feat @ W1 + b1)
    h = h @ W2 + b2
    h = _layer_norm(h, ln_g, ln_b)
    efeat_new = h + efeat  # residual
    return (efeat_new, nfeat)

if __name__ == "__main__":
    import jax
    _d = setup_inputs()
    print(jax.jit(kernel)(*tuple(_d.values())))

</pallas_src>

<mosaic_0001>
#map = affine_map<(d0, d1) -> (0, 0)>
#map1 = affine_map<(d0, d1) -> (0)>
module attributes {stable_mosaic.version = 14 : i64} {
  func.func @gather_k(%arg0: i32, %arg1: i32, %arg2: memref<10000x128xi32, #tpu.memory_space<hbm>>, %arg3: memref<321536xi32, #tpu.memory_space<hbm>>, %arg4: memref<321536xi32, #tpu.memory_space<hbm>>, %arg5: memref<65536x128xi32, #tpu.memory_space<hbm>>, %arg6: memref<65536x128xi32, #tpu.memory_space<hbm>>, %arg7: memref<8192xi32, #tpu.memory_space<vmem>>, %arg8: memref<10000x128xi32, #tpu.memory_space<vmem_shared>>, %arg9: memref<128x128xi32, #tpu.memory_space<vmem>>, %arg10: memref<128x128xi32, #tpu.memory_space<vmem>>, %arg11: memref<!tpu.dma_semaphore, #tpu.memory_space<semaphore_mem>>, %arg12: memref<!tpu.dma_semaphore, #tpu.memory_space<semaphore_mem>>, %arg13: memref<!tpu.dma_semaphore, #tpu.memory_space<semaphore_mem>>, %arg14: memref<!tpu.dma_semaphore, #tpu.memory_space<semaphore_mem>>, %arg15: memref<!tpu.dma_semaphore, #tpu.memory_space<semaphore_mem>>) attributes {dimension_semantics = [#tpu.dimension_semantics<core_parallel>, #tpu.dimension_semantics<subcore_parallel>], iteration_bounds = array<i64: 1, 16>, scalar_prefetch = 0 : i64, scratch_operands = 9 : i64, tpu.core_type = #tpu.core_type<sc_vector_subcore>, window_params = [{transform_indices = #map}, {transform_indices = #map1}, {transform_indices = #map1}, {transform_indices = #map}, {transform_indices = #map}]} {
    %mul3A = arith.constant 4096 : i32
    %mul3A_0 = arith.muli %arg1, %mul3A : i32
    %eq3A = arith.constant 0 : i32
    %eq3A_1 = arith.cmpi eq, %arg1, %eq3A : i32
    %convert_element_type3A = arith.extui %eq3A_1 : i1 to i32
    %cond3A = arith.constant 0 : i32
    %cond3A_2 = arith.cmpi ne, %convert_element_type3A, %cond3A : i32
    scf.if %cond3A_2 {
      tpu.enqueue_dma source(%arg2 : memref<10000x128xi32, #tpu.memory_space<hbm>>) target(%arg8 : memref<10000x128xi32, #tpu.memory_space<vmem_shared>>) target_semaphore(%arg15 : memref<!tpu.dma_semaphore, #tpu.memory_space<semaphore_mem>>)
      tpu.wait_dma2 semaphore(%arg15 : memref<!tpu.dma_semaphore, #tpu.memory_space<semaphore_mem>>) src(%arg2 : memref<10000x128xi32, #tpu.memory_space<hbm>>) dst(%arg8 : memref<10000x128xi32, #tpu.memory_space<vmem_shared>>)
    } else {
    }
    %add3A = arith.constant 128000 : i32
    %add3A_3 = arith.addi %add3A, %mul3A_0 : i32
    "tpu.region"() ({
      %run_scoped3A = tpu.sem_alloc : memref<!tpu.dma_semaphore, #tpu.memory_space<semaphore_mem>>
      %dma_start3A_21 = arith.constant 0 : i32
      %dma_start3A_22 = tpu.memref_slice %arg7[%dma_start3A_21] : memref<8192xi32, #tpu.memory_space<vmem>> -> memref<4096xi32, #tpu.memory_space<vmem>>
      %dma_start3A_23 = tpu.memref_slice %arg3[%add3A_3] : memref<321536xi32, #tpu.memory_space<hbm>> -> memref<4096xi32, #tpu.memory_space<hbm>>
      %dma_start3A_24 = arith.constant 0 : i32
      %dma_start3A_25 = tpu.memref_slice %arg7[%dma_start3A_24] : memref<8192xi32, #tpu.memory_space<vmem>> -> memref<4096xi32, #tpu.memory_space<vmem>>
      %dma_start3A_26 = tpu.memref_slice %arg3[%add3A_3] : memref<321536xi32, #tpu.memory_space<hbm>> -> memref<4096xi32, #tpu.memory_space<hbm>>
      tpu.enqueue_dma source(%dma_start3A_26 : memref<4096xi32, #tpu.memory_space<hbm>>) target(%dma_start3A_25 : memref<4096xi32, #tpu.memory_space<vmem>>) target_semaphore(%run_scoped3A : memref<!tpu.dma_semaphore, #tpu.memory_space<semaphore_mem>>)
      %dma_wait3A_27 = arith.constant 0 : i32
      %dma_wait3A_28 = tpu.memref_slice %arg7[%dma_wait3A_27] : memref<8192xi32, #tpu.memory_space<vmem>> -> memref<4096xi32, #tpu.memory_space<vmem>>
      %dma_wait3A_29 = tpu.memref_slice %arg3[%add3A_3] : memref<321536xi32, #tpu.memory_space<hbm>> -> memref<4096xi32, #tpu.memory_space<hbm>>
      %dma_wait3A_30 = arith.constant 0 : i32
      %dma_wait3A_31 = tpu.memref_slice %arg7[%dma_wait3A_30] : memref<8192xi32, #tpu.memory_space<vmem>> -> memref<4096xi32, #tpu.memory_space<vmem>>
      %dma_wait3A_32 = tpu.memref_slice %arg3[%add3A_3] : memref<321536xi32, #tpu.memory_space<hbm>> -> memref<4096xi32, #tpu.memory_space<hbm>>
      tpu.wait_dma2 semaphore(%run_scoped3A : memref<!tpu.dma_semaphore, #tpu.memory_space<semaphore_mem>>) src(%dma_wait3A_32 : memref<4096xi32, #tpu.memory_space<hbm>>) dst(%dma_wait3A_31 : memref<4096xi32, #tpu.memory_space<vmem>>)
      tpu.yield
    }) : () -> ()
    %add3A_4 = arith.constant 128000 : i32
    %add3A_5 = arith.addi %add3A_4, %mul3A_0 : i32
    "tpu.region"() ({
      %run_scoped3A = tpu.sem_alloc : memref<!tpu.dma_semaphore, #tpu.memory_space<semaphore_mem>>
      %dma_start3A_21 = arith.constant 4096 : i32
      %dma_start3A_22 = tpu.memref_slice %arg7[%dma_start3A_21] : memref<8192xi32, #tpu.memory_space<vmem>> -> memref<4096xi32, #tpu.memory_space<vmem>>
      %dma_start3A_23 = tpu.memref_slice %arg4[%add3A_5] : memref<321536xi32, #tpu.memory_space<hbm>> -> memref<4096xi32, #tpu.memory_space<hbm>>
      %dma_start3A_24 = arith.constant 4096 : i32
      %dma_start3A_25 = tpu.memref_slice %arg7[%dma_start3A_24] : memref<8192xi32, #tpu.memory_space<vmem>> -> memref<4096xi32, #tpu.memory_space<vmem>>
      %dma_start3A_26 = tpu.memref_slice %arg4[%add3A_5] : memref<321536xi32, #tpu.memory_space<hbm>> -> memref<4096xi32, #tpu.memory_space<hbm>>
      tpu.enqueue_dma source(%dma_start3A_26 : memref<4096xi32, #tpu.memory_space<hbm>>) target(%dma_start3A_25 : memref<4096xi32, #tpu.memory_space<vmem>>) target_semaphore(%run_scoped3A : memref<!tpu.dma_semaphore, #tpu.memory_space<semaphore_mem>>)
      %dma_wait3A_27 = arith.constant 4096 : i32
      %dma_wait3A_28 = tpu.memref_slice %arg7[%dma_wait3A_27] : memref<8192xi32, #tpu.memory_space<vmem>> -> memref<4096xi32, #tpu.memory_space<vmem>>
      %dma_wait3A_29 = tpu.memref_slice %arg4[%add3A_5] : memref<321536xi32, #tpu.memory_space<hbm>> -> memref<4096xi32, #tpu.memory_space<hbm>>
      %dma_wait3A_30 = arith.constant 4096 : i32
      %dma_wait3A_31 = tpu.memref_slice %arg7[%dma_wait3A_30] : memref<8192xi32, #tpu.memory_space<vmem>> -> memref<4096xi32, #tpu.memory_space<vmem>>
      %dma_wait3A_32 = tpu.memref_slice %arg4[%add3A_5] : memref<321536xi32, #tpu.memory_space<hbm>> -> memref<4096xi32, #tpu.memory_space<hbm>>
      tpu.wait_dma2 semaphore(%run_scoped3A : memref<!tpu.dma_semaphore, #tpu.memory_space<semaphore_mem>>) src(%dma_wait3A_32 : memref<4096xi32, #tpu.memory_space<hbm>>) dst(%dma_wait3A_31 : memref<4096xi32, #tpu.memory_space<vmem>>)
      tpu.yield
    }) : () -> ()
    %barrier3A = arith.constant 0 : index
    tpu.barrier barrier_id(%barrier3A)
    %dma_start3A = arith.constant 0 : i32
    %dma_start3A_6 = tpu.memref_slice %arg7[%dma_start3A] : memref<8192xi32, #tpu.memory_space<vmem>> -> memref<128xi32, #tpu.memory_space<vmem>>
    %dma_start3A_7 = arith.constant 0 : i32
    %dma_start3A_8 = arith.constant 0 : i32
    %dma_start3A_9 = tpu.memref_slice %arg8[%dma_start3A_7, %dma_start3A_8] : memref<10000x128xi32, #tpu.memory_space<vmem_shared>> -> memref<10000x128xi32, #tpu.memory_space<vmem_shared>>
    tpu.enqueue_indirect_dma source(%dma_start3A_9 : memref<10000x128xi32, #tpu.memory_space<vmem_shared>>) target(%arg9 : memref<128x128xi32, #tpu.memory_space<vmem>>) offsets(%dma_start3A_6 : memref<128xi32, #tpu.memory_space<vmem>>) semaphore(%arg11 : memref<!tpu.dma_semaphore, #tpu.memory_space<semaphore_mem>>)
    %scan3A = arith.constant 0 : i32
    %scan3A_10 = arith.constant 32 : i32
    %scan3A_11 = arith.addi %scan3A, %scan3A_10 : i32
    %scan3A_12 = arith.constant 1 : i32
    scf.for %scan3A_21 = %scan3A to %scan3A_11 step %scan3A_12  : i32 {
      %mul3A_22 = arith.constant 2 : i32
      %mul3A_23 = arith.muli %scan3A_21, %mul3A_22 : i32
      %add3A_24 = arith.constant 0 : i32
      %add3A_25 = arith.addi %add3A_24, %mul3A_23 : i32
      %add3A_26 = arith.constant 0 : i32
      %add3A_27 = arith.addi %add3A_25, %add3A_26 : i32
      %mul3A_28 = arith.constant 128 : i32
      %mul3A_29 = arith.muli %add3A_27, %mul3A_28 : i32
      %dma_wait3A_30 = tpu.memref_slice %arg7[%mul3A_29] : memref<8192xi32, #tpu.memory_space<vmem>> -> memref<128xi32, #tpu.memory_space<vmem>>
      %dma_wait3A_31 = arith.constant 0 : i32
      %dma_wait3A_32 = arith.constant 0 : i32
      %dma_wait3A_33 = tpu.memref_slice %arg8[%dma_wait3A_31, %dma_wait3A_32] : memref<10000x128xi32, #tpu.memory_space<vmem_shared>> -> memref<10000x128xi32, #tpu.memory_space<vmem_shared>>
      tpu.wait_indirect_dma semaphore(%arg11 : memref<!tpu.dma_semaphore, #tpu.memory_space<semaphore_mem>>) src(%dma_wait3A_33 : memref<10000x128xi32, #tpu.memory_space<vmem_shared>>) dst(%arg9 : memref<128x128xi32, #tpu.memory_space<vmem>>)
      %lt3A = arith.constant 32 : i32
      %lt3A_34 = arith.cmpi slt, %add3A_27, %lt3A : i32
      %convert_element_type3A_35 = arith.extui %lt3A_34 : i1 to i32
      %cond3A_36 = arith.constant 0 : i32
      %cond3A_37 = arith.cmpi ne, %convert_element_type3A_35, %cond3A_36 : i32
      scf.if %cond3A_37 {
        %mul3A_74 = arith.constant 128 : i32
        %mul3A_75 = arith.muli %add3A_27, %mul3A_74 : i32
        %add3A_76 = arith.addi %mul3A_0, %mul3A_75 : i32
        %dma_start3A_77 = arith.constant 0 : i32
        %dma_start3A_78 = tpu.memref_slice %arg5[%add3A_76, %dma_start3A_77] : memref<65536x128xi32, #tpu.memory_space<hbm>> -> memref<128x128xi32, #tpu.memory_space<hbm>>
        %dma_start3A_79 = arith.constant 0 : i32
        %dma_start3A_80 = tpu.memref_slice %arg5[%add3A_76, %dma_start3A_79] : memref<65536x128xi32, #tpu.memory_space<hbm>> -> memref<128x128xi32, #tpu.memory_space<hbm>>
        tpu.enqueue_dma source(%arg9 : memref<128x128xi32, #tpu.memory_space<vmem>>) target(%dma_start3A_80 : memref<128x128xi32, #tpu.memory_space<hbm>>) target_semaphore(%arg13 : memref<!tpu.dma_semaphore, #tpu.memory_space<semaphore_mem>>)
      } else {
      }
      %ge3A = arith.constant 32 : i32
      %ge3A_38 = arith.cmpi sge, %add3A_27, %ge3A : i32
      %convert_element_type3A_39 = arith.extui %ge3A_38 : i1 to i32
      %cond3A_40 = arith.constant 0 : i32
      %cond3A_41 = arith.cmpi ne, %convert_element_type3A_39, %cond3A_40 : i32
      scf.if %cond3A_41 {
        %sub3A = arith.constant 32 : i32
        %sub3A_74 = arith.subi %add3A_27, %sub3A : i32
        %mul3A_75 = arith.constant 128 : i32
        %mul3A_76 = arith.muli %sub3A_74, %mul3A_75 : i32
        %add3A_77 = arith.addi %mul3A_0, %mul3A_76 : i32
        %dma_start3A_78 = arith.constant 0 : i32
        %dma_start3A_79 = tpu.memref_slice %arg6[%add3A_77, %dma_start3A_78] : memref<65536x128xi32, #tpu.memory_space<hbm>> -> memref<128x128xi32, #tpu.memory_space<hbm>>
        %dma_start3A_80 = arith.constant 0 : i32
        %dma_start3A_81 = tpu.memref_slice %arg6[%add3A_77, %dma_start3A_80] : memref<65536x128xi32, #tpu.memory_space<hbm>> -> memref<128x128xi32, #tpu.memory_space<hbm>>
        tpu.enqueue_dma source(%arg9 : memref<128x128xi32, #tpu.memory_space<vmem>>) target(%dma_start3A_81 : memref<128x128xi32, #tpu.memory_space<hbm>>) target_semaphore(%arg13 : memref<!tpu.dma_semaphore, #tpu.memory_space<semaphore_mem>>)
      } else {
      }
      %add3A_42 = arith.constant 1 : i32
      %add3A_43 = arith.addi %add3A_27, %add3A_42 : i32
      %lt3A_44 = arith.constant 64 : i32
      %lt3A_45 = arith.cmpi slt, %add3A_43, %lt3A_44 : i32
      %convert_element_type3A_46 = arith.extui %lt3A_45 : i1 to i32
      %cond3A_47 = arith.constant 0 : i32
      %cond3A_48 = arith.cmpi ne, %convert_element_type3A_46, %cond3A_47 : i32
      scf.if %cond3A_48 {
        %ge3A_74 = arith.constant 1 : i32
        %ge3A_75 = arith.cmpi sge, %add3A_27, %ge3A_74 : i32
        %convert_element_type3A_76 = arith.extui %ge3A_75 : i1 to i32
        %cond3A_77 = arith.constant 0 : i32
        %cond3A_78 = arith.cmpi ne, %convert_element_type3A_76, %cond3A_77 : i32
        scf.if %cond3A_78 {
          %dma_wait3A_85 = arith.constant 0 : i32
          %dma_wait3A_86 = tpu.memref_slice %arg5[%mul3A_0, %dma_wait3A_85] : memref<65536x128xi32, #tpu.memory_space<hbm>> -> memref<128x128xi32, #tpu.memory_space<hbm>>
          %dma_wait3A_87 = arith.constant 0 : i32
          %dma_wait3A_88 = tpu.memref_slice %arg5[%mul3A_0, %dma_wait3A_87] : memref<65536x128xi32, #tpu.memory_space<hbm>> -> memref<128x128xi32, #tpu.memory_space<hbm>>
          tpu.wait_dma2 semaphore(%arg14 : memref<!tpu.dma_semaphore, #tpu.memory_space<semaphore_mem>>) src(%arg10 : memref<128x128xi32, #tpu.memory_space<vmem>>) dst(%dma_wait3A_88 : memref<128x128xi32, #tpu.memory_space<hbm>>)
        } else {
        }
        %mul3A_79 = arith.constant 128 : i32
        %mul3A_80 = arith.muli %add3A_43, %mul3A_79 : i32
        %dma_start3A_81 = tpu.memref_slice %arg7[%mul3A_80] : memref<8192xi32, #tpu.memory_space<vmem>> -> memref<128xi32, #tpu.memory_space<vmem>>
        %dma_start3A_82 = arith.constant 0 : i32
        %dma_start3A_83 = arith.constant 0 : i32
        %dma_start3A_84 = tpu.memref_slice %arg8[%dma_start3A_82, %dma_start3A_83] : memref<10000x128xi32, #tpu.memory_space<vmem_shared>> -> memref<10000x128xi32, #tpu.memory_space<vmem_shared>>
        tpu.enqueue_indirect_dma source(%dma_start3A_84 : memref<10000x128xi32, #tpu.memory_space<vmem_shared>>) target(%arg10 : memref<128x128xi32, #tpu.memory_space<vmem>>) offsets(%dma_start3A_81 : memref<128xi32, #tpu.memory_space<vmem>>) semaphore(%arg12 : memref<!tpu.dma_semaphore, #tpu.memory_space<semaphore_mem>>)
      } else {
      }
      %add3A_49 = arith.constant 1 : i32
      %add3A_50 = arith.addi %add3A_25, %add3A_49 : i32
      %mul3A_51 = arith.constant 128 : i32
      %mul3A_52 = arith.muli %add3A_50, %mul3A_51 : i32
      %dma_wait3A_53 = tpu.memref_slice %arg7[%mul3A_52] : memref<8192xi32, #tpu.memory_space<vmem>> -> memref<128xi32, #tpu.memory_space<vmem>>
      %dma_wait3A_54 = arith.constant 0 : i32
      %dma_wait3A_55 = arith.constant 0 : i32
      %dma_wait3A_56 = tpu.memref_slice %arg8[%dma_wait3A_54, %dma_wait3A_55] : memref<10000x128xi32, #tpu.memory_space<vmem_shared>> -> memref<10000x128xi32, #tpu.memory_space<vmem_shared>>
      tpu.wait_indirect_dma semaphore(%arg12 : memref<!tpu.dma_semaphore, #tpu.memory_space<semaphore_mem>>) src(%dma_wait3A_56 : memref<10000x128xi32, #tpu.memory_space<vmem_shared>>) dst(%arg10 : memref<128x128xi32, #tpu.memory_space<vmem>>)
      %lt3A_57 = arith.constant 32 : i32
      %lt3A_58 = arith.cmpi slt, %add3A_50, %lt3A_57 : i32
      %convert_element_type3A_59 = arith.extui %lt3A_58 : i1 to i32
      %cond3A_60 = arith.constant 0 : i32
      %cond3A_61 = arith.cmpi ne, %convert_element_type3A_59, %cond3A_60 : i32
      scf.if %cond3A_61 {
        %mul3A_74 = arith.constant 128 : i32
        %mul3A_75 = arith.muli %add3A_50, %mul3A_74 : i32
        %add3A_76 = arith.addi %mul3A_0, %mul3A_75 : i32
        %dma_start3A_77 = arith.constant 0 : i32
        %dma_start3A_78 = tpu.memref_slice %arg5[%add3A_76, %dma_start3A_77] : memref<65536x128xi32, #tpu.memory_space<hbm>> -> memref<128x128xi32, #tpu.memory_space<hbm>>
        %dma_start3A_79 = arith.constant 0 : i32
        %dma_start3A_80 = tpu.memref_slice %arg5[%add3A_76, %dma_start3A_79] : memref<65536x128xi32, #tpu.memory_space<hbm>> -> memref<128x128xi32, #tpu.memory_space<hbm>>
        tpu.enqueue_dma source(%arg10 : memref<128x128xi32, #tpu.memory_space<vmem>>) target(%dma_start3A_80 : memref<128x128xi32, #tpu.memory_space<hbm>>) target_semaphore(%arg14 : memref<!tpu.dma_semaphore, #tpu.memory_space<semaphore_mem>>)
      } else {
      }
      %ge3A_62 = arith.constant 32 : i32
      %ge3A_63 = arith.cmpi sge, %add3A_50, %ge3A_62 : i32
      %convert_element_type3A_64 = arith.extui %ge3A_63 : i1 to i32
      %cond3A_65 = arith.constant 0 : i32
      %cond3A_66 = arith.cmpi ne, %convert_element_type3A_64, %cond3A_65 : i32
      scf.if %cond3A_66 {
        %sub3A = arith.constant 32 : i32
        %sub3A_74 = arith.subi %add3A_50, %sub3A : i32
        %mul3A_75 = arith.constant 128 : i32
        %mul3A_76 = arith.muli %sub3A_74, %mul3A_75 : i32
        %add3A_77 = arith.addi %mul3A_0, %mul3A_76 : i32
        %dma_start3A_78 = arith.constant 0 : i32
        %dma_start3A_79 = tpu.memref_slice %arg6[%add3A_77, %dma_start3A_78] : memref<65536x128xi32, #tpu.memory_space<hbm>> -> memref<128x128xi32, #tpu.memory_space<hbm>>
        %dma_start3A_80 = arith.constant 0 : i32
        %dma_start3A_81 = tpu.memref_slice %arg6[%add3A_77, %dma_start3A_80] : memref<65536x128xi32, #tpu.memory_space<hbm>> -> memref<128x128xi32, #tpu.memory_space<hbm>>
        tpu.enqueue_dma source(%arg10 : memref<128x128xi32, #tpu.memory_space<vmem>>) target(%dma_start3A_81 : memref<128x128xi32, #tpu.memory_space<hbm>>) target_semaphore(%arg14 : memref<!tpu.dma_semaphore, #tpu.memory_space<semaphore_mem>>)
      } else {
      }
      %add3A_67 = arith.constant 1 : i32
      %add3A_68 = arith.addi %add3A_50, %add3A_67 : i32
      %lt3A_69 = arith.constant 64 : i32
      %lt3A_70 = arith.cmpi slt, %add3A_68, %lt3A_69 : i32
      %convert_element_type3A_71 = arith.extui %lt3A_70 : i1 to i32
      %cond3A_72 = arith.constant 0 : i32
      %cond3A_73 = arith.cmpi ne, %convert_element_type3A_71, %cond3A_72 : i32
      scf.if %cond3A_73 {
        %ge3A_74 = arith.constant 1 : i32
        %ge3A_75 = arith.cmpi sge, %add3A_50, %ge3A_74 : i32
        %convert_element_type3A_76 = arith.extui %ge3A_75 : i1 to i32
        %cond3A_77 = arith.constant 0 : i32
        %cond3A_78 = arith.cmpi ne, %convert_element_type3A_76, %cond3A_77 : i32
        scf.if %cond3A_78 {
          %dma_wait3A_85 = arith.constant 0 : i32
          %dma_wait3A_86 = tpu.memref_slice %arg5[%mul3A_0, %dma_wait3A_85] : memref<65536x128xi32, #tpu.memory_space<hbm>> -> memref<128x128xi32, #tpu.memory_space<hbm>>
          %dma_wait3A_87 = arith.constant 0 : i32
          %dma_wait3A_88 = tpu.memref_slice %arg5[%mul3A_0, %dma_wait3A_87] : memref<65536x128xi32, #tpu.memory_space<hbm>> -> memref<128x128xi32, #tpu.memory_space<hbm>>
          tpu.wait_dma2 semaphore(%arg13 : memref<!tpu.dma_semaphore, #tpu.memory_space<semaphore_mem>>) src(%arg9 : memref<128x128xi32, #tpu.memory_space<vmem>>) dst(%dma_wait3A_88 : memref<128x128xi32, #tpu.memory_space<hbm>>)
        } else {
        }
        %mul3A_79 = arith.constant 128 : i32
        %mul3A_80 = arith.muli %add3A_68, %mul3A_79 : i32
        %dma_start3A_81 = tpu.memref_slice %arg7[%mul3A_80] : memref<8192xi32, #tpu.memory_space<vmem>> -> memref<128xi32, #tpu.memory_space<vmem>>
        %dma_start3A_82 = arith.constant 0 : i32
        %dma_start3A_83 = arith.constant 0 : i32
        %dma_start3A_84 = tpu.memref_slice %arg8[%dma_start3A_82, %dma_start3A_83] : memref<10000x128xi32, #tpu.memory_space<vmem_shared>> -> memref<10000x128xi32, #tpu.memory_space<vmem_shared>>
        tpu.enqueue_indirect_dma source(%dma_start3A_84 : memref<10000x128xi32, #tpu.memory_space<vmem_shared>>) target(%arg9 : memref<128x128xi32, #tpu.memory_space<vmem>>) offsets(%dma_start3A_81 : memref<128xi32, #tpu.memory_space<vmem>>) semaphore(%arg11 : memref<!tpu.dma_semaphore, #tpu.memory_space<semaphore_mem>>)
      } else {
      }
    }
    %scan3A_13 = arith.constant 32 : i32
    %dma_wait3A = arith.constant 0 : i32
    %dma_wait3A_14 = tpu.memref_slice %arg5[%mul3A_0, %dma_wait3A] : memref<65536x128xi32, #tpu.memory_space<hbm>> -> memref<128x128xi32, #tpu.memory_space<hbm>>
    %dma_wait3A_15 = arith.constant 0 : i32
    %dma_wait3A_16 = tpu.memref_slice %arg5[%mul3A_0, %dma_wait3A_15] : memref<65536x128xi32, #tpu.memory_space<hbm>> -> memref<128x128xi32, #tpu.memory_space<hbm>>
    tpu.wait_dma2 semaphore(%arg13 : memref<!tpu.dma_semaphore, #tpu.memory_space<semaphore_mem>>) src(%arg9 : memref<128x128xi32, #tpu.memory_space<vmem>>) dst(%dma_wait3A_16 : memref<128x128xi32, #tpu.memory_space<hbm>>)
    %dma_wait3A_17 = arith.constant 0 : i32
    %dma_wait3A_18 = tpu.memref_slice %arg5[%mul3A_0, %dma_wait3A_17] : memref<65536x128xi32, #tpu.memory_space<hbm>> -> memref<128x128xi32, #tpu.memory_space<hbm>>
    %dma_wait3A_19 = arith.constant 0 : i32
    %dma_wait3A_20 = tpu.memref_slice %arg5[%mul3A_0, %dma_wait3A_19] : memref<65536x128xi32, #tpu.memory_space<hbm>> -> memref<128x128xi32, #tpu.memory_space<hbm>>
    tpu.wait_dma2 semaphore(%arg14 : memref<!tpu.dma_semaphore, #tpu.memory_space<semaphore_mem>>) src(%arg10 : memref<128x128xi32, #tpu.memory_space<vmem>>) dst(%dma_wait3A_20 : memref<128x128xi32, #tpu.memory_space<hbm>>)
    return
  }
}

#map = affine_map<(d0, d1) -> (0, 0)>
#map1 = affine_map<(d0, d1) -> (0)>
module attributes {stable_mosaic.version = 14 : i64} {
  func.func @gather_k(%arg0: i32, %arg1: i32, %arg2: memref<10000x128xi32, #tpu.memory_space<hbm>>, %arg3: memref<321536xi32, #tpu.memory_space<hbm>>, %arg4: memref<321536xi32, #tpu.memory_space<hbm>>, %arg5: memref<65536x128xi32, #tpu.memory_space<hbm>>, %arg6: memref<65536x128xi32, #tpu.memory_space<hbm>>, %arg7: memref<8192xi32, #tpu.memory_space<vmem>>, %arg8: memref<10000x128xi32, #tpu.memory_space<vmem_shared>>, %arg9: memref<128x128xi32, #tpu.memory_space<vmem>>, %arg10: memref<128x128xi32, #tpu.memory_space<vmem>>, %arg11: memref<!tpu.dma_semaphore, #tpu.memory_space<semaphore_mem>>, %arg12: memref<!tpu.dma_semaphore, #tpu.memory_space<semaphore_mem>>, %arg13: memref<!tpu.dma_semaphore, #tpu.memory_space<semaphore_mem>>, %arg14: memref<!tpu.dma_semaphore, #tpu.memory_space<semaphore_mem>>, %arg15: memref<!tpu.dma_semaphore, #tpu.memory_space<semaphore_mem>>) attributes {dimension_semantics = [#tpu.dimension_semantics<core_parallel>, #tpu.dimension_semantics<subcore_parallel>], iteration_bounds = array<i64: 1, 16>, scalar_prefetch = 0 : i64, scratch_operands = 9 : i64, tpu.core_type = #tpu.core_type<sc_vector_subcore>, window_params = [{transform_indices = #map}, {transform_indices = #map1}, {transform_indices = #map1}, {transform_indices = #map}, {transform_indices = #map}]} {
    %mul3A = arith.constant 4096 : i32
    %mul3A_0 = arith.muli %arg1, %mul3A : i32
    %eq3A = arith.constant 0 : i32
    %eq3A_1 = arith.cmpi eq, %arg1, %eq3A : i32
    %convert_element_type3A = arith.extui %eq3A_1 : i1 to i32
    %cond3A = arith.constant 0 : i32
    %cond3A_2 = arith.cmpi ne, %convert_element_type3A, %cond3A : i32
    scf.if %cond3A_2 {
      tpu.enqueue_dma source(%arg2 : memref<10000x128xi32, #tpu.memory_space<hbm>>) target(%arg8 : memref<10000x128xi32, #tpu.memory_space<vmem_shared>>) target_semaphore(%arg15 : memref<!tpu.dma_semaphore, #tpu.memory_space<semaphore_mem>>)
      tpu.wait_dma2 semaphore(%arg15 : memref<!tpu.dma_semaphore, #tpu.memory_space<semaphore_mem>>) src(%arg2 : memref<10000x128xi32, #tpu.memory_space<hbm>>) dst(%arg8 : memref<10000x128xi32, #tpu.memory_space<vmem_shared>>)
    } else {
    }
    %add3A = arith.constant 64000 : i32
    %add3A_3 = arith.addi %add3A, %mul3A_0 : i32
    "tpu.region"() ({
      %run_scoped3A = tpu.sem_alloc : memref<!tpu.dma_semaphore, #tpu.memory_space<semaphore_mem>>
      %dma_start3A_21 = arith.constant 0 : i32
      %dma_start3A_22 = tpu.memref_slice %arg7[%dma_start3A_21] : memref<8192xi32, #tpu.memory_space<vmem>> -> memref<4096xi32, #tpu.memory_space<vmem>>
      %dma_start3A_23 = tpu.memref_slice %arg3[%add3A_3] : memref<321536xi32, #tpu.memory_space<hbm>> -> memref<4096xi32, #tpu.memory_space<hbm>>
      %dma_start3A_24 = arith.constant 0 : i32
      %dma_start3A_25 = tpu.memref_slice %arg7[%dma_start3A_24] : memref<8192xi32, #tpu.memory_space<vmem>> -> memref<4096xi32, #tpu.memory_space<vmem>>
      %dma_start3A_26 = tpu.memref_slice %arg3[%add3A_3] : memref<321536xi32, #tpu.memory_space<hbm>> -> memref<4096xi32, #tpu.memory_space<hbm>>
      tpu.enqueue_dma source(%dma_start3A_26 : memref<4096xi32, #tpu.memory_space<hbm>>) target(%dma_start3A_25 : memref<4096xi32, #tpu.memory_space<vmem>>) target_semaphore(%run_scoped3A : memref<!tpu.dma_semaphore, #tpu.memory_space<semaphore_mem>>)
      %dma_wait3A_27 = arith.constant 0 : i32
      %dma_wait3A_28 = tpu.memref_slice %arg7[%dma_wait3A_27] : memref<8192xi32, #tpu.memory_space<vmem>> -> memref<4096xi32, #tpu.memory_space<vmem>>
      %dma_wait3A_29 = tpu.memref_slice %arg3[%add3A_3] : memref<321536xi32, #tpu.memory_space<hbm>> -> memref<4096xi32, #tpu.memory_space<hbm>>
      %dma_wait3A_30 = arith.constant 0 : i32
      %dma_wait3A_31 = tpu.memref_slice %arg7[%dma_wait3A_30] : memref<8192xi32, #tpu.memory_space<vmem>> -> memref<4096xi32, #tpu.memory_space<vmem>>
      %dma_wait3A_32 = tpu.memref_slice %arg3[%add3A_3] : memref<321536xi32, #tpu.memory_space<hbm>> -> memref<4096xi32, #tpu.memory_space<hbm>>
      tpu.wait_dma2 semaphore(%run_scoped3A : memref<!tpu.dma_semaphore, #tpu.memory_space<semaphore_mem>>) src(%dma_wait3A_32 : memref<4096xi32, #tpu.memory_space<hbm>>) dst(%dma_wait3A_31 : memref<4096xi32, #tpu.memory_space<vmem>>)
      tpu.yield
    }) : () -> ()
    %add3A_4 = arith.constant 64000 : i32
    %add3A_5 = arith.addi %add3A_4, %mul3A_0 : i32
    "tpu.region"() ({
      %run_scoped3A = tpu.sem_alloc : memref<!tpu.dma_semaphore, #tpu.memory_space<semaphore_mem>>
      %dma_start3A_21 = arith.constant 4096 : i32
      %dma_start3A_22 = tpu.memref_slice %arg7[%dma_start3A_21] : memref<8192xi32, #tpu.memory_space<vmem>> -> memref<4096xi32, #tpu.memory_space<vmem>>
      %dma_start3A_23 = tpu.memref_slice %arg4[%add3A_5] : memref<321536xi32, #tpu.memory_space<hbm>> -> memref<4096xi32, #tpu.memory_space<hbm>>
      %dma_start3A_24 = arith.constant 4096 : i32
      %dma_start3A_25 = tpu.memref_slice %arg7[%dma_start3A_24] : memref<8192xi32, #tpu.memory_space<vmem>> -> memref<4096xi32, #tpu.memory_space<vmem>>
      %dma_start3A_26 = tpu.memref_slice %arg4[%add3A_5] : memref<321536xi32, #tpu.memory_space<hbm>> -> memref<4096xi32, #tpu.memory_space<hbm>>
      tpu.enqueue_dma source(%dma_start3A_26 : memref<4096xi32, #tpu.memory_space<hbm>>) target(%dma_start3A_25 : memref<4096xi32, #tpu.memory_space<vmem>>) target_semaphore(%run_scoped3A : memref<!tpu.dma_semaphore, #tpu.memory_space<semaphore_mem>>)
      %dma_wait3A_27 = arith.constant 4096 : i32
      %dma_wait3A_28 = tpu.memref_slice %arg7[%dma_wait3A_27] : memref<8192xi32, #tpu.memory_space<vmem>> -> memref<4096xi32, #tpu.memory_space<vmem>>
      %dma_wait3A_29 = tpu.memref_slice %arg4[%add3A_5] : memref<321536xi32, #tpu.memory_space<hbm>> -> memref<4096xi32, #tpu.memory_space<hbm>>
      %dma_wait3A_30 = arith.constant 4096 : i32
      %dma_wait3A_31 = tpu.memref_slice %arg7[%dma_wait3A_30] : memref<8192xi32, #tpu.memory_space<vmem>> -> memref<4096xi32, #tpu.memory_space<vmem>>
      %dma_wait3A_32 = tpu.memref_slice %arg4[%add3A_5] : memref<321536xi32, #tpu.memory_space<hbm>> -> memref<4096xi32, #tpu.memory_space<hbm>>
      tpu.wait_dma2 semaphore(%run_scoped3A : memref<!tpu.dma_semaphore, #tpu.memory_space<semaphore_mem>>) src(%dma_wait3A_32 : memref<4096xi32, #tpu.memory_space<hbm>>) dst(%dma_wait3A_31 : memref<4096xi32, #tpu.memory_space<vmem>>)
      tpu.yield
    }) : () -> ()
    %barrier3A = arith.constant 0 : index
    tpu.barrier barrier_id(%barrier3A)
    %dma_start3A = arith.constant 0 : i32
    %dma_start3A_6 = tpu.memref_slice %arg7[%dma_start3A] : memref<8192xi32, #tpu.memory_space<vmem>> -> memref<128xi32, #tpu.memory_space<vmem>>
    %dma_start3A_7 = arith.constant 0 : i32
    %dma_start3A_8 = arith.constant 0 : i32
    %dma_start3A_9 = tpu.memref_slice %arg8[%dma_start3A_7, %dma_start3A_8] : memref<10000x128xi32, #tpu.memory_space<vmem_shared>> -> memref<10000x128xi32, #tpu.memory_space<vmem_shared>>
    tpu.enqueue_indirect_dma source(%dma_start3A_9 : memref<10000x128xi32, #tpu.memory_space<vmem_shared>>) target(%arg9 : memref<128x128xi32, #tpu.memory_space<vmem>>) offsets(%dma_start3A_6 : memref<128xi32, #tpu.memory_space<vmem>>) semaphore(%arg11 : memref<!tpu.dma_semaphore, #tpu.memory_space<semaphore_mem>>)
    %scan3A = arith.constant 0 : i32
    %scan3A_10 = arith.constant 32 : i32
    %scan3A_11 = arith.addi %scan3A, %scan3A_10 : i32
    %scan3A_12 = arith.constant 1 : i32
    scf.for %scan3A_21 = %scan3A to %scan3A_11 step %scan3A_12  : i32 {
      %mul3A_22 = arith.constant 2 : i32
      %mul3A_23 = arith.muli %scan3A_21, %mul3A_22 : i32
      %add3A_24 = arith.constant 0 : i32
      %add3A_25 = arith.addi %add3A_24, %mul3A_23 : i32
      %add3A_26 = arith.constant 0 : i32
      %add3A_27 = arith.addi %add3A_25, %add3A_26 : i32
      %mul3A_28 = arith.constant 128 : i32
      %mul3A_29 = arith.muli %add3A_27, %mul3A_28 : i32
      %dma_wait3A_30 = tpu.memref_slice %arg7[%mul3A_29] : memref<8192xi32, #tpu.memory_space<vmem>> -> memref<128xi32, #tpu.memory_space<vmem>>
      %dma_wait3A_31 = arith.constant 0 : i32
      %dma_wait3A_32 = arith.constant 0 : i32
      %dma_wait3A_33 = tpu.memref_slice %arg8[%dma_wait3A_31, %dma_wait3A_32] : memref<10000x128xi32, #tpu.memory_space<vmem_shared>> -> memref<10000x128xi32, #tpu.memory_space<vmem_shared>>
      tpu.wait_indirect_dma semaphore(%arg11 : memref<!tpu.dma_semaphore, #tpu.memory_space<semaphore_mem>>) src(%dma_wait3A_33 : memref<10000x128xi32, #tpu.memory_space<vmem_shared>>) dst(%arg9 : memref<128x128xi32, #tpu.memory_space<vmem>>)
      %lt3A = arith.constant 32 : i32
      %lt3A_34 = arith.cmpi slt, %add3A_27, %lt3A : i32
      %convert_element_type3A_35 = arith.extui %lt3A_34 : i1 to i32
      %cond3A_36 = arith.constant 0 : i32
      %cond3A_37 = arith.cmpi ne, %convert_element_type3A_35, %cond3A_36 : i32
      scf.if %cond3A_37 {
        %mul3A_74 = arith.constant 128 : i32
        %mul3A_75 = arith.muli %add3A_27, %mul3A_74 : i32
        %add3A_76 = arith.addi %mul3A_0, %mul3A_75 : i32
        %dma_start3A_77 = arith.constant 0 : i32
        %dma_start3A_78 = tpu.memref_slice %arg5[%add3A_76, %dma_start3A_77] : memref<65536x128xi32, #tpu.memory_space<hbm>> -> memref<128x128xi32, #tpu.memory_space<hbm>>
        %dma_start3A_79 = arith.constant 0 : i32
        %dma_start3A_80 = tpu.memref_slice %arg5[%add3A_76, %dma_start3A_79] : memref<65536x128xi32, #tpu.memory_space<hbm>> -> memref<128x128xi32, #tpu.memory_space<hbm>>
        tpu.enqueue_dma source(%arg9 : memref<128x128xi32, #tpu.memory_space<vmem>>) target(%dma_start3A_80 : memref<128x128xi32, #tpu.memory_space<hbm>>) target_semaphore(%arg13 : memref<!tpu.dma_semaphore, #tpu.memory_space<semaphore_mem>>)
      } else {
      }
      %ge3A = arith.constant 32 : i32
      %ge3A_38 = arith.cmpi sge, %add3A_27, %ge3A : i32
      %convert_element_type3A_39 = arith.extui %ge3A_38 : i1 to i32
      %cond3A_40 = arith.constant 0 : i32
      %cond3A_41 = arith.cmpi ne, %convert_element_type3A_39, %cond3A_40 : i32
      scf.if %cond3A_41 {
        %sub3A = arith.constant 32 : i32
        %sub3A_74 = arith.subi %add3A_27, %sub3A : i32
        %mul3A_75 = arith.constant 128 : i32
        %mul3A_76 = arith.muli %sub3A_74, %mul3A_75 : i32
        %add3A_77 = arith.addi %mul3A_0, %mul3A_76 : i32
        %dma_start3A_78 = arith.constant 0 : i32
        %dma_start3A_79 = tpu.memref_slice %arg6[%add3A_77, %dma_start3A_78] : memref<65536x128xi32, #tpu.memory_space<hbm>> -> memref<128x128xi32, #tpu.memory_space<hbm>>
        %dma_start3A_80 = arith.constant 0 : i32
        %dma_start3A_81 = tpu.memref_slice %arg6[%add3A_77, %dma_start3A_80] : memref<65536x128xi32, #tpu.memory_space<hbm>> -> memref<128x128xi32, #tpu.memory_space<hbm>>
        tpu.enqueue_dma source(%arg9 : memref<128x128xi32, #tpu.memory_space<vmem>>) target(%dma_start3A_81 : memref<128x128xi32, #tpu.memory_space<hbm>>) target_semaphore(%arg13 : memref<!tpu.dma_semaphore, #tpu.memory_space<semaphore_mem>>)
      } else {
      }
      %add3A_42 = arith.constant 1 : i32
      %add3A_43 = arith.addi %add3A_27, %add3A_42 : i32
      %lt3A_44 = arith.constant 64 : i32
      %lt3A_45 = arith.cmpi slt, %add3A_43, %lt3A_44 : i32
      %convert_element_type3A_46 = arith.extui %lt3A_45 : i1 to i32
      %cond3A_47 = arith.constant 0 : i32
      %cond3A_48 = arith.cmpi ne, %convert_element_type3A_46, %cond3A_47 : i32
      scf.if %cond3A_48 {
        %ge3A_74 = arith.constant 1 : i32
        %ge3A_75 = arith.cmpi sge, %add3A_27, %ge3A_74 : i32
        %convert_element_type3A_76 = arith.extui %ge3A_75 : i1 to i32
        %cond3A_77 = arith.constant 0 : i32
        %cond3A_78 = arith.cmpi ne, %convert_element_type3A_76, %cond3A_77 : i32
        scf.if %cond3A_78 {
          %dma_wait3A_85 = arith.constant 0 : i32
          %dma_wait3A_86 = tpu.memref_slice %arg5[%mul3A_0, %dma_wait3A_85] : memref<65536x128xi32, #tpu.memory_space<hbm>> -> memref<128x128xi32, #tpu.memory_space<hbm>>
          %dma_wait3A_87 = arith.constant 0 : i32
          %dma_wait3A_88 = tpu.memref_slice %arg5[%mul3A_0, %dma_wait3A_87] : memref<65536x128xi32, #tpu.memory_space<hbm>> -> memref<128x128xi32, #tpu.memory_space<hbm>>
          tpu.wait_dma2 semaphore(%arg14 : memref<!tpu.dma_semaphore, #tpu.memory_space<semaphore_mem>>) src(%arg10 : memref<128x128xi32, #tpu.memory_space<vmem>>) dst(%dma_wait3A_88 : memref<128x128xi32, #tpu.memory_space<hbm>>)
        } else {
        }
        %mul3A_79 = arith.constant 128 : i32
        %mul3A_80 = arith.muli %add3A_43, %mul3A_79 : i32
        %dma_start3A_81 = tpu.memref_slice %arg7[%mul3A_80] : memref<8192xi32, #tpu.memory_space<vmem>> -> memref<128xi32, #tpu.memory_space<vmem>>
        %dma_start3A_82 = arith.constant 0 : i32
        %dma_start3A_83 = arith.constant 0 : i32
        %dma_start3A_84 = tpu.memref_slice %arg8[%dma_start3A_82, %dma_start3A_83] : memref<10000x128xi32, #tpu.memory_space<vmem_shared>> -> memref<10000x128xi32, #tpu.memory_space<vmem_shared>>
        tpu.enqueue_indirect_dma source(%dma_start3A_84 : memref<10000x128xi32, #tpu.memory_space<vmem_shared>>) target(%arg10 : memref<128x128xi32, #tpu.memory_space<vmem>>) offsets(%dma_start3A_81 : memref<128xi32, #tpu.memory_space<vmem>>) semaphore(%arg12 : memref<!tpu.dma_semaphore, #tpu.memory_space<semaphore_mem>>)
      } else {
      }
      %add3A_49 = arith.constant 1 : i32
      %add3A_50 = arith.addi %add3A_25, %add3A_49 : i32
      %mul3A_51 = arith.constant 128 : i32
      %mul3A_52 = arith.muli %add3A_50, %mul3A_51 : i32
      %dma_wait3A_53 = tpu.memref_slice %arg7[%mul3A_52] : memref<8192xi32, #tpu.memory_space<vmem>> -> memref<128xi32, #tpu.memory_space<vmem>>
      %dma_wait3A_54 = arith.constant 0 : i32
      %dma_wait3A_55 = arith.constant 0 : i32
      %dma_wait3A_56 = tpu.memref_slice %arg8[%dma_wait3A_54, %dma_wait3A_55] : memref<10000x128xi32, #tpu.memory_space<vmem_shared>> -> memref<10000x128xi32, #tpu.memory_space<vmem_shared>>
      tpu.wait_indirect_dma semaphore(%arg12 : memref<!tpu.dma_semaphore, #tpu.memory_space<semaphore_mem>>) src(%dma_wait3A_56 : memref<10000x128xi32, #tpu.memory_space<vmem_shared>>) dst(%arg10 : memref<128x128xi32, #tpu.memory_space<vmem>>)
      %lt3A_57 = arith.constant 32 : i32
      %lt3A_58 = arith.cmpi slt, %add3A_50, %lt3A_57 : i32
      %convert_element_type3A_59 = arith.extui %lt3A_58 : i1 to i32
      %cond3A_60 = arith.constant 0 : i32
      %cond3A_61 = arith.cmpi ne, %convert_element_type3A_59, %cond3A_60 : i32
      scf.if %cond3A_61 {
        %mul3A_74 = arith.constant 128 : i32
        %mul3A_75 = arith.muli %add3A_50, %mul3A_74 : i32
        %add3A_76 = arith.addi %mul3A_0, %mul3A_75 : i32
        %dma_start3A_77 = arith.constant 0 : i32
        %dma_start3A_78 = tpu.memref_slice %arg5[%add3A_76, %dma_start3A_77] : memref<65536x128xi32, #tpu.memory_space<hbm>> -> memref<128x128xi32, #tpu.memory_space<hbm>>
        %dma_start3A_79 = arith.constant 0 : i32
        %dma_start3A_80 = tpu.memref_slice %arg5[%add3A_76, %dma_start3A_79] : memref<65536x128xi32, #tpu.memory_space<hbm>> -> memref<128x128xi32, #tpu.memory_space<hbm>>
        tpu.enqueue_dma source(%arg10 : memref<128x128xi32, #tpu.memory_space<vmem>>) target(%dma_start3A_80 : memref<128x128xi32, #tpu.memory_space<hbm>>) target_semaphore(%arg14 : memref<!tpu.dma_semaphore, #tpu.memory_space<semaphore_mem>>)
      } else {
      }
      %ge3A_62 = arith.constant 32 : i32
      %ge3A_63 = arith.cmpi sge, %add3A_50, %ge3A_62 : i32
      %convert_element_type3A_64 = arith.extui %ge3A_63 : i1 to i32
      %cond3A_65 = arith.constant 0 : i32
      %cond3A_66 = arith.cmpi ne, %convert_element_type3A_64, %cond3A_65 : i32
      scf.if %cond3A_66 {
        %sub3A = arith.constant 32 : i32
        %sub3A_74 = arith.subi %add3A_50, %sub3A : i32
        %mul3A_75 = arith.constant 128 : i32
        %mul3A_76 = arith.muli %sub3A_74, %mul3A_75 : i32
        %add3A_77 = arith.addi %mul3A_0, %mul3A_76 : i32
        %dma_start3A_78 = arith.constant 0 : i32
        %dma_start3A_79 = tpu.memref_slice %arg6[%add3A_77, %dma_start3A_78] : memref<65536x128xi32, #tpu.memory_space<hbm>> -> memref<128x128xi32, #tpu.memory_space<hbm>>
        %dma_start3A_80 = arith.constant 0 : i32
        %dma_start3A_81 = tpu.memref_slice %arg6[%add3A_77, %dma_start3A_80] : memref<65536x128xi32, #tpu.memory_space<hbm>> -> memref<128x128xi32, #tpu.memory_space<hbm>>
        tpu.enqueue_dma source(%arg10 : memref<128x128xi32, #tpu.memory_space<vmem>>) target(%dma_start3A_81 : memref<128x128xi32, #tpu.memory_space<hbm>>) target_semaphore(%arg14 : memref<!tpu.dma_semaphore, #tpu.memory_space<semaphore_mem>>)
      } else {
      }
      %add3A_67 = arith.constant 1 : i32
      %add3A_68 = arith.addi %add3A_50, %add3A_67 : i32
      %lt3A_69 = arith.constant 64 : i32
      %lt3A_70 = arith.cmpi slt, %add3A_68, %lt3A_69 : i32
      %convert_element_type3A_71 = arith.extui %lt3A_70 : i1 to i32
      %cond3A_72 = arith.constant 0 : i32
      %cond3A_73 = arith.cmpi ne, %convert_element_type3A_71, %cond3A_72 : i32
      scf.if %cond3A_73 {
        %ge3A_74 = arith.constant 1 : i32
        %ge3A_75 = arith.cmpi sge, %add3A_50, %ge3A_74 : i32
        %convert_element_type3A_76 = arith.extui %ge3A_75 : i1 to i32
        %cond3A_77 = arith.constant 0 : i32
        %cond3A_78 = arith.cmpi ne, %convert_element_type3A_76, %cond3A_77 : i32
        scf.if %cond3A_78 {
          %dma_wait3A_85 = arith.constant 0 : i32
          %dma_wait3A_86 = tpu.memref_slice %arg5[%mul3A_0, %dma_wait3A_85] : memref<65536x128xi32, #tpu.memory_space<hbm>> -> memref<128x128xi32, #tpu.memory_space<hbm>>
          %dma_wait3A_87 = arith.constant 0 : i32
          %dma_wait3A_88 = tpu.memref_slice %arg5[%mul3A_0, %dma_wait3A_87] : memref<65536x128xi32, #tpu.memory_space<hbm>> -> memref<128x128xi32, #tpu.memory_space<hbm>>
          tpu.wait_dma2 semaphore(%arg13 : memref<!tpu.dma_semaphore, #tpu.memory_space<semaphore_mem>>) src(%arg9 : memref<128x128xi32, #tpu.memory_space<vmem>>) dst(%dma_wait3A_88 : memref<128x128xi32, #tpu.memory_space<hbm>>)
        } else {
        }
        %mul3A_79 = arith.constant 128 : i32
        %mul3A_80 = arith.muli %add3A_68, %mul3A_79 : i32
        %dma_start3A_81 = tpu.memref_slice %arg7[%mul3A_80] : memref<8192xi32, #tpu.memory_space<vmem>> -> memref<128xi32, #tpu.memory_space<vmem>>
        %dma_start3A_82 = arith.constant 0 : i32
        %dma_start3A_83 = arith.constant 0 : i32
        %dma_start3A_84 = tpu.memref_slice %arg8[%dma_start3A_82, %dma_start3A_83] : memref<10000x128xi32, #tpu.memory_space<vmem_shared>> -> memref<10000x128xi32, #tpu.memory_space<vmem_shared>>
        tpu.enqueue_indirect_dma source(%dma_start3A_84 : memref<10000x128xi32, #tpu.memory_space<vmem_shared>>) target(%arg9 : memref<128x128xi32, #tpu.memory_space<vmem>>) offsets(%dma_start3A_81 : memref<128xi32, #tpu.memory_space<vmem>>) semaphore(%arg11 : memref<!tpu.dma_semaphore, #tpu.memory_space<semaphore_mem>>)
      } else {
      }
    }
    %scan3A_13 = arith.constant 32 : i32
    %dma_wait3A = arith.constant 0 : i32
    %dma_wait3A_14 = tpu.memref_slice %arg5[%mul3A_0, %dma_wait3A] : memref<65536x128xi32, #tpu.memory_space<hbm>> -> memref<128x128xi32, #tpu.memory_space<hbm>>
    %dma_wait3A_15 = arith.constant 0 : i32
    %dma_wait3A_16 = tpu.memref_slice %arg5[%mul3A_0, %dma_wait3A_15] : memref<65536x128xi32, #tpu.memory_space<hbm>> -> memref<128x128xi32, #tpu.memory_space<hbm>>
    tpu.wait_dma2 semaphore(%arg13 : memref<!tpu.dma_semaphore, #tpu.memory_space<semaphore_mem>>) src(%arg9 : memref<128x128xi32, #tpu.memory_space<vmem>>) dst(%dma_wait3A_16 : memref<128x128xi32, #tpu.memory_space<hbm>>)
    %dma_wait3A_17 = arith.constant 0 : i32
    %dma_wait3A_18 = tpu.memref_slice %arg5[%mul3A_0, %dma_wait3A_17] : memref<65536x128xi32, #tpu.memory_space<hbm>> -> memref<128x128xi32, #tpu.memory_space<hbm>>
    %dma_wait3A_19 = arith.constant 0 : i32
    %dma_wait3A_20 = tpu.memref_slice %arg5[%mul3A_0, %dma_wait3A_19] : memref<65536x128xi32, #tpu.memory_space<hbm>> -> memref<128x128xi32, #tpu.memory_space<hbm>>
    tpu.wait_dma2 semaphore(%arg14 : memref<!tpu.dma_semaphore, #tpu.memory_space<semaphore_mem>>) src(%arg10 : memref<128x128xi32, #tpu.memory_space<vmem>>) dst(%dma_wait3A_20 : memref<128x128xi32, #tpu.memory_space<hbm>>)
    return
  }
}

#map = affine_map<(d0, d1) -> (0, 0)>
#map1 = affine_map<(d0, d1) -> (0)>
module attributes {stable_mosaic.version = 14 : i64} {
  func.func @gather_k(%arg0: i32, %arg1: i32, %arg2: memref<10000x128xi32, #tpu.memory_space<hbm>>, %arg3: memref<321536xi32, #tpu.memory_space<hbm>>, %arg4: memref<321536xi32, #tpu.memory_space<hbm>>, %arg5: memref<65536x128xi32, #tpu.memory_space<hbm>>, %arg6: memref<65536x128xi32, #tpu.memory_space<hbm>>, %arg7: memref<8192xi32, #tpu.memory_space<vmem>>, %arg8: memref<10000x128xi32, #tpu.memory_space<vmem_shared>>, %arg9: memref<128x128xi32, #tpu.memory_space<vmem>>, %arg10: memref<128x128xi32, #tpu.memory_space<vmem>>, %arg11: memref<!tpu.dma_semaphore, #tpu.memory_space<semaphore_mem>>, %arg12: memref<!tpu.dma_semaphore, #tpu.memory_space<semaphore_mem>>, %arg13: memref<!tpu.dma_semaphore, #tpu.memory_space<semaphore_mem>>, %arg14: memref<!tpu.dma_semaphore, #tpu.memory_space<semaphore_mem>>, %arg15: memref<!tpu.dma_semaphore, #tpu.memory_space<semaphore_mem>>) attributes {dimension_semantics = [#tpu.dimension_semantics<core_parallel>, #tpu.dimension_semantics<subcore_parallel>], iteration_bounds = array<i64: 1, 16>, scalar_prefetch = 0 : i64, scratch_operands = 9 : i64, tpu.core_type = #tpu.core_type<sc_vector_subcore>, window_params = [{transform_indices = #map}, {transform_indices = #map1}, {transform_indices = #map1}, {transform_indices = #map}, {transform_indices = #map}]} {
    %mul3A = arith.constant 4096 : i32
    %mul3A_0 = arith.muli %arg1, %mul3A : i32
    %eq3A = arith.constant 0 : i32
    %eq3A_1 = arith.cmpi eq, %arg1, %eq3A : i32
    %convert_element_type3A = arith.extui %eq3A_1 : i1 to i32
    %cond3A = arith.constant 0 : i32
    %cond3A_2 = arith.cmpi ne, %convert_element_type3A, %cond3A : i32
    scf.if %cond3A_2 {
      tpu.enqueue_dma source(%arg2 : memref<10000x128xi32, #tpu.memory_space<hbm>>) target(%arg8 : memref<10000x128xi32, #tpu.memory_space<vmem_shared>>) target_semaphore(%arg15 : memref<!tpu.dma_semaphore, #tpu.memory_space<semaphore_mem>>)
      tpu.wait_dma2 semaphore(%arg15 : memref<!tpu.dma_semaphore, #tpu.memory_space<semaphore_mem>>) src(%arg2 : memref<10000x128xi32, #tpu.memory_space<hbm>>) dst(%arg8 : memref<10000x128xi32, #tpu.memory_space<vmem_shared>>)
    } else {
    }
    %add3A = arith.constant 0 : i32
    %add3A_3 = arith.addi %add3A, %mul3A_0 : i32
    "tpu.region"() ({
      %run_scoped3A = tpu.sem_alloc : memref<!tpu.dma_semaphore, #tpu.memory_space<semaphore_mem>>
      %dma_start3A_21 = arith.constant 0 : i32
      %dma_start3A_22 = tpu.memref_slice %arg7[%dma_start3A_21] : memref<8192xi32, #tpu.memory_space<vmem>> -> memref<4096xi32, #tpu.memory_space<vmem>>
      %dma_start3A_23 = tpu.memref_slice %arg3[%add3A_3] : memref<321536xi32, #tpu.memory_space<hbm>> -> memref<4096xi32, #tpu.memory_space<hbm>>
      %dma_start3A_24 = arith.constant 0 : i32
      %dma_start3A_25 = tpu.memref_slice %arg7[%dma_start3A_24] : memref<8192xi32, #tpu.memory_space<vmem>> -> memref<4096xi32, #tpu.memory_space<vmem>>
      %dma_start3A_26 = tpu.memref_slice %arg3[%add3A_3] : memref<321536xi32, #tpu.memory_space<hbm>> -> memref<4096xi32, #tpu.memory_space<hbm>>
      tpu.enqueue_dma source(%dma_start3A_26 : memref<4096xi32, #tpu.memory_space<hbm>>) target(%dma_start3A_25 : memref<4096xi32, #tpu.memory_space<vmem>>) target_semaphore(%run_scoped3A : memref<!tpu.dma_semaphore, #tpu.memory_space<semaphore_mem>>)
      %dma_wait3A_27 = arith.constant 0 : i32
      %dma_wait3A_28 = tpu.memref_slice %arg7[%dma_wait3A_27] : memref<8192xi32, #tpu.memory_space<vmem>> -> memref<4096xi32, #tpu.memory_space<vmem>>
      %dma_wait3A_29 = tpu.memref_slice %arg3[%add3A_3] : memref<321536xi32, #tpu.memory_space<hbm>> -> memref<4096xi32, #tpu.memory_space<hbm>>
      %dma_wait3A_30 = arith.constant 0 : i32
      %dma_wait3A_31 = tpu.memref_slice %arg7[%dma_wait3A_30] : memref<8192xi32, #tpu.memory_space<vmem>> -> memref<4096xi32, #tpu.memory_space<vmem>>
      %dma_wait3A_32 = tpu.memref_slice %arg3[%add3A_3] : memref<321536xi32, #tpu.memory_space<hbm>> -> memref<4096xi32, #tpu.memory_space<hbm>>
      tpu.wait_dma2 semaphore(%run_scoped3A : memref<!tpu.dma_semaphore, #tpu.memory_space<semaphore_mem>>) src(%dma_wait3A_32 : memref<4096xi32, #tpu.memory_space<hbm>>) dst(%dma_wait3A_31 : memref<4096xi32, #tpu.memory_space<vmem>>)
      tpu.yield
    }) : () -> ()
    %add3A_4 = arith.constant 0 : i32
    %add3A_5 = arith.addi %add3A_4, %mul3A_0 : i32
    "tpu.region"() ({
      %run_scoped3A = tpu.sem_alloc : memref<!tpu.dma_semaphore, #tpu.memory_space<semaphore_mem>>
      %dma_start3A_21 = arith.constant 4096 : i32
      %dma_start3A_22 = tpu.memref_slice %arg7[%dma_start3A_21] : memref<8192xi32, #tpu.memory_space<vmem>> -> memref<4096xi32, #tpu.memory_space<vmem>>
      %dma_start3A_23 = tpu.memref_slice %arg4[%add3A_5] : memref<321536xi32, #tpu.memory_space<hbm>> -> memref<4096xi32, #tpu.memory_space<hbm>>
      %dma_start3A_24 = arith.constant 4096 : i32
      %dma_start3A_25 = tpu.memref_slice %arg7[%dma_start3A_24] : memref<8192xi32, #tpu.memory_space<vmem>> -> memref<4096xi32, #tpu.memory_space<vmem>>
      %dma_start3A_26 = tpu.memref_slice %arg4[%add3A_5] : memref<321536xi32, #tpu.memory_space<hbm>> -> memref<4096xi32, #tpu.memory_space<hbm>>
      tpu.enqueue_dma source(%dma_start3A_26 : memref<4096xi32, #tpu.memory_space<hbm>>) target(%dma_start3A_25 : memref<4096xi32, #tpu.memory_space<vmem>>) target_semaphore(%run_scoped3A : memref<!tpu.dma_semaphore, #tpu.memory_space<semaphore_mem>>)
      %dma_wait3A_27 = arith.constant 4096 : i32
      %dma_wait3A_28 = tpu.memref_slice %arg7[%dma_wait3A_27] : memref<8192xi32, #tpu.memory_space<vmem>> -> memref<4096xi32, #tpu.memory_space<vmem>>
      %dma_wait3A_29 = tpu.memref_slice %arg4[%add3A_5] : memref<321536xi32, #tpu.memory_space<hbm>> -> memref<4096xi32, #tpu.memory_space<hbm>>
      %dma_wait3A_30 = arith.constant 4096 : i32
      %dma_wait3A_31 = tpu.memref_slice %arg7[%dma_wait3A_30] : memref<8192xi32, #tpu.memory_space<vmem>> -> memref<4096xi32, #tpu.memory_space<vmem>>
      %dma_wait3A_32 = tpu.memref_slice %arg4[%add3A_5] : memref<321536xi32, #tpu.memory_space<hbm>> -> memref<4096xi32, #tpu.memory_space<hbm>>
      tpu.wait_dma2 semaphore(%run_scoped3A : memref<!tpu.dma_semaphore, #tpu.memory_space<semaphore_mem>>) src(%dma_wait3A_32 : memref<4096xi32, #tpu.memory_space<hbm>>) dst(%dma_wait3A_31 : memref<4096xi32, #tpu.memory_space<vmem>>)
      tpu.yield
    }) : () -> ()
    %barrier3A = arith.constant 0 : index
    tpu.barrier barrier_id(%barrier3A)
    %dma_start3A = arith.constant 0 : i32
    %dma_start3A_6 = tpu.memref_slice %arg7[%dma_start3A] : memref<8192xi32, #tpu.memory_space<vmem>> -> memref<128xi32, #tpu.memory_space<vmem>>
    %dma_start3A_7 = arith.constant 0 : i32
    %dma_start3A_8 = arith.constant 0 : i32
    %dma_start3A_9 = tpu.memref_slice %arg8[%dma_start3A_7, %dma_start3A_8] : memref<10000x128xi32, #tpu.memory_space<vmem_shared>> -> memref<10000x128xi32, #tpu.memory_space<vmem_shared>>
    tpu.enqueue_indirect_dma source(%dma_start3A_9 : memref<10000x128xi32, #tpu.memory_space<vmem_shared>>) target(%arg9 : memref<128x128xi32, #tpu.memory_space<vmem>>) offsets(%dma_start3A_6 : memref<128xi32, #tpu.memory_space<vmem>>) semaphore(%arg11 : memref<!tpu.dma_semaphore, #tpu.memory_space<semaphore_mem>>)
    %scan3A = arith.constant 0 : i32
    %scan3A_10 = arith.constant 32 : i32
    %scan3A_11 = arith.addi %scan3A, %scan3A_10 : i32
    %scan3A_12 = arith.constant 1 : i32
    scf.for %scan3A_21 = %scan3A to %scan3A_11 step %scan3A_12  : i32 {
      %mul3A_22 = arith.constant 2 : i32
      %mul3A_23 = arith.muli %scan3A_21, %mul3A_22 : i32
      %add3A_24 = arith.constant 0 : i32
      %add3A_25 = arith.addi %add3A_24, %mul3A_23 : i32
      %add3A_26 = arith.constant 0 : i32
      %add3A_27 = arith.addi %add3A_25, %add3A_26 : i32
      %mul3A_28 = arith.constant 128 : i32
      %mul3A_29 = arith.muli %add3A_27, %mul3A_28 : i32
      %dma_wait3A_30 = tpu.memref_slice %arg7[%mul3A_29] : memref<8192xi32, #tpu.memory_space<vmem>> -> memref<128xi32, #tpu.memory_space<vmem>>
      %dma_wait3A_31 = arith.constant 0 : i32
      %dma_wait3A_32 = arith.constant 0 : i32
      %dma_wait3A_33 = tpu.memref_slice %arg8[%dma_wait3A_31, %dma_wait3A_32] : memref<10000x128xi32, #tpu.memory_space<vmem_shared>> -> memref<10000x128xi32, #tpu.memory_space<vmem_shared>>
      tpu.wait_indirect_dma semaphore(%arg11 : memref<!tpu.dma_semaphore, #tpu.memory_space<semaphore_mem>>) src(%dma_wait3A_33 : memref<10000x128xi32, #tpu.memory_space<vmem_shared>>) dst(%arg9 : memref<128x128xi32, #tpu.memory_space<vmem>>)
      %lt3A = arith.constant 32 : i32
      %lt3A_34 = arith.cmpi slt, %add3A_27, %lt3A : i32
      %convert_element_type3A_35 = arith.extui %lt3A_34 : i1 to i32
      %cond3A_36 = arith.constant 0 : i32
      %cond3A_37 = arith.cmpi ne, %convert_element_type3A_35, %cond3A_36 : i32
      scf.if %cond3A_37 {
        %mul3A_74 = arith.constant 128 : i32
        %mul3A_75 = arith.muli %add3A_27, %mul3A_74 : i32
        %add3A_76 = arith.addi %mul3A_0, %mul3A_75 : i32
        %dma_start3A_77 = arith.constant 0 : i32
        %dma_start3A_78 = tpu.memref_slice %arg5[%add3A_76, %dma_start3A_77] : memref<65536x128xi32, #tpu.memory_space<hbm>> -> memref<128x128xi32, #tpu.memory_space<hbm>>
        %dma_start3A_79 = arith.constant 0 : i32
        %dma_start3A_80 = tpu.memref_slice %arg5[%add3A_76, %dma_start3A_79] : memref<65536x128xi32, #tpu.memory_space<hbm>> -> memref<128x128xi32, #tpu.memory_space<hbm>>
        tpu.enqueue_dma source(%arg9 : memref<128x128xi32, #tpu.memory_space<vmem>>) target(%dma_start3A_80 : memref<128x128xi32, #tpu.memory_space<hbm>>) target_semaphore(%arg13 : memref<!tpu.dma_semaphore, #tpu.memory_space<semaphore_mem>>)
      } else {
      }
      %ge3A = arith.constant 32 : i32
      %ge3A_38 = arith.cmpi sge, %add3A_27, %ge3A : i32
      %convert_element_type3A_39 = arith.extui %ge3A_38 : i1 to i32
      %cond3A_40 = arith.constant 0 : i32
      %cond3A_41 = arith.cmpi ne, %convert_element_type3A_39, %cond3A_40 : i32
      scf.if %cond3A_41 {
        %sub3A = arith.constant 32 : i32
        %sub3A_74 = arith.subi %add3A_27, %sub3A : i32
        %mul3A_75 = arith.constant 128 : i32
        %mul3A_76 = arith.muli %sub3A_74, %mul3A_75 : i32
        %add3A_77 = arith.addi %mul3A_0, %mul3A_76 : i32
        %dma_start3A_78 = arith.constant 0 : i32
        %dma_start3A_79 = tpu.memref_slice %arg6[%add3A_77, %dma_start3A_78] : memref<65536x128xi32, #tpu.memory_space<hbm>> -> memref<128x128xi32, #tpu.memory_space<hbm>>
        %dma_start3A_80 = arith.constant 0 : i32
        %dma_start3A_81 = tpu.memref_slice %arg6[%add3A_77, %dma_start3A_80] : memref<65536x128xi32, #tpu.memory_space<hbm>> -> memref<128x128xi32, #tpu.memory_space<hbm>>
        tpu.enqueue_dma source(%arg9 : memref<128x128xi32, #tpu.memory_space<vmem>>) target(%dma_start3A_81 : memref<128x128xi32, #tpu.memory_space<hbm>>) target_semaphore(%arg13 : memref<!tpu.dma_semaphore, #tpu.memory_space<semaphore_mem>>)
      } else {
      }
      %add3A_42 = arith.constant 1 : i32
      %add3A_43 = arith.addi %add3A_27, %add3A_42 : i32
      %lt3A_44 = arith.constant 64 : i32
      %lt3A_45 = arith.cmpi slt, %add3A_43, %lt3A_44 : i32
      %convert_element_type3A_46 = arith.extui %lt3A_45 : i1 to i32
      %cond3A_47 = arith.constant 0 : i32
      %cond3A_48 = arith.cmpi ne, %convert_element_type3A_46, %cond3A_47 : i32
      scf.if %cond3A_48 {
        %ge3A_74 = arith.constant 1 : i32
        %ge3A_75 = arith.cmpi sge, %add3A_27, %ge3A_74 : i32
        %convert_element_type3A_76 = arith.extui %ge3A_75 : i1 to i32
        %cond3A_77 = arith.constant 0 : i32
        %cond3A_78 = arith.cmpi ne, %convert_element_type3A_76, %cond3A_77 : i32
        scf.if %cond3A_78 {
          %dma_wait3A_85 = arith.constant 0 : i32
          %dma_wait3A_86 = tpu.memref_slice %arg5[%mul3A_0, %dma_wait3A_85] : memref<65536x128xi32, #tpu.memory_space<hbm>> -> memref<128x128xi32, #tpu.memory_space<hbm>>
          %dma_wait3A_87 = arith.constant 0 : i32
          %dma_wait3A_88 = tpu.memref_slice %arg5[%mul3A_0, %dma_wait3A_87] : memref<65536x128xi32, #tpu.memory_space<hbm>> -> memref<128x128xi32, #tpu.memory_space<hbm>>
          tpu.wait_dma2 semaphore(%arg14 : memref<!tpu.dma_semaphore, #tpu.memory_space<semaphore_mem>>) src(%arg10 : memref<128x128xi32, #tpu.memory_space<vmem>>) dst(%dma_wait3A_88 : memref<128x128xi32, #tpu.memory_space<hbm>>)
        } else {
        }
        %mul3A_79 = arith.constant 128 : i32
        %mul3A_80 = arith.muli %add3A_43, %mul3A_79 : i32
        %dma_start3A_81 = tpu.memref_slice %arg7[%mul3A_80] : memref<8192xi32, #tpu.memory_space<vmem>> -> memref<128xi32, #tpu.memory_space<vmem>>
        %dma_start3A_82 = arith.constant 0 : i32
        %dma_start3A_83 = arith.constant 0 : i32
        %dma_start3A_84 = tpu.memref_slice %arg8[%dma_start3A_82, %dma_start3A_83] : memref<10000x128xi32, #tpu.memory_space<vmem_shared>> -> memref<10000x128xi32, #tpu.memory_space<vmem_shared>>
        tpu.enqueue_indirect_dma source(%dma_start3A_84 : memref<10000x128xi32, #tpu.memory_space<vmem_shared>>) target(%arg10 : memref<128x128xi32, #tpu.memory_space<vmem>>) offsets(%dma_start3A_81 : memref<128xi32, #tpu.memory_space<vmem>>) semaphore(%arg12 : memref<!tpu.dma_semaphore, #tpu.memory_space<semaphore_mem>>)
      } else {
      }
      %add3A_49 = arith.constant 1 : i32
      %add3A_50 = arith.addi %add3A_25, %add3A_49 : i32
      %mul3A_51 = arith.constant 128 : i32
      %mul3A_52 = arith.muli %add3A_50, %mul3A_51 : i32
      %dma_wait3A_53 = tpu.memref_slice %arg7[%mul3A_52] : memref<8192xi32, #tpu.memory_space<vmem>> -> memref<128xi32, #tpu.memory_space<vmem>>
      %dma_wait3A_54 = arith.constant 0 : i32
      %dma_wait3A_55 = arith.constant 0 : i32
      %dma_wait3A_56 = tpu.memref_slice %arg8[%dma_wait3A_54, %dma_wait3A_55] : memref<10000x128xi32, #tpu.memory_space<vmem_shared>> -> memref<10000x128xi32, #tpu.memory_space<vmem_shared>>
      tpu.wait_indirect_dma semaphore(%arg12 : memref<!tpu.dma_semaphore, #tpu.memory_space<semaphore_mem>>) src(%dma_wait3A_56 : memref<10000x128xi32, #tpu.memory_space<vmem_shared>>) dst(%arg10 : memref<128x128xi32, #tpu.memory_space<vmem>>)
      %lt3A_57 = arith.constant 32 : i32
      %lt3A_58 = arith.cmpi slt, %add3A_50, %lt3A_57 : i32
      %convert_element_type3A_59 = arith.extui %lt3A_58 : i1 to i32
      %cond3A_60 = arith.constant 0 : i32
      %cond3A_61 = arith.cmpi ne, %convert_element_type3A_59, %cond3A_60 : i32
      scf.if %cond3A_61 {
        %mul3A_74 = arith.constant 128 : i32
        %mul3A_75 = arith.muli %add3A_50, %mul3A_74 : i32
        %add3A_76 = arith.addi %mul3A_0, %mul3A_75 : i32
        %dma_start3A_77 = arith.constant 0 : i32
        %dma_start3A_78 = tpu.memref_slice %arg5[%add3A_76, %dma_start3A_77] : memref<65536x128xi32, #tpu.memory_space<hbm>> -> memref<128x128xi32, #tpu.memory_space<hbm>>
        %dma_start3A_79 = arith.constant 0 : i32
        %dma_start3A_80 = tpu.memref_slice %arg5[%add3A_76, %dma_start3A_79] : memref<65536x128xi32, #tpu.memory_space<hbm>> -> memref<128x128xi32, #tpu.memory_space<hbm>>
        tpu.enqueue_dma source(%arg10 : memref<128x128xi32, #tpu.memory_space<vmem>>) target(%dma_start3A_80 : memref<128x128xi32, #tpu.memory_space<hbm>>) target_semaphore(%arg14 : memref<!tpu.dma_semaphore, #tpu.memory_space<semaphore_mem>>)
      } else {
      }
      %ge3A_62 = arith.constant 32 : i32
      %ge3A_63 = arith.cmpi sge, %add3A_50, %ge3A_62 : i32
      %convert_element_type3A_64 = arith.extui %ge3A_63 : i1 to i32
      %cond3A_65 = arith.constant 0 : i32
      %cond3A_66 = arith.cmpi ne, %convert_element_type3A_64, %cond3A_65 : i32
      scf.if %cond3A_66 {
        %sub3A = arith.constant 32 : i32
        %sub3A_74 = arith.subi %add3A_50, %sub3A : i32
        %mul3A_75 = arith.constant 128 : i32
        %mul3A_76 = arith.muli %sub3A_74, %mul3A_75 : i32
        %add3A_77 = arith.addi %mul3A_0, %mul3A_76 : i32
        %dma_start3A_78 = arith.constant 0 : i32
        %dma_start3A_79 = tpu.memref_slice %arg6[%add3A_77, %dma_start3A_78] : memref<65536x128xi32, #tpu.memory_space<hbm>> -> memref<128x128xi32, #tpu.memory_space<hbm>>
        %dma_start3A_80 = arith.constant 0 : i32
        %dma_start3A_81 = tpu.memref_slice %arg6[%add3A_77, %dma_start3A_80] : memref<65536x128xi32, #tpu.memory_space<hbm>> -> memref<128x128xi32, #tpu.memory_space<hbm>>
        tpu.enqueue_dma source(%arg10 : memref<128x128xi32, #tpu.memory_space<vmem>>) target(%dma_start3A_81 : memref<128x128xi32, #tpu.memory_space<hbm>>) target_semaphore(%arg14 : memref<!tpu.dma_semaphore, #tpu.memory_space<semaphore_mem>>)
      } else {
      }
      %add3A_67 = arith.constant 1 : i32
      %add3A_68 = arith.addi %add3A_50, %add3A_67 : i32
      %lt3A_69 = arith.constant 64 : i32
      %lt3A_70 = arith.cmpi slt, %add3A_68, %lt3A_69 : i32
      %convert_element_type3A_71 = arith.extui %lt3A_70 : i1 to i32
      %cond3A_72 = arith.constant 0 : i32
      %cond3A_73 = arith.cmpi ne, %convert_element_type3A_71, %cond3A_72 : i32
      scf.if %cond3A_73 {
        %ge3A_74 = arith.constant 1 : i32
        %ge3A_75 = arith.cmpi sge, %add3A_50, %ge3A_74 : i32
        %convert_element_type3A_76 = arith.extui %ge3A_75 : i1 to i32
        %cond3A_77 = arith.constant 0 : i32
        %cond3A_78 = arith.cmpi ne, %convert_element_type3A_76, %cond3A_77 : i32
        scf.if %cond3A_78 {
          %dma_wait3A_85 = arith.constant 0 : i32
          %dma_wait3A_86 = tpu.memref_slice %arg5[%mul3A_0, %dma_wait3A_85] : memref<65536x128xi32, #tpu.memory_space<hbm>> -> memref<128x128xi32, #tpu.memory_space<hbm>>
          %dma_wait3A_87 = arith.constant 0 : i32
          %dma_wait3A_88 = tpu.memref_slice %arg5[%mul3A_0, %dma_wait3A_87] : memref<65536x128xi32, #tpu.memory_space<hbm>> -> memref<128x128xi32, #tpu.memory_space<hbm>>
          tpu.wait_dma2 semaphore(%arg13 : memref<!tpu.dma_semaphore, #tpu.memory_space<semaphore_mem>>) src(%arg9 : memref<128x128xi32, #tpu.memory_space<vmem>>) dst(%dma_wait3A_88 : memref<128x128xi32, #tpu.memory_space<hbm>>)
        } else {
        }
        %mul3A_79 = arith.constant 128 : i32
        %mul3A_80 = arith.muli %add3A_68, %mul3A_79 : i32
        %dma_start3A_81 = tpu.memref_slice %arg7[%mul3A_80] : memref<8192xi32, #tpu.memory_space<vmem>> -> memref<128xi32, #tpu.memory_space<vmem>>
        %dma_start3A_82 = arith.constant 0 : i32
        %dma_start3A_83 = arith.constant 0 : i32
        %dma_start3A_84 = tpu.memref_slice %arg8[%dma_start3A_82, %dma_start3A_83] : memref<10000x128xi32, #tpu.memory_space<vmem_shared>> -> memref<10000x128xi32, #tpu.memory_space<vmem_shared>>
        tpu.enqueue_indirect_dma source(%dma_start3A_84 : memref<10000x128xi32, #tpu.memory_space<vmem_shared>>) target(%arg9 : memref<128x128xi32, #tpu.memory_space<vmem>>) offsets(%dma_start3A_81 : memref<128xi32, #tpu.memory_space<vmem>>) semaphore(%arg11 : memref<!tpu.dma_semaphore, #tpu.memory_space<semaphore_mem>>)
      } else {
      }
    }
    %scan3A_13 = arith.constant 32 : i32
    %dma_wait3A = arith.constant 0 : i32
    %dma_wait3A_14 = tpu.memref_slice %arg5[%mul3A_0, %dma_wait3A] : memref<65536x128xi32, #tpu.memory_space<hbm>> -> memref<128x128xi32, #tpu.memory_space<hbm>>
    %dma_wait3A_15 = arith.constant 0 : i32
    %dma_wait3A_16 = tpu.memref_slice %arg5[%mul3A_0, %dma_wait3A_15] : memref<65536x128xi32, #tpu.memory_space<hbm>> -> memref<128x128xi32, #tpu.memory_space<hbm>>
    tpu.wait_dma2 semaphore(%arg13 : memref<!tpu.dma_semaphore, #tpu.memory_space<semaphore_mem>>) src(%arg9 : memref<128x128xi32, #tpu.memory_space<vmem>>) dst(%dma_wait3A_16 : memref<128x128xi32, #tpu.memory_space<hbm>>)
    %dma_wait3A_17 = arith.constant 0 : i32
    %dma_wait3A_18 = tpu.memref_slice %arg5[%mul3A_0, %dma_wait3A_17] : memref<65536x128xi32, #tpu.memory_space<hbm>> -> memref<128x128xi32, #tpu.memory_space<hbm>>
    %dma_wait3A_19 = arith.constant 0 : i32
    %dma_wait3A_20 = tpu.memref_slice %arg5[%mul3A_0, %dma_wait3A_19] : memref<65536x128xi32, #tpu.memory_space<hbm>> -> memref<128x128xi32, #tpu.memory_space<hbm>>
    tpu.wait_dma2 semaphore(%arg14 : memref<!tpu.dma_semaphore, #tpu.memory_space<semaphore_mem>>) src(%arg10 : memref<128x128xi32, #tpu.memory_space<vmem>>) dst(%dma_wait3A_20 : memref<128x128xi32, #tpu.memory_space<hbm>>)
    return
  }
}

#map = affine_map<(d0, d1) -> (0, 0)>
#map1 = affine_map<(d0, d1) -> (0)>
module attributes {stable_mosaic.version = 14 : i64} {
  func.func @gather_k(%arg0: i32, %arg1: i32, %arg2: memref<10000x128xi32, #tpu.memory_space<hbm>>, %arg3: memref<321536xi32, #tpu.memory_space<hbm>>, %arg4: memref<321536xi32, #tpu.memory_space<hbm>>, %arg5: memref<65536x128xi32, #tpu.memory_space<hbm>>, %arg6: memref<65536x128xi32, #tpu.memory_space<hbm>>, %arg7: memref<8192xi32, #tpu.memory_space<vmem>>, %arg8: memref<10000x128xi32, #tpu.memory_space<vmem_shared>>, %arg9: memref<128x128xi32, #tpu.memory_space<vmem>>, %arg10: memref<128x128xi32, #tpu.memory_space<vmem>>, %arg11: memref<!tpu.dma_semaphore, #tpu.memory_space<semaphore_mem>>, %arg12: memref<!tpu.dma_semaphore, #tpu.memory_space<semaphore_mem>>, %arg13: memref<!tpu.dma_semaphore, #tpu.memory_space<semaphore_mem>>, %arg14: memref<!tpu.dma_semaphore, #tpu.memory_space<semaphore_mem>>, %arg15: memref<!tpu.dma_semaphore, #tpu.memory_space<semaphore_mem>>) attributes {dimension_semantics = [#tpu.dimension_semantics<core_parallel>, #tpu.dimension_semantics<subcore_parallel>], iteration_bounds = array<i64: 1, 16>, scalar_prefetch = 0 : i64, scratch_operands = 9 : i64, tpu.core_type = #tpu.core_type<sc_vector_subcore>, window_params = [{transform_indices = #map}, {transform_indices = #map1}, {transform_indices = #map1}, {transform_indices = #map}, {transform_indices = #map}]} {
    %mul3A = arith.constant 4096 : i32
    %mul3A_0 = arith.muli %arg1, %mul3A : i32
    %eq3A = arith.constant 0 : i32
    %eq3A_1 = arith.cmpi eq, %arg1, %eq3A : i32
    %convert_element_type3A = arith.extui %eq3A_1 : i1 to i32
    %cond3A = arith.constant 0 : i32
    %cond3A_2 = arith.cmpi ne, %convert_element_type3A, %cond3A : i32
    scf.if %cond3A_2 {
      tpu.enqueue_dma source(%arg2 : memref<10000x128xi32, #tpu.memory_space<hbm>>) target(%arg8 : memref<10000x128xi32, #tpu.memory_space<vmem_shared>>) target_semaphore(%arg15 : memref<!tpu.dma_semaphore, #tpu.memory_space<semaphore_mem>>)
      tpu.wait_dma2 semaphore(%arg15 : memref<!tpu.dma_semaphore, #tpu.memory_space<semaphore_mem>>) src(%arg2 : memref<10000x128xi32, #tpu.memory_space<hbm>>) dst(%arg8 : memref<10000x128xi32, #tpu.memory_space<vmem_shared>>)
    } else {
    }
    %add3A = arith.constant 192000 : i32
    %add3A_3 = arith.addi %add3A, %mul3A_0 : i32
    "tpu.region"() ({
      %run_scoped3A = tpu.sem_alloc : memref<!tpu.dma_semaphore, #tpu.memory_space<semaphore_mem>>
      %dma_start3A_21 = arith.constant 0 : i32
      %dma_start3A_22 = tpu.memref_slice %arg7[%dma_start3A_21] : memref<8192xi32, #tpu.memory_space<vmem>> -> memref<4096xi32, #tpu.memory_space<vmem>>
      %dma_start3A_23 = tpu.memref_slice %arg3[%add3A_3] : memref<321536xi32, #tpu.memory_space<hbm>> -> memref<4096xi32, #tpu.memory_space<hbm>>
      %dma_start3A_24 = arith.constant 0 : i32
      %dma_start3A_25 = tpu.memref_slice %arg7[%dma_start3A_24] : memref<8192xi32, #tpu.memory_space<vmem>> -> memref<4096xi32, #tpu.memory_space<vmem>>
      %dma_start3A_26 = tpu.memref_slice %arg3[%add3A_3] : memref<321536xi32, #tpu.memory_space<hbm>> -> memref<4096xi32, #tpu.memory_space<hbm>>
      tpu.enqueue_dma source(%dma_start3A_26 : memref<4096xi32, #tpu.memory_space<hbm>>) target(%dma_start3A_25 : memref<4096xi32, #tpu.memory_space<vmem>>) target_semaphore(%run_scoped3A : memref<!tpu.dma_semaphore, #tpu.memory_space<semaphore_mem>>)
      %dma_wait3A_27 = arith.constant 0 : i32
      %dma_wait3A_28 = tpu.memref_slice %arg7[%dma_wait3A_27] : memref<8192xi32, #tpu.memory_space<vmem>> -> memref<4096xi32, #tpu.memory_space<vmem>>
      %dma_wait3A_29 = tpu.memref_slice %arg3[%add3A_3] : memref<321536xi32, #tpu.memory_space<hbm>> -> memref<4096xi32, #tpu.memory_space<hbm>>
      %dma_wait3A_30 = arith.constant 0 : i32
      %dma_wait3A_31 = tpu.memref_slice %arg7[%dma_wait3A_30] : memref<8192xi32, #tpu.memory_space<vmem>> -> memref<4096xi32, #tpu.memory_space<vmem>>
      %dma_wait3A_32 = tpu.memref_slice %arg3[%add3A_3] : memref<321536xi32, #tpu.memory_space<hbm>> -> memref<4096xi32, #tpu.memory_space<hbm>>
      tpu.wait_dma2 semaphore(%run_scoped3A : memref<!tpu.dma_semaphore, #tpu.memory_space<semaphore_mem>>) src(%dma_wait3A_32 : memref<4096xi32, #tpu.memory_space<hbm>>) dst(%dma_wait3A_31 : memref<4096xi32, #tpu.memory_space<vmem>>)
      tpu.yield
    }) : () -> ()
    %add3A_4 = arith.constant 192000 : i32
    %add3A_5 = arith.addi %add3A_4, %mul3A_0 : i32
    "tpu.region"() ({
      %run_scoped3A = tpu.sem_alloc : memref<!tpu.dma_semaphore, #tpu.memory_space<semaphore_mem>>
      %dma_start3A_21 = arith.constant 4096 : i32
      %dma_start3A_22 = tpu.memref_slice %arg7[%dma_start3A_21] : memref<8192xi32, #tpu.memory_space<vmem>> -> memref<4096xi32, #tpu.memory_space<vmem>>
      %dma_start3A_23 = tpu.memref_slice %arg4[%add3A_5] : memref<321536xi32, #tpu.memory_space<hbm>> -> memref<4096xi32, #tpu.memory_space<hbm>>
      %dma_start3A_24 = arith.constant 4096 : i32
      %dma_start3A_25 = tpu.memref_slice %arg7[%dma_start3A_24] : memref<8192xi32, #tpu.memory_space<vmem>> -> memref<4096xi32, #tpu.memory_space<vmem>>
      %dma_start3A_26 = tpu.memref_slice %arg4[%add3A_5] : memref<321536xi32, #tpu.memory_space<hbm>> -> memref<4096xi32, #tpu.memory_space<hbm>>
      tpu.enqueue_dma source(%dma_start3A_26 : memref<4096xi32, #tpu.memory_space<hbm>>) target(%dma_start3A_25 : memref<4096xi32, #tpu.memory_space<vmem>>) target_semaphore(%run_scoped3A : memref<!tpu.dma_semaphore, #tpu.memory_space<semaphore_mem>>)
      %dma_wait3A_27 = arith.constant 4096 : i32
      %dma_wait3A_28 = tpu.memref_slice %arg7[%dma_wait3A_27] : memref<8192xi32, #tpu.memory_space<vmem>> -> memref<4096xi32, #tpu.memory_space<vmem>>
      %dma_wait3A_29 = tpu.memref_slice %arg4[%add3A_5] : memref<321536xi32, #tpu.memory_space<hbm>> -> memref<4096xi32, #tpu.memory_space<hbm>>
      %dma_wait3A_30 = arith.constant 4096 : i32
      %dma_wait3A_31 = tpu.memref_slice %arg7[%dma_wait3A_30] : memref<8192xi32, #tpu.memory_space<vmem>> -> memref<4096xi32, #tpu.memory_space<vmem>>
      %dma_wait3A_32 = tpu.memref_slice %arg4[%add3A_5] : memref<321536xi32, #tpu.memory_space<hbm>> -> memref<4096xi32, #tpu.memory_space<hbm>>
      tpu.wait_dma2 semaphore(%run_scoped3A : memref<!tpu.dma_semaphore, #tpu.memory_space<semaphore_mem>>) src(%dma_wait3A_32 : memref<4096xi32, #tpu.memory_space<hbm>>) dst(%dma_wait3A_31 : memref<4096xi32, #tpu.memory_space<vmem>>)
      tpu.yield
    }) : () -> ()
    %barrier3A = arith.constant 0 : index
    tpu.barrier barrier_id(%barrier3A)
    %dma_start3A = arith.constant 0 : i32
    %dma_start3A_6 = tpu.memref_slice %arg7[%dma_start3A] : memref<8192xi32, #tpu.memory_space<vmem>> -> memref<128xi32, #tpu.memory_space<vmem>>
    %dma_start3A_7 = arith.constant 0 : i32
    %dma_start3A_8 = arith.constant 0 : i32
    %dma_start3A_9 = tpu.memref_slice %arg8[%dma_start3A_7, %dma_start3A_8] : memref<10000x128xi32, #tpu.memory_space<vmem_shared>> -> memref<10000x128xi32, #tpu.memory_space<vmem_shared>>
    tpu.enqueue_indirect_dma source(%dma_start3A_9 : memref<10000x128xi32, #tpu.memory_space<vmem_shared>>) target(%arg9 : memref<128x128xi32, #tpu.memory_space<vmem>>) offsets(%dma_start3A_6 : memref<128xi32, #tpu.memory_space<vmem>>) semaphore(%arg11 : memref<!tpu.dma_semaphore, #tpu.memory_space<semaphore_mem>>)
    %scan3A = arith.constant 0 : i32
    %scan3A_10 = arith.constant 32 : i32
    %scan3A_11 = arith.addi %scan3A, %scan3A_10 : i32
    %scan3A_12 = arith.constant 1 : i32
    scf.for %scan3A_21 = %scan3A to %scan3A_11 step %scan3A_12  : i32 {
      %mul3A_22 = arith.constant 2 : i32
      %mul3A_23 = arith.muli %scan3A_21, %mul3A_22 : i32
      %add3A_24 = arith.constant 0 : i32
      %add3A_25 = arith.addi %add3A_24, %mul3A_23 : i32
      %add3A_26 = arith.constant 0 : i32
      %add3A_27 = arith.addi %add3A_25, %add3A_26 : i32
      %mul3A_28 = arith.constant 128 : i32
      %mul3A_29 = arith.muli %add3A_27, %mul3A_28 : i32
      %dma_wait3A_30 = tpu.memref_slice %arg7[%mul3A_29] : memref<8192xi32, #tpu.memory_space<vmem>> -> memref<128xi32, #tpu.memory_space<vmem>>
      %dma_wait3A_31 = arith.constant 0 : i32
      %dma_wait3A_32 = arith.constant 0 : i32
      %dma_wait3A_33 = tpu.memref_slice %arg8[%dma_wait3A_31, %dma_wait3A_32] : memref<10000x128xi32, #tpu.memory_space<vmem_shared>> -> memref<10000x128xi32, #tpu.memory_space<vmem_shared>>
      tpu.wait_indirect_dma semaphore(%arg11 : memref<!tpu.dma_semaphore, #tpu.memory_space<semaphore_mem>>) src(%dma_wait3A_33 : memref<10000x128xi32, #tpu.memory_space<vmem_shared>>) dst(%arg9 : memref<128x128xi32, #tpu.memory_space<vmem>>)
      %lt3A = arith.constant 32 : i32
      %lt3A_34 = arith.cmpi slt, %add3A_27, %lt3A : i32
      %convert_element_type3A_35 = arith.extui %lt3A_34 : i1 to i32
      %cond3A_36 = arith.constant 0 : i32
      %cond3A_37 = arith.cmpi ne, %convert_element_type3A_35, %cond3A_36 : i32
      scf.if %cond3A_37 {
        %mul3A_74 = arith.constant 128 : i32
        %mul3A_75 = arith.muli %add3A_27, %mul3A_74 : i32
        %add3A_76 = arith.addi %mul3A_0, %mul3A_75 : i32
        %dma_start3A_77 = arith.constant 0 : i32
        %dma_start3A_78 = tpu.memref_slice %arg5[%add3A_76, %dma_start3A_77] : memref<65536x128xi32, #tpu.memory_space<hbm>> -> memref<128x128xi32, #tpu.memory_space<hbm>>
        %dma_start3A_79 = arith.constant 0 : i32
        %dma_start3A_80 = tpu.memref_slice %arg5[%add3A_76, %dma_start3A_79] : memref<65536x128xi32, #tpu.memory_space<hbm>> -> memref<128x128xi32, #tpu.memory_space<hbm>>
        tpu.enqueue_dma source(%arg9 : memref<128x128xi32, #tpu.memory_space<vmem>>) target(%dma_start3A_80 : memref<128x128xi32, #tpu.memory_space<hbm>>) target_semaphore(%arg13 : memref<!tpu.dma_semaphore, #tpu.memory_space<semaphore_mem>>)
      } else {
      }
      %ge3A = arith.constant 32 : i32
      %ge3A_38 = arith.cmpi sge, %add3A_27, %ge3A : i32
      %convert_element_type3A_39 = arith.extui %ge3A_38 : i1 to i32
      %cond3A_40 = arith.constant 0 : i32
      %cond3A_41 = arith.cmpi ne, %convert_element_type3A_39, %cond3A_40 : i32
      scf.if %cond3A_41 {
        %sub3A = arith.constant 32 : i32
        %sub3A_74 = arith.subi %add3A_27, %sub3A : i32
        %mul3A_75 = arith.constant 128 : i32
        %mul3A_76 = arith.muli %sub3A_74, %mul3A_75 : i32
        %add3A_77 = arith.addi %mul3A_0, %mul3A_76 : i32
        %dma_start3A_78 = arith.constant 0 : i32
        %dma_start3A_79 = tpu.memref_slice %arg6[%add3A_77, %dma_start3A_78] : memref<65536x128xi32, #tpu.memory_space<hbm>> -> memref<128x128xi32, #tpu.memory_space<hbm>>
        %dma_start3A_80 = arith.constant 0 : i32
        %dma_start3A_81 = tpu.memref_slice %arg6[%add3A_77, %dma_start3A_80] : memref<65536x128xi32, #tpu.memory_space<hbm>> -> memref<128x128xi32, #tpu.memory_space<hbm>>
        tpu.enqueue_dma source(%arg9 : memref<128x128xi32, #tpu.memory_space<vmem>>) target(%dma_start3A_81 : memref<128x128xi32, #tpu.memory_space<hbm>>) target_semaphore(%arg13 : memref<!tpu.dma_semaphore, #tpu.memory_space<semaphore_mem>>)
      } else {
      }
      %add3A_42 = arith.constant 1 : i32
      %add3A_43 = arith.addi %add3A_27, %add3A_42 : i32
      %lt3A_44 = arith.constant 64 : i32
      %lt3A_45 = arith.cmpi slt, %add3A_43, %lt3A_44 : i32
      %convert_element_type3A_46 = arith.extui %lt3A_45 : i1 to i32
      %cond3A_47 = arith.constant 0 : i32
      %cond3A_48 = arith.cmpi ne, %convert_element_type3A_46, %cond3A_47 : i32
      scf.if %cond3A_48 {
        %ge3A_74 = arith.constant 1 : i32
        %ge3A_75 = arith.cmpi sge, %add3A_27, %ge3A_74 : i32
        %convert_element_type3A_76 = arith.extui %ge3A_75 : i1 to i32
        %cond3A_77 = arith.constant 0 : i32
        %cond3A_78 = arith.cmpi ne, %convert_element_type3A_76, %cond3A_77 : i32
        scf.if %cond3A_78 {
          %dma_wait3A_85 = arith.constant 0 : i32
          %dma_wait3A_86 = tpu.memref_slice %arg5[%mul3A_0, %dma_wait3A_85] : memref<65536x128xi32, #tpu.memory_space<hbm>> -> memref<128x128xi32, #tpu.memory_space<hbm>>
          %dma_wait3A_87 = arith.constant 0 : i32
          %dma_wait3A_88 = tpu.memref_slice %arg5[%mul3A_0, %dma_wait3A_87] : memref<65536x128xi32, #tpu.memory_space<hbm>> -> memref<128x128xi32, #tpu.memory_space<hbm>>
          tpu.wait_dma2 semaphore(%arg14 : memref<!tpu.dma_semaphore, #tpu.memory_space<semaphore_mem>>) src(%arg10 : memref<128x128xi32, #tpu.memory_space<vmem>>) dst(%dma_wait3A_88 : memref<128x128xi32, #tpu.memory_space<hbm>>)
        } else {
        }
        %mul3A_79 = arith.constant 128 : i32
        %mul3A_80 = arith.muli %add3A_43, %mul3A_79 : i32
        %dma_start3A_81 = tpu.memref_slice %arg7[%mul3A_80] : memref<8192xi32, #tpu.memory_space<vmem>> -> memref<128xi32, #tpu.memory_space<vmem>>
        %dma_start3A_82 = arith.constant 0 : i32
        %dma_start3A_83 = arith.constant 0 : i32
        %dma_start3A_84 = tpu.memref_slice %arg8[%dma_start3A_82, %dma_start3A_83] : memref<10000x128xi32, #tpu.memory_space<vmem_shared>> -> memref<10000x128xi32, #tpu.memory_space<vmem_shared>>
        tpu.enqueue_indirect_dma source(%dma_start3A_84 : memref<10000x128xi32, #tpu.memory_space<vmem_shared>>) target(%arg10 : memref<128x128xi32, #tpu.memory_space<vmem>>) offsets(%dma_start3A_81 : memref<128xi32, #tpu.memory_space<vmem>>) semaphore(%arg12 : memref<!tpu.dma_semaphore, #tpu.memory_space<semaphore_mem>>)
      } else {
      }
      %add3A_49 = arith.constant 1 : i32
      %add3A_50 = arith.addi %add3A_25, %add3A_49 : i32
      %mul3A_51 = arith.constant 128 : i32
      %mul3A_52 = arith.muli %add3A_50, %mul3A_51 : i32
      %dma_wait3A_53 = tpu.memref_slice %arg7[%mul3A_52] : memref<8192xi32, #tpu.memory_space<vmem>> -> memref<128xi32, #tpu.memory_space<vmem>>
      %dma_wait3A_54 = arith.constant 0 : i32
      %dma_wait3A_55 = arith.constant 0 : i32
      %dma_wait3A_56 = tpu.memref_slice %arg8[%dma_wait3A_54, %dma_wait3A_55] : memref<10000x128xi32, #tpu.memory_space<vmem_shared>> -> memref<10000x128xi32, #tpu.memory_space<vmem_shared>>
      tpu.wait_indirect_dma semaphore(%arg12 : memref<!tpu.dma_semaphore, #tpu.memory_space<semaphore_mem>>) src(%dma_wait3A_56 : memref<10000x128xi32, #tpu.memory_space<vmem_shared>>) dst(%arg10 : memref<128x128xi32, #tpu.memory_space<vmem>>)
      %lt3A_57 = arith.constant 32 : i32
      %lt3A_58 = arith.cmpi slt, %add3A_50, %lt3A_57 : i32
      %convert_element_type3A_59 = arith.extui %lt3A_58 : i1 to i32
      %cond3A_60 = arith.constant 0 : i32
      %cond3A_61 = arith.cmpi ne, %convert_element_type3A_59, %cond3A_60 : i32
      scf.if %cond3A_61 {
        %mul3A_74 = arith.constant 128 : i32
        %mul3A_75 = arith.muli %add3A_50, %mul3A_74 : i32
        %add3A_76 = arith.addi %mul3A_0, %mul3A_75 : i32
        %dma_start3A_77 = arith.constant 0 : i32
        %dma_start3A_78 = tpu.memref_slice %arg5[%add3A_76, %dma_start3A_77] : memref<65536x128xi32, #tpu.memory_space<hbm>> -> memref<128x128xi32, #tpu.memory_space<hbm>>
        %dma_start3A_79 = arith.constant 0 : i32
        %dma_start3A_80 = tpu.memref_slice %arg5[%add3A_76, %dma_start3A_79] : memref<65536x128xi32, #tpu.memory_space<hbm>> -> memref<128x128xi32, #tpu.memory_space<hbm>>
        tpu.enqueue_dma source(%arg10 : memref<128x128xi32, #tpu.memory_space<vmem>>) target(%dma_start3A_80 : memref<128x128xi32, #tpu.memory_space<hbm>>) target_semaphore(%arg14 : memref<!tpu.dma_semaphore, #tpu.memory_space<semaphore_mem>>)
      } else {
      }
      %ge3A_62 = arith.constant 32 : i32
      %ge3A_63 = arith.cmpi sge, %add3A_50, %ge3A_62 : i32
      %convert_element_type3A_64 = arith.extui %ge3A_63 : i1 to i32
      %cond3A_65 = arith.constant 0 : i32
      %cond3A_66 = arith.cmpi ne, %convert_element_type3A_64, %cond3A_65 : i32
      scf.if %cond3A_66 {
        %sub3A = arith.constant 32 : i32
        %sub3A_74 = arith.subi %add3A_50, %sub3A : i32
        %mul3A_75 = arith.constant 128 : i32
        %mul3A_76 = arith.muli %sub3A_74, %mul3A_75 : i32
        %add3A_77 = arith.addi %mul3A_0, %mul3A_76 : i32
        %dma_start3A_78 = arith.constant 0 : i32
        %dma_start3A_79 = tpu.memref_slice %arg6[%add3A_77, %dma_start3A_78] : memref<65536x128xi32, #tpu.memory_space<hbm>> -> memref<128x128xi32, #tpu.memory_space<hbm>>
        %dma_start3A_80 = arith.constant 0 : i32
        %dma_start3A_81 = tpu.memref_slice %arg6[%add3A_77, %dma_start3A_80] : memref<65536x128xi32, #tpu.memory_space<hbm>> -> memref<128x128xi32, #tpu.memory_space<hbm>>
        tpu.enqueue_dma source(%arg10 : memref<128x128xi32, #tpu.memory_space<vmem>>) target(%dma_start3A_81 : memref<128x128xi32, #tpu.memory_space<hbm>>) target_semaphore(%arg14 : memref<!tpu.dma_semaphore, #tpu.memory_space<semaphore_mem>>)
      } else {
      }
      %add3A_67 = arith.constant 1 : i32
      %add3A_68 = arith.addi %add3A_50, %add3A_67 : i32
      %lt3A_69 = arith.constant 64 : i32
      %lt3A_70 = arith.cmpi slt, %add3A_68, %lt3A_69 : i32
      %convert_element_type3A_71 = arith.extui %lt3A_70 : i1 to i32
      %cond3A_72 = arith.constant 0 : i32
      %cond3A_73 = arith.cmpi ne, %convert_element_type3A_71, %cond3A_72 : i32
      scf.if %cond3A_73 {
        %ge3A_74 = arith.constant 1 : i32
        %ge3A_75 = arith.cmpi sge, %add3A_50, %ge3A_74 : i32
        %convert_element_type3A_76 = arith.extui %ge3A_75 : i1 to i32
        %cond3A_77 = arith.constant 0 : i32
        %cond3A_78 = arith.cmpi ne, %convert_element_type3A_76, %cond3A_77 : i32
        scf.if %cond3A_78 {
          %dma_wait3A_85 = arith.constant 0 : i32
          %dma_wait3A_86 = tpu.memref_slice %arg5[%mul3A_0, %dma_wait3A_85] : memref<65536x128xi32, #tpu.memory_space<hbm>> -> memref<128x128xi32, #tpu.memory_space<hbm>>
          %dma_wait3A_87 = arith.constant 0 : i32
          %dma_wait3A_88 = tpu.memref_slice %arg5[%mul3A_0, %dma_wait3A_87] : memref<65536x128xi32, #tpu.memory_space<hbm>> -> memref<128x128xi32, #tpu.memory_space<hbm>>
          tpu.wait_dma2 semaphore(%arg13 : memref<!tpu.dma_semaphore, #tpu.memory_space<semaphore_mem>>) src(%arg9 : memref<128x128xi32, #tpu.memory_space<vmem>>) dst(%dma_wait3A_88 : memref<128x128xi32, #tpu.memory_space<hbm>>)
        } else {
        }
        %mul3A_79 = arith.constant 128 : i32
        %mul3A_80 = arith.muli %add3A_68, %mul3A_79 : i32
        %dma_start3A_81 = tpu.memref_slice %arg7[%mul3A_80] : memref<8192xi32, #tpu.memory_space<vmem>> -> memref<128xi32, #tpu.memory_space<vmem>>
        %dma_start3A_82 = arith.constant 0 : i32
        %dma_start3A_83 = arith.constant 0 : i32
        %dma_start3A_84 = tpu.memref_slice %arg8[%dma_start3A_82, %dma_start3A_83] : memref<10000x128xi32, #tpu.memory_space<vmem_shared>> -> memref<10000x128xi32, #tpu.memory_space<vmem_shared>>
        tpu.enqueue_indirect_dma source(%dma_start3A_84 : memref<10000x128xi32, #tpu.memory_space<vmem_shared>>) target(%arg9 : memref<128x128xi32, #tpu.memory_space<vmem>>) offsets(%dma_start3A_81 : memref<128xi32, #tpu.memory_space<vmem>>) semaphore(%arg11 : memref<!tpu.dma_semaphore, #tpu.memory_space<semaphore_mem>>)
      } else {
      }
    }
    %scan3A_13 = arith.constant 32 : i32
    %dma_wait3A = arith.constant 0 : i32
    %dma_wait3A_14 = tpu.memref_slice %arg5[%mul3A_0, %dma_wait3A] : memref<65536x128xi32, #tpu.memory_space<hbm>> -> memref<128x128xi32, #tpu.memory_space<hbm>>
    %dma_wait3A_15 = arith.constant 0 : i32
    %dma_wait3A_16 = tpu.memref_slice %arg5[%mul3A_0, %dma_wait3A_15] : memref<65536x128xi32, #tpu.memory_space<hbm>> -> memref<128x128xi32, #tpu.memory_space<hbm>>
    tpu.wait_dma2 semaphore(%arg13 : memref<!tpu.dma_semaphore, #tpu.memory_space<semaphore_mem>>) src(%arg9 : memref<128x128xi32, #tpu.memory_space<vmem>>) dst(%dma_wait3A_16 : memref<128x128xi32, #tpu.memory_space<hbm>>)
    %dma_wait3A_17 = arith.constant 0 : i32
    %dma_wait3A_18 = tpu.memref_slice %arg5[%mul3A_0, %dma_wait3A_17] : memref<65536x128xi32, #tpu.memory_space<hbm>> -> memref<128x128xi32, #tpu.memory_space<hbm>>
    %dma_wait3A_19 = arith.constant 0 : i32
    %dma_wait3A_20 = tpu.memref_slice %arg5[%mul3A_0, %dma_wait3A_19] : memref<65536x128xi32, #tpu.memory_space<hbm>> -> memref<128x128xi32, #tpu.memory_space<hbm>>
    tpu.wait_dma2 semaphore(%arg14 : memref<!tpu.dma_semaphore, #tpu.memory_space<semaphore_mem>>) src(%arg10 : memref<128x128xi32, #tpu.memory_space<vmem>>) dst(%dma_wait3A_20 : memref<128x128xi32, #tpu.memory_space<hbm>>)
    return
  }
}

#map = affine_map<(d0, d1) -> (0, 0)>
#map1 = affine_map<(d0, d1) -> (0)>
module attributes {stable_mosaic.version = 14 : i64} {
  func.func @gather_k(%arg0: i32, %arg1: i32, %arg2: memref<10000x128xi32, #tpu.memory_space<hbm>>, %arg3: memref<321536xi32, #tpu.memory_space<hbm>>, %arg4: memref<321536xi32, #tpu.memory_space<hbm>>, %arg5: memref<65536x128xi32, #tpu.memory_space<hbm>>, %arg6: memref<65536x128xi32, #tpu.memory_space<hbm>>, %arg7: memref<8192xi32, #tpu.memory_space<vmem>>, %arg8: memref<10000x128xi32, #tpu.memory_space<vmem_shared>>, %arg9: memref<128x128xi32, #tpu.memory_space<vmem>>, %arg10: memref<128x128xi32, #tpu.memory_space<vmem>>, %arg11: memref<!tpu.dma_semaphore, #tpu.memory_space<semaphore_mem>>, %arg12: memref<!tpu.dma_semaphore, #tpu.memory_space<semaphore_mem>>, %arg13: memref<!tpu.dma_semaphore, #tpu.memory_space<semaphore_mem>>, %arg14: memref<!tpu.dma_semaphore, #tpu.memory_space<semaphore_mem>>, %arg15: memref<!tpu.dma_semaphore, #tpu.memory_space<semaphore_mem>>) attributes {dimension_semantics = [#tpu.dimension_semantics<core_parallel>, #tpu.dimension_semantics<subcore_parallel>], iteration_bounds = array<i64: 1, 16>, scalar_prefetch = 0 : i64, scratch_operands = 9 : i64, tpu.core_type = #tpu.core_type<sc_vector_subcore>, window_params = [{transform_indices = #map}, {transform_indices = #map1}, {transform_indices = #map1}, {transform_indices = #map}, {transform_indices = #map}]} {
    %mul3A = arith.constant 4096 : i32
    %mul3A_0 = arith.muli %arg1, %mul3A : i32
    %eq3A = arith.constant 0 : i32
    %eq3A_1 = arith.cmpi eq, %arg1, %eq3A : i32
    %convert_element_type3A = arith.extui %eq3A_1 : i1 to i32
    %cond3A = arith.constant 0 : i32
    %cond3A_2 = arith.cmpi ne, %convert_element_type3A, %cond3A : i32
    scf.if %cond3A_2 {
      tpu.enqueue_dma source(%arg2 : memref<10000x128xi32, #tpu.memory_space<hbm>>) target(%arg8 : memref<10000x128xi32, #tpu.memory_space<vmem_shared>>) target_semaphore(%arg15 : memref<!tpu.dma_semaphore, #tpu.memory_space<semaphore_mem>>)
      tpu.wait_dma2 semaphore(%arg15 : memref<!tpu.dma_semaphore, #tpu.memory_space<semaphore_mem>>) src(%arg2 : memref<10000x128xi32, #tpu.memory_space<hbm>>) dst(%arg8 : memref<10000x128xi32, #tpu.memory_space<vmem_shared>>)
    } else {
    }
    %add3A = arith.constant 256000 : i32
    %add3A_3 = arith.addi %add3A, %mul3A_0 : i32
    "tpu.region"() ({
      %run_scoped3A = tpu.sem_alloc : memref<!tpu.dma_semaphore, #tpu.memory_space<semaphore_mem>>
      %dma_start3A_21 = arith.constant 0 : i32
      %dma_start3A_22 = tpu.memref_slice %arg7[%dma_start3A_21] : memref<8192xi32, #tpu.memory_space<vmem>> -> memref<4096xi32, #tpu.memory_space<vmem>>
      %dma_start3A_23 = tpu.memref_slice %arg3[%add3A_3] : memref<321536xi32, #tpu.memory_space<hbm>> -> memref<4096xi32, #tpu.memory_space<hbm>>
      %dma_start3A_24 = arith.constant 0 : i32
      %dma_start3A_25 = tpu.memref_slice %arg7[%dma_start3A_24] : memref<8192xi32, #tpu.memory_space<vmem>> -> memref<4096xi32, #tpu.memory_space<vmem>>
      %dma_start3A_26 = tpu.memref_slice %arg3[%add3A_3] : memref<321536xi32, #tpu.memory_space<hbm>> -> memref<4096xi32, #tpu.memory_space<hbm>>
      tpu.enqueue_dma source(%dma_start3A_26 : memref<4096xi32, #tpu.memory_space<hbm>>) target(%dma_start3A_25 : memref<4096xi32, #tpu.memory_space<vmem>>) target_semaphore(%run_scoped3A : memref<!tpu.dma_semaphore, #tpu.memory_space<semaphore_mem>>)
      %dma_wait3A_27 = arith.constant 0 : i32
      %dma_wait3A_28 = tpu.memref_slice %arg7[%dma_wait3A_27] : memref<8192xi32, #tpu.memory_space<vmem>> -> memref<4096xi32, #tpu.memory_space<vmem>>
      %dma_wait3A_29 = tpu.memref_slice %arg3[%add3A_3] : memref<321536xi32, #tpu.memory_space<hbm>> -> memref<4096xi32, #tpu.memory_space<hbm>>
      %dma_wait3A_30 = arith.constant 0 : i32
      %dma_wait3A_31 = tpu.memref_slice %arg7[%dma_wait3A_30] : memref<8192xi32, #tpu.memory_space<vmem>> -> memref<4096xi32, #tpu.memory_space<vmem>>
      %dma_wait3A_32 = tpu.memref_slice %arg3[%add3A_3] : memref<321536xi32, #tpu.memory_space<hbm>> -> memref<4096xi32, #tpu.memory_space<hbm>>
      tpu.wait_dma2 semaphore(%run_scoped3A : memref<!tpu.dma_semaphore, #tpu.memory_space<semaphore_mem>>) src(%dma_wait3A_32 : memref<4096xi32, #tpu.memory_space<hbm>>) dst(%dma_wait3A_31 : memref<4096xi32, #tpu.memory_space<vmem>>)
      tpu.yield
    }) : () -> ()
    %add3A_4 = arith.constant 256000 : i32
    %add3A_5 = arith.addi %add3A_4, %mul3A_0 : i32
    "tpu.region"() ({
      %run_scoped3A = tpu.sem_alloc : memref<!tpu.dma_semaphore, #tpu.memory_space<semaphore_mem>>
      %dma_start3A_21 = arith.constant 4096 : i32
      %dma_start3A_22 = tpu.memref_slice %arg7[%dma_start3A_21] : memref<8192xi32, #tpu.memory_space<vmem>> -> memref<4096xi32, #tpu.memory_space<vmem>>
      %dma_start3A_23 = tpu.memref_slice %arg4[%add3A_5] : memref<321536xi32, #tpu.memory_space<hbm>> -> memref<4096xi32, #tpu.memory_space<hbm>>
      %dma_start3A_24 = arith.constant 4096 : i32
      %dma_start3A_25 = tpu.memref_slice %arg7[%dma_start3A_24] : memref<8192xi32, #tpu.memory_space<vmem>> -> memref<4096xi32, #tpu.memory_space<vmem>>
      %dma_start3A_26 = tpu.memref_slice %arg4[%add3A_5] : memref<321536xi32, #tpu.memory_space<hbm>> -> memref<4096xi32, #tpu.memory_space<hbm>>
      tpu.enqueue_dma source(%dma_start3A_26 : memref<4096xi32, #tpu.memory_space<hbm>>) target(%dma_start3A_25 : memref<4096xi32, #tpu.memory_space<vmem>>) target_semaphore(%run_scoped3A : memref<!tpu.dma_semaphore, #tpu.memory_space<semaphore_mem>>)
      %dma_wait3A_27 = arith.constant 4096 : i32
      %dma_wait3A_28 = tpu.memref_slice %arg7[%dma_wait3A_27] : memref<8192xi32, #tpu.memory_space<vmem>> -> memref<4096xi32, #tpu.memory_space<vmem>>
      %dma_wait3A_29 = tpu.memref_slice %arg4[%add3A_5] : memref<321536xi32, #tpu.memory_space<hbm>> -> memref<4096xi32, #tpu.memory_space<hbm>>
      %dma_wait3A_30 = arith.constant 4096 : i32
      %dma_wait3A_31 = tpu.memref_slice %arg7[%dma_wait3A_30] : memref<8192xi32, #tpu.memory_space<vmem>> -> memref<4096xi32, #tpu.memory_space<vmem>>
      %dma_wait3A_32 = tpu.memref_slice %arg4[%add3A_5] : memref<321536xi32, #tpu.memory_space<hbm>> -> memref<4096xi32, #tpu.memory_space<hbm>>
      tpu.wait_dma2 semaphore(%run_scoped3A : memref<!tpu.dma_semaphore, #tpu.memory_space<semaphore_mem>>) src(%dma_wait3A_32 : memref<4096xi32, #tpu.memory_space<hbm>>) dst(%dma_wait3A_31 : memref<4096xi32, #tpu.memory_space<vmem>>)
      tpu.yield
    }) : () -> ()
    %barrier3A = arith.constant 0 : index
    tpu.barrier barrier_id(%barrier3A)
    %dma_start3A = arith.constant 0 : i32
    %dma_start3A_6 = tpu.memref_slice %arg7[%dma_start3A] : memref<8192xi32, #tpu.memory_space<vmem>> -> memref<128xi32, #tpu.memory_space<vmem>>
    %dma_start3A_7 = arith.constant 0 : i32
    %dma_start3A_8 = arith.constant 0 : i32
    %dma_start3A_9 = tpu.memref_slice %arg8[%dma_start3A_7, %dma_start3A_8] : memref<10000x128xi32, #tpu.memory_space<vmem_shared>> -> memref<10000x128xi32, #tpu.memory_space<vmem_shared>>
    tpu.enqueue_indirect_dma source(%dma_start3A_9 : memref<10000x128xi32, #tpu.memory_space<vmem_shared>>) target(%arg9 : memref<128x128xi32, #tpu.memory_space<vmem>>) offsets(%dma_start3A_6 : memref<128xi32, #tpu.memory_space<vmem>>) semaphore(%arg11 : memref<!tpu.dma_semaphore, #tpu.memory_space<semaphore_mem>>)
    %scan3A = arith.constant 0 : i32
    %scan3A_10 = arith.constant 32 : i32
    %scan3A_11 = arith.addi %scan3A, %scan3A_10 : i32
    %scan3A_12 = arith.constant 1 : i32
    scf.for %scan3A_21 = %scan3A to %scan3A_11 step %scan3A_12  : i32 {
      %mul3A_22 = arith.constant 2 : i32
      %mul3A_23 = arith.muli %scan3A_21, %mul3A_22 : i32
      %add3A_24 = arith.constant 0 : i32
      %add3A_25 = arith.addi %add3A_24, %mul3A_23 : i32
      %add3A_26 = arith.constant 0 : i32
      %add3A_27 = arith.addi %add3A_25, %add3A_26 : i32
      %mul3A_28 = arith.constant 128 : i32
      %mul3A_29 = arith.muli %add3A_27, %mul3A_28 : i32
      %dma_wait3A_30 = tpu.memref_slice %arg7[%mul3A_29] : memref<8192xi32, #tpu.memory_space<vmem>> -> memref<128xi32, #tpu.memory_space<vmem>>
      %dma_wait3A_31 = arith.constant 0 : i32
      %dma_wait3A_32 = arith.constant 0 : i32
      %dma_wait3A_33 = tpu.memref_slice %arg8[%dma_wait3A_31, %dma_wait3A_32] : memref<10000x128xi32, #tpu.memory_space<vmem_shared>> -> memref<10000x128xi32, #tpu.memory_space<vmem_shared>>
      tpu.wait_indirect_dma semaphore(%arg11 : memref<!tpu.dma_semaphore, #tpu.memory_space<semaphore_mem>>) src(%dma_wait3A_33 : memref<10000x128xi32, #tpu.memory_space<vmem_shared>>) dst(%arg9 : memref<128x128xi32, #tpu.memory_space<vmem>>)
      %lt3A = arith.constant 32 : i32
      %lt3A_34 = arith.cmpi slt, %add3A_27, %lt3A : i32
      %convert_element_type3A_35 = arith.extui %lt3A_34 : i1 to i32
      %cond3A_36 = arith.constant 0 : i32
      %cond3A_37 = arith.cmpi ne, %convert_element_type3A_35, %cond3A_36 : i32
      scf.if %cond3A_37 {
        %mul3A_74 = arith.constant 128 : i32
        %mul3A_75 = arith.muli %add3A_27, %mul3A_74 : i32
        %add3A_76 = arith.addi %mul3A_0, %mul3A_75 : i32
        %dma_start3A_77 = arith.constant 0 : i32
        %dma_start3A_78 = tpu.memref_slice %arg5[%add3A_76, %dma_start3A_77] : memref<65536x128xi32, #tpu.memory_space<hbm>> -> memref<128x128xi32, #tpu.memory_space<hbm>>
        %dma_start3A_79 = arith.constant 0 : i32
        %dma_start3A_80 = tpu.memref_slice %arg5[%add3A_76, %dma_start3A_79] : memref<65536x128xi32, #tpu.memory_space<hbm>> -> memref<128x128xi32, #tpu.memory_space<hbm>>
        tpu.enqueue_dma source(%arg9 : memref<128x128xi32, #tpu.memory_space<vmem>>) target(%dma_start3A_80 : memref<128x128xi32, #tpu.memory_space<hbm>>) target_semaphore(%arg13 : memref<!tpu.dma_semaphore, #tpu.memory_space<semaphore_mem>>)
      } else {
      }
      %ge3A = arith.constant 32 : i32
      %ge3A_38 = arith.cmpi sge, %add3A_27, %ge3A : i32
      %convert_element_type3A_39 = arith.extui %ge3A_38 : i1 to i32
      %cond3A_40 = arith.constant 0 : i32
      %cond3A_41 = arith.cmpi ne, %convert_element_type3A_39, %cond3A_40 : i32
      scf.if %cond3A_41 {
        %sub3A = arith.constant 32 : i32
        %sub3A_74 = arith.subi %add3A_27, %sub3A : i32
        %mul3A_75 = arith.constant 128 : i32
        %mul3A_76 = arith.muli %sub3A_74, %mul3A_75 : i32
        %add3A_77 = arith.addi %mul3A_0, %mul3A_76 : i32
        %dma_start3A_78 = arith.constant 0 : i32
        %dma_start3A_79 = tpu.memref_slice %arg6[%add3A_77, %dma_start3A_78] : memref<65536x128xi32, #tpu.memory_space<hbm>> -> memref<128x128xi32, #tpu.memory_space<hbm>>
        %dma_start3A_80 = arith.constant 0 : i32
        %dma_start3A_81 = tpu.memref_slice %arg6[%add3A_77, %dma_start3A_80] : memref<65536x128xi32, #tpu.memory_space<hbm>> -> memref<128x128xi32, #tpu.memory_space<hbm>>
        tpu.enqueue_dma source(%arg9 : memref<128x128xi32, #tpu.memory_space<vmem>>) target(%dma_start3A_81 : memref<128x128xi32, #tpu.memory_space<hbm>>) target_semaphore(%arg13 : memref<!tpu.dma_semaphore, #tpu.memory_space<semaphore_mem>>)
      } else {
      }
      %add3A_42 = arith.constant 1 : i32
      %add3A_43 = arith.addi %add3A_27, %add3A_42 : i32
      %lt3A_44 = arith.constant 64 : i32
      %lt3A_45 = arith.cmpi slt, %add3A_43, %lt3A_44 : i32
      %convert_element_type3A_46 = arith.extui %lt3A_45 : i1 to i32
      %cond3A_47 = arith.constant 0 : i32
      %cond3A_48 = arith.cmpi ne, %convert_element_type3A_46, %cond3A_47 : i32
      scf.if %cond3A_48 {
        %ge3A_74 = arith.constant 1 : i32
        %ge3A_75 = arith.cmpi sge, %add3A_27, %ge3A_74 : i32
        %convert_element_type3A_76 = arith.extui %ge3A_75 : i1 to i32
        %cond3A_77 = arith.constant 0 : i32
        %cond3A_78 = arith.cmpi ne, %convert_element_type3A_76, %cond3A_77 : i32
        scf.if %cond3A_78 {
          %dma_wait3A_85 = arith.constant 0 : i32
          %dma_wait3A_86 = tpu.memref_slice %arg5[%mul3A_0, %dma_wait3A_85] : memref<65536x128xi32, #tpu.memory_space<hbm>> -> memref<128x128xi32, #tpu.memory_space<hbm>>
          %dma_wait3A_87 = arith.constant 0 : i32
          %dma_wait3A_88 = tpu.memref_slice %arg5[%mul3A_0, %dma_wait3A_87] : memref<65536x128xi32, #tpu.memory_space<hbm>> -> memref<128x128xi32, #tpu.memory_space<hbm>>
          tpu.wait_dma2 semaphore(%arg14 : memref<!tpu.dma_semaphore, #tpu.memory_space<semaphore_mem>>) src(%arg10 : memref<128x128xi32, #tpu.memory_space<vmem>>) dst(%dma_wait3A_88 : memref<128x128xi32, #tpu.memory_space<hbm>>)
        } else {
        }
        %mul3A_79 = arith.constant 128 : i32
        %mul3A_80 = arith.muli %add3A_43, %mul3A_79 : i32
        %dma_start3A_81 = tpu.memref_slice %arg7[%mul3A_80] : memref<8192xi32, #tpu.memory_space<vmem>> -> memref<128xi32, #tpu.memory_space<vmem>>
        %dma_start3A_82 = arith.constant 0 : i32
        %dma_start3A_83 = arith.constant 0 : i32
        %dma_start3A_84 = tpu.memref_slice %arg8[%dma_start3A_82, %dma_start3A_83] : memref<10000x128xi32, #tpu.memory_space<vmem_shared>> -> memref<10000x128xi32, #tpu.memory_space<vmem_shared>>
        tpu.enqueue_indirect_dma source(%dma_start3A_84 : memref<10000x128xi32, #tpu.memory_space<vmem_shared>>) target(%arg10 : memref<128x128xi32, #tpu.memory_space<vmem>>) offsets(%dma_start3A_81 : memref<128xi32, #tpu.memory_space<vmem>>) semaphore(%arg12 : memref<!tpu.dma_semaphore, #tpu.memory_space<semaphore_mem>>)
      } else {
      }
      %add3A_49 = arith.constant 1 : i32
      %add3A_50 = arith.addi %add3A_25, %add3A_49 : i32
      %mul3A_51 = arith.constant 128 : i32
      %mul3A_52 = arith.muli %add3A_50, %mul3A_51 : i32
      %dma_wait3A_53 = tpu.memref_slice %arg7[%mul3A_52] : memref<8192xi32, #tpu.memory_space<vmem>> -> memref<128xi32, #tpu.memory_space<vmem>>
      %dma_wait3A_54 = arith.constant 0 : i32
      %dma_wait3A_55 = arith.constant 0 : i32
      %dma_wait3A_56 = tpu.memref_slice %arg8[%dma_wait3A_54, %dma_wait3A_55] : memref<10000x128xi32, #tpu.memory_space<vmem_shared>> -> memref<10000x128xi32, #tpu.memory_space<vmem_shared>>
      tpu.wait_indirect_dma semaphore(%arg12 : memref<!tpu.dma_semaphore, #tpu.memory_space<semaphore_mem>>) src(%dma_wait3A_56 : memref<10000x128xi32, #tpu.memory_space<vmem_shared>>) dst(%arg10 : memref<128x128xi32, #tpu.memory_space<vmem>>)
      %lt3A_57 = arith.constant 32 : i32
      %lt3A_58 = arith.cmpi slt, %add3A_50, %lt3A_57 : i32
      %convert_element_type3A_59 = arith.extui %lt3A_58 : i1 to i32
      %cond3A_60 = arith.constant 0 : i32
      %cond3A_61 = arith.cmpi ne, %convert_element_type3A_59, %cond3A_60 : i32
      scf.if %cond3A_61 {
        %mul3A_74 = arith.constant 128 : i32
        %mul3A_75 = arith.muli %add3A_50, %mul3A_74 : i32
        %add3A_76 = arith.addi %mul3A_0, %mul3A_75 : i32
        %dma_start3A_77 = arith.constant 0 : i32
        %dma_start3A_78 = tpu.memref_slice %arg5[%add3A_76, %dma_start3A_77] : memref<65536x128xi32, #tpu.memory_space<hbm>> -> memref<128x128xi32, #tpu.memory_space<hbm>>
        %dma_start3A_79 = arith.constant 0 : i32
        %dma_start3A_80 = tpu.memref_slice %arg5[%add3A_76, %dma_start3A_79] : memref<65536x128xi32, #tpu.memory_space<hbm>> -> memref<128x128xi32, #tpu.memory_space<hbm>>
        tpu.enqueue_dma source(%arg10 : memref<128x128xi32, #tpu.memory_space<vmem>>) target(%dma_start3A_80 : memref<128x128xi32, #tpu.memory_space<hbm>>) target_semaphore(%arg14 : memref<!tpu.dma_semaphore, #tpu.memory_space<semaphore_mem>>)
      } else {
      }
      %ge3A_62 = arith.constant 32 : i32
      %ge3A_63 = arith.cmpi sge, %add3A_50, %ge3A_62 : i32
      %convert_element_type3A_64 = arith.extui %ge3A_63 : i1 to i32
      %cond3A_65 = arith.constant 0 : i32
      %cond3A_66 = arith.cmpi ne, %convert_element_type3A_64, %cond3A_65 : i32
      scf.if %cond3A_66 {
        %sub3A = arith.constant 32 : i32
        %sub3A_74 = arith.subi %add3A_50, %sub3A : i32
        %mul3A_75 = arith.constant 128 : i32
        %mul3A_76 = arith.muli %sub3A_74, %mul3A_75 : i32
        %add3A_77 = arith.addi %mul3A_0, %mul3A_76 : i32
        %dma_start3A_78 = arith.constant 0 : i32
        %dma_start3A_79 = tpu.memref_slice %arg6[%add3A_77, %dma_start3A_78] : memref<65536x128xi32, #tpu.memory_space<hbm>> -> memref<128x128xi32, #tpu.memory_space<hbm>>
        %dma_start3A_80 = arith.constant 0 : i32
        %dma_start3A_81 = tpu.memref_slice %arg6[%add3A_77, %dma_start3A_80] : memref<65536x128xi32, #tpu.memory_space<hbm>> -> memref<128x128xi32, #tpu.memory_space<hbm>>
        tpu.enqueue_dma source(%arg10 : memref<128x128xi32, #tpu.memory_space<vmem>>) target(%dma_start3A_81 : memref<128x128xi32, #tpu.memory_space<hbm>>) target_semaphore(%arg14 : memref<!tpu.dma_semaphore, #tpu.memory_space<semaphore_mem>>)
      } else {
      }
      %add3A_67 = arith.constant 1 : i32
      %add3A_68 = arith.addi %add3A_50, %add3A_67 : i32
      %lt3A_69 = arith.constant 64 : i32
      %lt3A_70 = arith.cmpi slt, %add3A_68, %lt3A_69 : i32
      %convert_element_type3A_71 = arith.extui %lt3A_70 : i1 to i32
      %cond3A_72 = arith.constant 0 : i32
      %cond3A_73 = arith.cmpi ne, %convert_element_type3A_71, %cond3A_72 : i32
      scf.if %cond3A_73 {
        %ge3A_74 = arith.constant 1 : i32
        %ge3A_75 = arith.cmpi sge, %add3A_50, %ge3A_74 : i32
        %convert_element_type3A_76 = arith.extui %ge3A_75 : i1 to i32
        %cond3A_77 = arith.constant 0 : i32
        %cond3A_78 = arith.cmpi ne, %convert_element_type3A_76, %cond3A_77 : i32
        scf.if %cond3A_78 {
          %dma_wait3A_85 = arith.constant 0 : i32
          %dma_wait3A_86 = tpu.memref_slice %arg5[%mul3A_0, %dma_wait3A_85] : memref<65536x128xi32, #tpu.memory_space<hbm>> -> memref<128x128xi32, #tpu.memory_space<hbm>>
          %dma_wait3A_87 = arith.constant 0 : i32
          %dma_wait3A_88 = tpu.memref_slice %arg5[%mul3A_0, %dma_wait3A_87] : memref<65536x128xi32, #tpu.memory_space<hbm>> -> memref<128x128xi32, #tpu.memory_space<hbm>>
          tpu.wait_dma2 semaphore(%arg13 : memref<!tpu.dma_semaphore, #tpu.memory_space<semaphore_mem>>) src(%arg9 : memref<128x128xi32, #tpu.memory_space<vmem>>) dst(%dma_wait3A_88 : memref<128x128xi32, #tpu.memory_space<hbm>>)
        } else {
        }
        %mul3A_79 = arith.constant 128 : i32
        %mul3A_80 = arith.muli %add3A_68, %mul3A_79 : i32
        %dma_start3A_81 = tpu.memref_slice %arg7[%mul3A_80] : memref<8192xi32, #tpu.memory_space<vmem>> -> memref<128xi32, #tpu.memory_space<vmem>>
        %dma_start3A_82 = arith.constant 0 : i32
        %dma_start3A_83 = arith.constant 0 : i32
        %dma_start3A_84 = tpu.memref_slice %arg8[%dma_start3A_82, %dma_start3A_83] : memref<10000x128xi32, #tpu.memory_space<vmem_shared>> -> memref<10000x128xi32, #tpu.memory_space<vmem_shared>>
        tpu.enqueue_indirect_dma source(%dma_start3A_84 : memref<10000x128xi32, #tpu.memory_space<vmem_shared>>) target(%arg9 : memref<128x128xi32, #tpu.memory_space<vmem>>) offsets(%dma_start3A_81 : memref<128xi32, #tpu.memory_space<vmem>>) semaphore(%arg11 : memref<!tpu.dma_semaphore, #tpu.memory_space<semaphore_mem>>)
      } else {
      }
    }
    %scan3A_13 = arith.constant 32 : i32
    %dma_wait3A = arith.constant 0 : i32
    %dma_wait3A_14 = tpu.memref_slice %arg5[%mul3A_0, %dma_wait3A] : memref<65536x128xi32, #tpu.memory_space<hbm>> -> memref<128x128xi32, #tpu.memory_space<hbm>>
    %dma_wait3A_15 = arith.constant 0 : i32
    %dma_wait3A_16 = tpu.memref_slice %arg5[%mul3A_0, %dma_wait3A_15] : memref<65536x128xi32, #tpu.memory_space<hbm>> -> memref<128x128xi32, #tpu.memory_space<hbm>>
    tpu.wait_dma2 semaphore(%arg13 : memref<!tpu.dma_semaphore, #tpu.memory_space<semaphore_mem>>) src(%arg9 : memref<128x128xi32, #tpu.memory_space<vmem>>) dst(%dma_wait3A_16 : memref<128x128xi32, #tpu.memory_space<hbm>>)
    %dma_wait3A_17 = arith.constant 0 : i32
    %dma_wait3A_18 = tpu.memref_slice %arg5[%mul3A_0, %dma_wait3A_17] : memref<65536x128xi32, #tpu.memory_space<hbm>> -> memref<128x128xi32, #tpu.memory_space<hbm>>
    %dma_wait3A_19 = arith.constant 0 : i32
    %dma_wait3A_20 = tpu.memref_slice %arg5[%mul3A_0, %dma_wait3A_19] : memref<65536x128xi32, #tpu.memory_space<hbm>> -> memref<128x128xi32, #tpu.memory_space<hbm>>
    tpu.wait_dma2 semaphore(%arg14 : memref<!tpu.dma_semaphore, #tpu.memory_space<semaphore_mem>>) src(%arg10 : memref<128x128xi32, #tpu.memory_space<vmem>>) dst(%dma_wait3A_20 : memref<128x128xi32, #tpu.memory_space<hbm>>)
    return
  }
}

module attributes {stable_mosaic.version = 14 : i64} {
  func.func @body(%arg0: memref<10000x128xf32, #tpu.memory_space<vmem>>, %arg1: memref<128x128xf32, #tpu.memory_space<vmem>>, %arg2: memref<128x128xf32, #tpu.memory_space<vmem>>, %arg3: memref<10000x128xi32, #tpu.memory_space<vmem>>) attributes {dimension_semantics = [], scalar_prefetch = 0 : i64, scratch_operands = 0 : i64, tpu.core_type = #tpu.core_type<tc>} {
    %get3A = arith.constant 0 : index
    %get3A_0 = arith.constant 0 : index
    %get3A_1 = vector.load %arg0[%get3A, %get3A_0] : memref<10000x128xf32, #tpu.memory_space<vmem>>, vector<10000x128xf32>
    %get3A_2 = arith.constant 0 : index
    %get3A_3 = arith.constant 0 : index
    %get3A_4 = vector.load %arg1[%get3A_2, %get3A_3] : memref<128x128xf32, #tpu.memory_space<vmem>>, vector<128x128xf32>
    %dot_general3A = arith.constant dense<0.000000e+00> : vector<10000x128xf32>
    %dot_general3A_5 = tpu.matmul %get3A_1, %get3A_4, %dot_general3A {dimension_numbers = #tpu.dot_dimension_numbers<[1], [0], [0], [1], [0, 0, 1, 1], [], []>, transpose_lhs_hint = false} : vector<10000x128xf32>, vector<128x128xf32>, vector<10000x128xf32> -> vector<10000x128xf32>
    %get3A_6 = arith.constant 0 : index
    %get3A_7 = arith.constant 0 : index
    %get3A_8 = vector.load %arg2[%get3A_6, %get3A_7] : memref<128x128xf32, #tpu.memory_space<vmem>>, vector<128x128xf32>
    %dot_general3A_9 = arith.constant dense<0.000000e+00> : vector<10000x128xf32>
    %dot_general3A_10 = tpu.matmul %get3A_1, %get3A_8, %dot_general3A_9 {dimension_numbers = #tpu.dot_dimension_numbers<[1], [0], [0], [1], [0, 0, 1, 1], [], []>, transpose_lhs_hint = false} : vector<10000x128xf32>, vector<128x128xf32>, vector<10000x128xf32> -> vector<10000x128xf32>
    %convert_element_type3A = arith.truncf %dot_general3A_5 : vector<10000x128xf32> to vector<10000x128xbf16>
    %convert_element_type3A_11 = arith.extf %convert_element_type3A : vector<10000x128xbf16> to vector<10000x128xf32>
    %bitcast_convert_type3A = tpu.bitcast %convert_element_type3A_11 : vector<10000x128xf32> -> vector<10000x128xi32>
    %convert_element_type3A_12 = arith.truncf %dot_general3A_10 : vector<10000x128xf32> to vector<10000x128xbf16>
    %convert_element_type3A_13 = arith.extf %convert_element_type3A_12 : vector<10000x128xbf16> to vector<10000x128xf32>
    %bitcast_convert_type3A_14 = tpu.bitcast %convert_element_type3A_13 : vector<10000x128xf32> -> vector<10000x128xi32>
    %shift_right_logical3A = arith.constant 16 : i32
    %shift_right_logical3A_15 = vector.broadcast %shift_right_logical3A : i32 to vector<10000x128xi32>
    %shift_right_logical3A_16 = arith.shrui %bitcast_convert_type3A, %shift_right_logical3A_15 : vector<10000x128xi32>
    %and3A = arith.constant -65536 : i32
    %and3A_17 = vector.broadcast %and3A : i32 to vector<10000x128xi32>
    %and3A_18 = arith.andi %bitcast_convert_type3A_14, %and3A_17 : vector<10000x128xi32>
    %or3A = arith.ori %shift_right_logical3A_16, %and3A_18 : vector<10000x128xi32>
    %swap3A = arith.constant 0 : index
    %swap3A_19 = arith.constant 0 : index
    %swap3A_20 = vector.load %arg3[%swap3A, %swap3A_19] : memref<10000x128xi32, #tpu.memory_space<vmem>>, vector<10000x128xi32>
    tpu.vector_store %arg3[%swap3A, %swap3A_19], %or3A {strides = array<i32>} : memref<10000x128xi32, #tpu.memory_space<vmem>>, vector<10000x128xi32>,
    return
  }
}

module attributes {stable_mosaic.version = 14 : i64} {
  func.func @body(%arg0: i32, %arg1: memref<4000x128xf32, #tpu.memory_space<vmem>>, %arg2: memref<4000x128xi32, #tpu.memory_space<vmem>>, %arg3: memref<4000x128xi32, #tpu.memory_space<vmem>>, %arg4: memref<128x128xbf16, #tpu.memory_space<vmem>>, %arg5: memref<128x128xbf16, #tpu.memory_space<vmem>>, %arg6: memref<1x128xf32, #tpu.memory_space<vmem>>, %arg7: memref<1x128xf32, #tpu.memory_space<vmem>>, %arg8: memref<1x128xf32, #tpu.memory_space<vmem>>, %arg9: memref<1x128xf32, #tpu.memory_space<vmem>>, %arg10: memref<320000x128xf32, #tpu.memory_space<any>>, %arg11: memref<4000x128xf32, #tpu.memory_space<vmem>>) attributes {dimension_semantics = [#tpu.dimension_semantics<arbitrary>], iteration_bounds = array<i64: 16>, scalar_prefetch = 0 : i64, scratch_operands = 0 : i64, tpu.core_type = #tpu.core_type<tc>, window_params = [{transform_indices = @transform_0, window_bounds = array<i64: 4000, 128>}, {transform_indices = @transform_1, window_bounds = array<i64: 4000, 128>}, {transform_indices = @transform_2, window_bounds = array<i64: 4000, 128>}, {pipeline_mode = #tpu.pipeline_mode<synchronous>, transform_indices = @transform_3, window_bounds = array<i64: 128, 128>}, {pipeline_mode = #tpu.pipeline_mode<synchronous>, transform_indices = @transform_4, window_bounds = array<i64: 128, 128>}, {pipeline_mode = #tpu.pipeline_mode<synchronous>, transform_indices = @transform_5, window_bounds = array<i64: 1, 128>}, {pipeline_mode = #tpu.pipeline_mode<synchronous>, transform_indices = @transform_6, window_bounds = array<i64: 1, 128>}, {pipeline_mode = #tpu.pipeline_mode<synchronous>, transform_indices = @transform_7, window_bounds = array<i64: 1, 128>}, {pipeline_mode = #tpu.pipeline_mode<synchronous>, transform_indices = @transform_8, window_bounds = array<i64: 1, 128>}, {}, {transform_indices = @transform_10, window_bounds = array<i64: 4000, 128>}]} {
    %get3A = arith.constant 0 : index
    %get3A_0 = arith.constant 0 : index
    %get3A_1 = vector.load %arg1[%get3A, %get3A_0] : memref<4000x128xf32, #tpu.memory_space<vmem>>, vector<4000x128xf32>
    %get3A_2 = arith.constant 0 : index
    %get3A_3 = arith.constant 0 : index
    %get3A_4 = vector.load %arg2[%get3A_2, %get3A_3] : memref<4000x128xi32, #tpu.memory_space<vmem>>, vector<4000x128xi32>
    %shift_left3A = arith.constant 16 : i32
    %shift_left3A_5 = vector.broadcast %shift_left3A : i32 to vector<4000x128xi32>
    %shift_left3A_6 = arith.shli %get3A_4, %shift_left3A_5 : vector<4000x128xi32>
    %bitcast_convert_type3A = tpu.bitcast %shift_left3A_6 : vector<4000x128xi32> -> vector<4000x128xf32>
    %get3A_7 = arith.constant 0 : index
    %get3A_8 = arith.constant 0 : index
    %get3A_9 = vector.load %arg3[%get3A_7, %get3A_8] : memref<4000x128xi32, #tpu.memory_space<vmem>>, vector<4000x128xi32>
    %and3A = arith.constant -65536 : i32
    %and3A_10 = vector.broadcast %and3A : i32 to vector<4000x128xi32>
    %and3A_11 = arith.andi %get3A_9, %and3A_10 : vector<4000x128xi32>
    %bitcast_convert_type3A_12 = tpu.bitcast %and3A_11 : vector<4000x128xi32> -> vector<4000x128xf32>
    %convert_element_type3A = arith.truncf %get3A_1 : vector<4000x128xf32> to vector<4000x128xbf16>
    %get3A_13 = arith.constant 0 : index
    %get3A_14 = arith.constant 0 : index
    %get3A_15 = vector.load %arg4[%get3A_13, %get3A_14] : memref<128x128xbf16, #tpu.memory_space<vmem>>, vector<128x128xbf16>
    %dot_general3A = arith.constant dense<0.000000e+00> : vector<4000x128xf32>
    %dot_general3A_16 = tpu.matmul %convert_element_type3A, %get3A_15, %dot_general3A {dimension_numbers = #tpu.dot_dimension_numbers<[1], [0], [0], [1], [0, 0, 1, 1], [], []>, transpose_lhs_hint = false} : vector<4000x128xbf16>, vector<128x128xbf16>, vector<4000x128xf32> -> vector<4000x128xf32>
    %add3A = arith.addf %dot_general3A_16, %bitcast_convert_type3A : vector<4000x128xf32>
    %add3A_17 = arith.addf %add3A, %bitcast_convert_type3A_12 : vector<4000x128xf32>
    %get3A_18 = arith.constant 0 : index
    %get3A_19 = arith.constant 0 : index
    %get3A_20 = vector.load %arg6[%get3A_18, %get3A_19] : memref<1x128xf32, #tpu.memory_space<vmem>>, vector<1x128xf32>
    %add3A_21 = vector.broadcast %get3A_20 : vector<1x128xf32> to vector<4000x128xf32>
    %add3A_22 = arith.addf %add3A_17, %add3A_21 : vector<4000x128xf32>
    %logistic3A = arith.negf %add3A_22 : vector<4000x128xf32>
    %logistic3A_23 = math.exp %logistic3A : vector<4000x128xf32>
    %logistic3A_24 = arith.constant 1.000000e+00 : f32
    %logistic3A_25 = vector.broadcast %logistic3A_24 : f32 to vector<4000x128xf32>
    %logistic3A_26 = arith.addf %logistic3A_25, %logistic3A_23 : vector<4000x128xf32>
    %logistic3A_27 = arith.divf %logistic3A_25, %logistic3A_26 : vector<4000x128xf32>
    %mul3A = arith.mulf %add3A_22, %logistic3A_27 : vector<4000x128xf32>
    %convert_element_type3A_28 = arith.truncf %mul3A : vector<4000x128xf32> to vector<4000x128xbf16>
    %get3A_29 = arith.constant 0 : index
    %get3A_30 = arith.constant 0 : index
    %get3A_31 = vector.load %arg5[%get3A_29, %get3A_30] : memref<128x128xbf16, #tpu.memory_space<vmem>>, vector<128x128xbf16>
    %dot_general3A_32 = arith.constant dense<0.000000e+00> : vector<4000x128xf32>
    %dot_general3A_33 = tpu.matmul %convert_element_type3A_28, %get3A_31, %dot_general3A_32 {dimension_numbers = #tpu.dot_dimension_numbers<[1], [0], [0], [1], [0, 0, 1, 1], [], []>, transpose_lhs_hint = false} : vector<4000x128xbf16>, vector<128x128xbf16>, vector<4000x128xf32> -> vector<4000x128xf32>
    %get3A_34 = arith.constant 0 : index
    %get3A_35 = arith.constant 0 : index
    %get3A_36 = vector.load %arg7[%get3A_34, %get3A_35] : memref<1x128xf32, #tpu.memory_space<vmem>>, vector<1x128xf32>
    %add3A_37 = vector.broadcast %get3A_36 : vector<1x128xf32> to vector<4000x128xf32>
    %add3A_38 = arith.addf %dot_general3A_33, %add3A_37 : vector<4000x128xf32>
    %reduce_sum3A = arith.constant dense<0.000000e+00> : vector<4000xf32>
    %reduce_sum3A_39 = vector.multi_reduction <add>, %add3A_38, %reduce_sum3A [1] : vector<4000x128xf32> to vector<4000xf32>
    %broadcast_in_dim3A = vector.shape_cast %reduce_sum3A_39 : vector<4000xf32> to vector<4000x1xf32>
    %div3A = arith.constant 1.280000e+02 : f32
    %div3A_40 = vector.broadcast %div3A : f32 to vector<4000x1xf32>
    %div3A_41 = arith.divf %broadcast_in_dim3A, %div3A_40 : vector<4000x1xf32>
    %sub3A = vector.broadcast %div3A_41 : vector<4000x1xf32> to vector<4000x128xf32>
    %sub3A_42 = arith.subf %add3A_38, %sub3A : vector<4000x128xf32>
    %sub3A_43 = vector.broadcast %div3A_41 : vector<4000x1xf32> to vector<4000x128xf32>
    %sub3A_44 = arith.subf %add3A_38, %sub3A_43 : vector<4000x128xf32>
    %mul3A_45 = arith.mulf %sub3A_42, %sub3A_44 : vector<4000x128xf32>
    %reduce_sum3A_46 = arith.constant dense<0.000000e+00> : vector<4000xf32>
    %reduce_sum3A_47 = vector.multi_reduction <add>, %mul3A_45, %reduce_sum3A_46 [1] : vector<4000x128xf32> to vector<4000xf32>
    %broadcast_in_dim3A_48 = vector.shape_cast %reduce_sum3A_47 : vector<4000xf32> to vector<4000x1xf32>
    %div3A_49 = arith.constant 1.280000e+02 : f32
    %div3A_50 = vector.broadcast %div3A_49 : f32 to vector<4000x1xf32>
    %div3A_51 = arith.divf %broadcast_in_dim3A_48, %div3A_50 : vector<4000x1xf32>
    %sub3A_52 = vector.broadcast %div3A_41 : vector<4000x1xf32> to vector<4000x128xf32>
    %sub3A_53 = arith.subf %add3A_38, %sub3A_52 : vector<4000x128xf32>
    %add3A_54 = arith.constant 9.99999974E-6 : f32
    %add3A_55 = vector.broadcast %add3A_54 : f32 to vector<4000x1xf32>
    %add3A_56 = arith.addf %div3A_51, %add3A_55 : vector<4000x1xf32>
    %rsqrt3A = math.rsqrt %add3A_56 : vector<4000x1xf32>
    %mul3A_57 = vector.broadcast %rsqrt3A : vector<4000x1xf32> to vector<4000x128xf32>
    %mul3A_58 = arith.mulf %sub3A_53, %mul3A_57 : vector<4000x128xf32>
    %get3A_59 = arith.constant 0 : index
    %get3A_60 = arith.constant 0 : index
    %get3A_61 = vector.load %arg8[%get3A_59, %get3A_60] : memref<1x128xf32, #tpu.memory_space<vmem>>, vector<1x128xf32>
    %mul3A_62 = vector.broadcast %get3A_61 : vector<1x128xf32> to vector<4000x128xf32>
    %mul3A_63 = arith.mulf %mul3A_58, %mul3A_62 : vector<4000x128xf32>
    %get3A_64 = arith.constant 0 : index
    %get3A_65 = arith.constant 0 : index
    %get3A_66 = vector.load %arg9[%get3A_64, %get3A_65] : memref<1x128xf32, #tpu.memory_space<vmem>>, vector<1x128xf32>
    %add3A_67 = vector.broadcast %get3A_66 : vector<1x128xf32> to vector<4000x128xf32>
    %add3A_68 = arith.addf %mul3A_63, %add3A_67 : vector<4000x128xf32>
    %add3A_69 = arith.addf %add3A_68, %get3A_1 : vector<4000x128xf32>
    %swap3A = arith.constant 0 : index
    %swap3A_70 = arith.constant 0 : index
    %swap3A_71 = vector.load %arg11[%swap3A, %swap3A_70] : memref<4000x128xf32, #tpu.memory_space<vmem>>, vector<4000x128xf32>
    tpu.vector_store %arg11[%swap3A, %swap3A_70], %add3A_69 {strides = array<i32>} : memref<4000x128xf32, #tpu.memory_space<vmem>>, vector<4000x128xf32>,
    return
  }
  func.func @transform_0(%arg0: i32) -> (i32, i32) {
    %add3A = arith.constant 16 : i32
    %add3A_0 = arith.addi %add3A, %arg0 : i32
    %c0_i32 = arith.constant 0 : i32
    %c0_i32_1 = arith.constant 0 : i32
    return %add3A_0, %c0_i32 : i32, i32
  }
  func.func @transform_1(%arg0: i32) -> (i32, i32) {
    %c0_i32 = arith.constant 0 : i32
    %c0_i32_0 = arith.constant 0 : i32
    return %arg0, %c0_i32 : i32, i32
  }
  func.func @transform_2(%arg0: i32) -> (i32, i32) {
    %c0_i32 = arith.constant 0 : i32
    %c0_i32_0 = arith.constant 0 : i32
    return %arg0, %c0_i32 : i32, i32
  }
  func.func @transform_3(%arg0: i32) -> (i32, i32) {
    %c0_i32 = arith.constant 0 : i32
    %c0_i32_0 = arith.constant 0 : i32
    %c0_i32_1 = arith.constant 0 : i32
    return %c0_i32, %c0_i32_0 : i32, i32
  }
  func.func @transform_4(%arg0: i32) -> (i32, i32) {
    %c0_i32 = arith.constant 0 : i32
    %c0_i32_0 = arith.constant 0 : i32
    %c0_i32_1 = arith.constant 0 : i32
    return %c0_i32, %c0_i32_0 : i32, i32
  }
  func.func @transform_5(%arg0: i32) -> (i32, i32) {
    %c0_i32 = arith.constant 0 : i32
    %c0_i32_0 = arith.constant 0 : i32
    %c0_i32_1 = arith.constant 0 : i32
    return %c0_i32, %c0_i32_0 : i32, i32
  }
  func.func @transform_6(%arg0: i32) -> (i32, i32) {
    %c0_i32 = arith.constant 0 : i32
    %c0_i32_0 = arith.constant 0 : i32
    %c0_i32_1 = arith.constant 0 : i32
    return %c0_i32, %c0_i32_0 : i32, i32
  }
  func.func @transform_7(%arg0: i32) -> (i32, i32) {
    %c0_i32 = arith.constant 0 : i32
    %c0_i32_0 = arith.constant 0 : i32
    %c0_i32_1 = arith.constant 0 : i32
    return %c0_i32, %c0_i32_0 : i32, i32
  }
  func.func @transform_8(%arg0: i32) -> (i32, i32) {
    %c0_i32 = arith.constant 0 : i32
    %c0_i32_0 = arith.constant 0 : i32
    %c0_i32_1 = arith.constant 0 : i32
    return %c0_i32, %c0_i32_0 : i32, i32
  }
  func.func @transform_10(%arg0: i32) -> (i32, i32) {
    %add3A = arith.constant 16 : i32
    %add3A_0 = arith.addi %add3A, %arg0 : i32
    %c0_i32 = arith.constant 0 : i32
    %c0_i32_1 = arith.constant 0 : i32
    return %add3A_0, %c0_i32 : i32, i32
  }
}

module attributes {stable_mosaic.version = 14 : i64} {
  func.func @_mlp_core(%arg0: i32, %arg1: memref<4000x128xf32, #tpu.memory_space<vmem>>, %arg2: memref<4000x128xi32, #tpu.memory_space<vmem>>, %arg3: memref<4000x128xi32, #tpu.memory_space<vmem>>, %arg4: memref<128x128xbf16, #tpu.memory_space<vmem>>, %arg5: memref<128x128xbf16, #tpu.memory_space<vmem>>, %arg6: memref<1x128xf32, #tpu.memory_space<vmem>>, %arg7: memref<1x128xf32, #tpu.memory_space<vmem>>, %arg8: memref<1x128xf32, #tpu.memory_space<vmem>>, %arg9: memref<1x128xf32, #tpu.memory_space<vmem>>, %arg10: memref<4000x128xf32, #tpu.memory_space<vmem>>) attributes {dimension_semantics = [#tpu.dimension_semantics<arbitrary>], iteration_bounds = array<i64: 16>, scalar_prefetch = 0 : i64, scratch_operands = 0 : i64, tpu.core_type = #tpu.core_type<tc>, window_params = [{transform_indices = @transform_0, window_bounds = array<i64: 4000, 128>}, {transform_indices = @transform_1, window_bounds = array<i64: 4000, 128>}, {transform_indices = @transform_2, window_bounds = array<i64: 4000, 128>}, {pipeline_mode = #tpu.pipeline_mode<synchronous>, transform_indices = @transform_3, window_bounds = array<i64: 128, 128>}, {pipeline_mode = #tpu.pipeline_mode<synchronous>, transform_indices = @transform_4, window_bounds = array<i64: 128, 128>}, {pipeline_mode = #tpu.pipeline_mode<synchronous>, transform_indices = @transform_5, window_bounds = array<i64: 1, 128>}, {pipeline_mode = #tpu.pipeline_mode<synchronous>, transform_indices = @transform_6, window_bounds = array<i64: 1, 128>}, {pipeline_mode = #tpu.pipeline_mode<synchronous>, transform_indices = @transform_7, window_bounds = array<i64: 1, 128>}, {pipeline_mode = #tpu.pipeline_mode<synchronous>, transform_indices = @transform_8, window_bounds = array<i64: 1, 128>}, {transform_indices = @transform_9, window_bounds = array<i64: 4000, 128>}]} {
    %get3A = arith.constant 0 : index
    %get3A_0 = arith.constant 0 : index
    %get3A_1 = vector.load %arg1[%get3A, %get3A_0] : memref<4000x128xf32, #tpu.memory_space<vmem>>, vector<4000x128xf32>
    %get3A_2 = arith.constant 0 : index
    %get3A_3 = arith.constant 0 : index
    %get3A_4 = vector.load %arg2[%get3A_2, %get3A_3] : memref<4000x128xi32, #tpu.memory_space<vmem>>, vector<4000x128xi32>
    %shift_left3A = arith.constant 16 : i32
    %shift_left3A_5 = vector.broadcast %shift_left3A : i32 to vector<4000x128xi32>
    %shift_left3A_6 = arith.shli %get3A_4, %shift_left3A_5 : vector<4000x128xi32>
    %bitcast_convert_type3A = tpu.bitcast %shift_left3A_6 : vector<4000x128xi32> -> vector<4000x128xf32>
    %get3A_7 = arith.constant 0 : index
    %get3A_8 = arith.constant 0 : index
    %get3A_9 = vector.load %arg3[%get3A_7, %get3A_8] : memref<4000x128xi32, #tpu.memory_space<vmem>>, vector<4000x128xi32>
    %and3A = arith.constant -65536 : i32
    %and3A_10 = vector.broadcast %and3A : i32 to vector<4000x128xi32>
    %and3A_11 = arith.andi %get3A_9, %and3A_10 : vector<4000x128xi32>
    %bitcast_convert_type3A_12 = tpu.bitcast %and3A_11 : vector<4000x128xi32> -> vector<4000x128xf32>
    %convert_element_type3A = arith.truncf %get3A_1 : vector<4000x128xf32> to vector<4000x128xbf16>
    %get3A_13 = arith.constant 0 : index
    %get3A_14 = arith.constant 0 : index
    %get3A_15 = vector.load %arg4[%get3A_13, %get3A_14] : memref<128x128xbf16, #tpu.memory_space<vmem>>, vector<128x128xbf16>
    %dot_general3A = arith.constant dense<0.000000e+00> : vector<4000x128xf32>
    %dot_general3A_16 = tpu.matmul %convert_element_type3A, %get3A_15, %dot_general3A {dimension_numbers = #tpu.dot_dimension_numbers<[1], [0], [0], [1], [0, 0, 1, 1], [], []>, transpose_lhs_hint = false} : vector<4000x128xbf16>, vector<128x128xbf16>, vector<4000x128xf32> -> vector<4000x128xf32>
    %add3A = arith.addf %dot_general3A_16, %bitcast_convert_type3A : vector<4000x128xf32>
    %add3A_17 = arith.addf %add3A, %bitcast_convert_type3A_12 : vector<4000x128xf32>
    %get3A_18 = arith.constant 0 : index
    %get3A_19 = arith.constant 0 : index
    %get3A_20 = vector.load %arg6[%get3A_18, %get3A_19] : memref<1x128xf32, #tpu.memory_space<vmem>>, vector<1x128xf32>
    %add3A_21 = vector.broadcast %get3A_20 : vector<1x128xf32> to vector<4000x128xf32>
    %add3A_22 = arith.addf %add3A_17, %add3A_21 : vector<4000x128xf32>
    %logistic3A = arith.negf %add3A_22 : vector<4000x128xf32>
    %logistic3A_23 = math.exp %logistic3A : vector<4000x128xf32>
    %logistic3A_24 = arith.constant 1.000000e+00 : f32
    %logistic3A_25 = vector.broadcast %logistic3A_24 : f32 to vector<4000x128xf32>
    %logistic3A_26 = arith.addf %logistic3A_25, %logistic3A_23 : vector<4000x128xf32>
    %logistic3A_27 = arith.divf %logistic3A_25, %logistic3A_26 : vector<4000x128xf32>
    %mul3A = arith.mulf %add3A_22, %logistic3A_27 : vector<4000x128xf32>
    %convert_element_type3A_28 = arith.truncf %mul3A : vector<4000x128xf32> to vector<4000x128xbf16>
    %get3A_29 = arith.constant 0 : index
    %get3A_30 = arith.constant 0 : index
    %get3A_31 = vector.load %arg5[%get3A_29, %get3A_30] : memref<128x128xbf16, #tpu.memory_space<vmem>>, vector<128x128xbf16>
    %dot_general3A_32 = arith.constant dense<0.000000e+00> : vector<4000x128xf32>
    %dot_general3A_33 = tpu.matmul %convert_element_type3A_28, %get3A_31, %dot_general3A_32 {dimension_numbers = #tpu.dot_dimension_numbers<[1], [0], [0], [1], [0, 0, 1, 1], [], []>, transpose_lhs_hint = false} : vector<4000x128xbf16>, vector<128x128xbf16>, vector<4000x128xf32> -> vector<4000x128xf32>
    %get3A_34 = arith.constant 0 : index
    %get3A_35 = arith.constant 0 : index
    %get3A_36 = vector.load %arg7[%get3A_34, %get3A_35] : memref<1x128xf32, #tpu.memory_space<vmem>>, vector<1x128xf32>
    %add3A_37 = vector.broadcast %get3A_36 : vector<1x128xf32> to vector<4000x128xf32>
    %add3A_38 = arith.addf %dot_general3A_33, %add3A_37 : vector<4000x128xf32>
    %reduce_sum3A = arith.constant dense<0.000000e+00> : vector<4000xf32>
    %reduce_sum3A_39 = vector.multi_reduction <add>, %add3A_38, %reduce_sum3A [1] : vector<4000x128xf32> to vector<4000xf32>
    %broadcast_in_dim3A = vector.shape_cast %reduce_sum3A_39 : vector<4000xf32> to vector<4000x1xf32>
    %div3A = arith.constant 1.280000e+02 : f32
    %div3A_40 = vector.broadcast %div3A : f32 to vector<4000x1xf32>
    %div3A_41 = arith.divf %broadcast_in_dim3A, %div3A_40 : vector<4000x1xf32>
    %sub3A = vector.broadcast %div3A_41 : vector<4000x1xf32> to vector<4000x128xf32>
    %sub3A_42 = arith.subf %add3A_38, %sub3A : vector<4000x128xf32>
    %sub3A_43 = vector.broadcast %div3A_41 : vector<4000x1xf32> to vector<4000x128xf32>
    %sub3A_44 = arith.subf %add3A_38, %sub3A_43 : vector<4000x128xf32>
    %mul3A_45 = arith.mulf %sub3A_42, %sub3A_44 : vector<4000x128xf32>
    %reduce_sum3A_46 = arith.constant dense<0.000000e+00> : vector<4000xf32>
    %reduce_sum3A_47 = vector.multi_reduction <add>, %mul3A_45, %reduce_sum3A_46 [1] : vector<4000x128xf32> to vector<4000xf32>
    %broadcast_in_dim3A_48 = vector.shape_cast %reduce_sum3A_47 : vector<4000xf32> to vector<4000x1xf32>
    %div3A_49 = arith.constant 1.280000e+02 : f32
    %div3A_50 = vector.broadcast %div3A_49 : f32 to vector<4000x1xf32>
    %div3A_51 = arith.divf %broadcast_in_dim3A_48, %div3A_50 : vector<4000x1xf32>
    %sub3A_52 = vector.broadcast %div3A_41 : vector<4000x1xf32> to vector<4000x128xf32>
    %sub3A_53 = arith.subf %add3A_38, %sub3A_52 : vector<4000x128xf32>
    %add3A_54 = arith.constant 9.99999974E-6 : f32
    %add3A_55 = vector.broadcast %add3A_54 : f32 to vector<4000x1xf32>
    %add3A_56 = arith.addf %div3A_51, %add3A_55 : vector<4000x1xf32>
    %rsqrt3A = math.rsqrt %add3A_56 : vector<4000x1xf32>
    %mul3A_57 = vector.broadcast %rsqrt3A : vector<4000x1xf32> to vector<4000x128xf32>
    %mul3A_58 = arith.mulf %sub3A_53, %mul3A_57 : vector<4000x128xf32>
    %get3A_59 = arith.constant 0 : index
    %get3A_60 = arith.constant 0 : index
    %get3A_61 = vector.load %arg8[%get3A_59, %get3A_60] : memref<1x128xf32, #tpu.memory_space<vmem>>, vector<1x128xf32>
    %mul3A_62 = vector.broadcast %get3A_61 : vector<1x128xf32> to vector<4000x128xf32>
    %mul3A_63 = arith.mulf %mul3A_58, %mul3A_62 : vector<4000x128xf32>
    %get3A_64 = arith.constant 0 : index
    %get3A_65 = arith.constant 0 : index
    %get3A_66 = vector.load %arg9[%get3A_64, %get3A_65] : memref<1x128xf32, #tpu.memory_space<vmem>>, vector<1x128xf32>
    %add3A_67 = vector.broadcast %get3A_66 : vector<1x128xf32> to vector<4000x128xf32>
    %add3A_68 = arith.addf %mul3A_63, %add3A_67 : vector<4000x128xf32>
    %add3A_69 = arith.addf %add3A_68, %get3A_1 : vector<4000x128xf32>
    %swap3A = arith.constant 0 : index
    %swap3A_70 = arith.constant 0 : index
    %swap3A_71 = vector.load %arg10[%swap3A, %swap3A_70] : memref<4000x128xf32, #tpu.memory_space<vmem>>, vector<4000x128xf32>
    tpu.vector_store %arg10[%swap3A, %swap3A_70], %add3A_69 {strides = array<i32>} : memref<4000x128xf32, #tpu.memory_space<vmem>>, vector<4000x128xf32>,
    return
  }
  func.func @transform_0(%arg0: i32) -> (i32, i32) {
    %add3A = arith.constant 0 : i32
    %add3A_0 = arith.addi %add3A, %arg0 : i32
    %c0_i32 = arith.constant 0 : i32
    %c0_i32_1 = arith.constant 0 : i32
    return %add3A_0, %c0_i32 : i32, i32
  }
  func.func @transform_1(%arg0: i32) -> (i32, i32) {
    %c0_i32 = arith.constant 0 : i32
    %c0_i32_0 = arith.constant 0 : i32
    return %arg0, %c0_i32 : i32, i32
  }
  func.func @transform_2(%arg0: i32) -> (i32, i32) {
    %c0_i32 = arith.constant 0 : i32
    %c0_i32_0 = arith.constant 0 : i32
    return %arg0, %c0_i32 : i32, i32
  }
  func.func @transform_3(%arg0: i32) -> (i32, i32) {
    %c0_i32 = arith.constant 0 : i32
    %c0_i32_0 = arith.constant 0 : i32
    %c0_i32_1 = arith.constant 0 : i32
    return %c0_i32, %c0_i32_0 : i32, i32
  }
  func.func @transform_4(%arg0: i32) -> (i32, i32) {
    %c0_i32 = arith.constant 0 : i32
    %c0_i32_0 = arith.constant 0 : i32
    %c0_i32_1 = arith.constant 0 : i32
    return %c0_i32, %c0_i32_0 : i32, i32
  }
  func.func @transform_5(%arg0: i32) -> (i32, i32) {
    %c0_i32 = arith.constant 0 : i32
    %c0_i32_0 = arith.constant 0 : i32
    %c0_i32_1 = arith.constant 0 : i32
    return %c0_i32, %c0_i32_0 : i32, i32
  }
  func.func @transform_6(%arg0: i32) -> (i32, i32) {
    %c0_i32 = arith.constant 0 : i32
    %c0_i32_0 = arith.constant 0 : i32
    %c0_i32_1 = arith.constant 0 : i32
    return %c0_i32, %c0_i32_0 : i32, i32
  }
  func.func @transform_7(%arg0: i32) -> (i32, i32) {
    %c0_i32 = arith.constant 0 : i32
    %c0_i32_0 = arith.constant 0 : i32
    %c0_i32_1 = arith.constant 0 : i32
    return %c0_i32, %c0_i32_0 : i32, i32
  }
  func.func @transform_8(%arg0: i32) -> (i32, i32) {
    %c0_i32 = arith.constant 0 : i32
    %c0_i32_0 = arith.constant 0 : i32
    %c0_i32_1 = arith.constant 0 : i32
    return %c0_i32, %c0_i32_0 : i32, i32
  }
  func.func @transform_9(%arg0: i32) -> (i32, i32) {
    %add3A = arith.constant 0 : i32
    %add3A_0 = arith.addi %add3A, %arg0 : i32
    %c0_i32 = arith.constant 0 : i32
    %c0_i32_1 = arith.constant 0 : i32
    return %add3A_0, %c0_i32 : i32, i32
  }
}

module attributes {stable_mosaic.version = 14 : i64} {
  func.func @body(%arg0: i32, %arg1: memref<4000x128xf32, #tpu.memory_space<vmem>>, %arg2: memref<4000x128xi32, #tpu.memory_space<vmem>>, %arg3: memref<4000x128xi32, #tpu.memory_space<vmem>>, %arg4: memref<128x128xbf16, #tpu.memory_space<vmem>>, %arg5: memref<128x128xbf16, #tpu.memory_space<vmem>>, %arg6: memref<1x128xf32, #tpu.memory_space<vmem>>, %arg7: memref<1x128xf32, #tpu.memory_space<vmem>>, %arg8: memref<1x128xf32, #tpu.memory_space<vmem>>, %arg9: memref<1x128xf32, #tpu.memory_space<vmem>>, %arg10: memref<320000x128xf32, #tpu.memory_space<any>>, %arg11: memref<4000x128xf32, #tpu.memory_space<vmem>>) attributes {dimension_semantics = [#tpu.dimension_semantics<arbitrary>], iteration_bounds = array<i64: 16>, scalar_prefetch = 0 : i64, scratch_operands = 0 : i64, tpu.core_type = #tpu.core_type<tc>, window_params = [{transform_indices = @transform_0, window_bounds = array<i64: 4000, 128>}, {transform_indices = @transform_1, window_bounds = array<i64: 4000, 128>}, {transform_indices = @transform_2, window_bounds = array<i64: 4000, 128>}, {pipeline_mode = #tpu.pipeline_mode<synchronous>, transform_indices = @transform_3, window_bounds = array<i64: 128, 128>}, {pipeline_mode = #tpu.pipeline_mode<synchronous>, transform_indices = @transform_4, window_bounds = array<i64: 128, 128>}, {pipeline_mode = #tpu.pipeline_mode<synchronous>, transform_indices = @transform_5, window_bounds = array<i64: 1, 128>}, {pipeline_mode = #tpu.pipeline_mode<synchronous>, transform_indices = @transform_6, window_bounds = array<i64: 1, 128>}, {pipeline_mode = #tpu.pipeline_mode<synchronous>, transform_indices = @transform_7, window_bounds = array<i64: 1, 128>}, {pipeline_mode = #tpu.pipeline_mode<synchronous>, transform_indices = @transform_8, window_bounds = array<i64: 1, 128>}, {}, {transform_indices = @transform_10, window_bounds = array<i64: 4000, 128>}]} {
    %get3A = arith.constant 0 : index
    %get3A_0 = arith.constant 0 : index
    %get3A_1 = vector.load %arg1[%get3A, %get3A_0] : memref<4000x128xf32, #tpu.memory_space<vmem>>, vector<4000x128xf32>
    %get3A_2 = arith.constant 0 : index
    %get3A_3 = arith.constant 0 : index
    %get3A_4 = vector.load %arg2[%get3A_2, %get3A_3] : memref<4000x128xi32, #tpu.memory_space<vmem>>, vector<4000x128xi32>
    %shift_left3A = arith.constant 16 : i32
    %shift_left3A_5 = vector.broadcast %shift_left3A : i32 to vector<4000x128xi32>
    %shift_left3A_6 = arith.shli %get3A_4, %shift_left3A_5 : vector<4000x128xi32>
    %bitcast_convert_type3A = tpu.bitcast %shift_left3A_6 : vector<4000x128xi32> -> vector<4000x128xf32>
    %get3A_7 = arith.constant 0 : index
    %get3A_8 = arith.constant 0 : index
    %get3A_9 = vector.load %arg3[%get3A_7, %get3A_8] : memref<4000x128xi32, #tpu.memory_space<vmem>>, vector<4000x128xi32>
    %and3A = arith.constant -65536 : i32
    %and3A_10 = vector.broadcast %and3A : i32 to vector<4000x128xi32>
    %and3A_11 = arith.andi %get3A_9, %and3A_10 : vector<4000x128xi32>
    %bitcast_convert_type3A_12 = tpu.bitcast %and3A_11 : vector<4000x128xi32> -> vector<4000x128xf32>
    %convert_element_type3A = arith.truncf %get3A_1 : vector<4000x128xf32> to vector<4000x128xbf16>
    %get3A_13 = arith.constant 0 : index
    %get3A_14 = arith.constant 0 : index
    %get3A_15 = vector.load %arg4[%get3A_13, %get3A_14] : memref<128x128xbf16, #tpu.memory_space<vmem>>, vector<128x128xbf16>
    %dot_general3A = arith.constant dense<0.000000e+00> : vector<4000x128xf32>
    %dot_general3A_16 = tpu.matmul %convert_element_type3A, %get3A_15, %dot_general3A {dimension_numbers = #tpu.dot_dimension_numbers<[1], [0], [0], [1], [0, 0, 1, 1], [], []>, transpose_lhs_hint = false} : vector<4000x128xbf16>, vector<128x128xbf16>, vector<4000x128xf32> -> vector<4000x128xf32>
    %add3A = arith.addf %dot_general3A_16, %bitcast_convert_type3A : vector<4000x128xf32>
    %add3A_17 = arith.addf %add3A, %bitcast_convert_type3A_12 : vector<4000x128xf32>
    %get3A_18 = arith.constant 0 : index
    %get3A_19 = arith.constant 0 : index
    %get3A_20 = vector.load %arg6[%get3A_18, %get3A_19] : memref<1x128xf32, #tpu.memory_space<vmem>>, vector<1x128xf32>
    %add3A_21 = vector.broadcast %get3A_20 : vector<1x128xf32> to vector<4000x128xf32>
    %add3A_22 = arith.addf %add3A_17, %add3A_21 : vector<4000x128xf32>
    %logistic3A = arith.negf %add3A_22 : vector<4000x128xf32>
    %logistic3A_23 = math.exp %logistic3A : vector<4000x128xf32>
    %logistic3A_24 = arith.constant 1.000000e+00 : f32
    %logistic3A_25 = vector.broadcast %logistic3A_24 : f32 to vector<4000x128xf32>
    %logistic3A_26 = arith.addf %logistic3A_25, %logistic3A_23 : vector<4000x128xf32>
    %logistic3A_27 = arith.divf %logistic3A_25, %logistic3A_26 : vector<4000x128xf32>
    %mul3A = arith.mulf %add3A_22, %logistic3A_27 : vector<4000x128xf32>
    %convert_element_type3A_28 = arith.truncf %mul3A : vector<4000x128xf32> to vector<4000x128xbf16>
    %get3A_29 = arith.constant 0 : index
    %get3A_30 = arith.constant 0 : index
    %get3A_31 = vector.load %arg5[%get3A_29, %get3A_30] : memref<128x128xbf16, #tpu.memory_space<vmem>>, vector<128x128xbf16>
    %dot_general3A_32 = arith.constant dense<0.000000e+00> : vector<4000x128xf32>
    %dot_general3A_33 = tpu.matmul %convert_element_type3A_28, %get3A_31, %dot_general3A_32 {dimension_numbers = #tpu.dot_dimension_numbers<[1], [0], [0], [1], [0, 0, 1, 1], [], []>, transpose_lhs_hint = false} : vector<4000x128xbf16>, vector<128x128xbf16>, vector<4000x128xf32> -> vector<4000x128xf32>
    %get3A_34 = arith.constant 0 : index
    %get3A_35 = arith.constant 0 : index
    %get3A_36 = vector.load %arg7[%get3A_34, %get3A_35] : memref<1x128xf32, #tpu.memory_space<vmem>>, vector<1x128xf32>
    %add3A_37 = vector.broadcast %get3A_36 : vector<1x128xf32> to vector<4000x128xf32>
    %add3A_38 = arith.addf %dot_general3A_33, %add3A_37 : vector<4000x128xf32>
    %reduce_sum3A = arith.constant dense<0.000000e+00> : vector<4000xf32>
    %reduce_sum3A_39 = vector.multi_reduction <add>, %add3A_38, %reduce_sum3A [1] : vector<4000x128xf32> to vector<4000xf32>
    %broadcast_in_dim3A = vector.shape_cast %reduce_sum3A_39 : vector<4000xf32> to vector<4000x1xf32>
    %div3A = arith.constant 1.280000e+02 : f32
    %div3A_40 = vector.broadcast %div3A : f32 to vector<4000x1xf32>
    %div3A_41 = arith.divf %broadcast_in_dim3A, %div3A_40 : vector<4000x1xf32>
    %sub3A = vector.broadcast %div3A_41 : vector<4000x1xf32> to vector<4000x128xf32>
    %sub3A_42 = arith.subf %add3A_38, %sub3A : vector<4000x128xf32>
    %sub3A_43 = vector.broadcast %div3A_41 : vector<4000x1xf32> to vector<4000x128xf32>
    %sub3A_44 = arith.subf %add3A_38, %sub3A_43 : vector<4000x128xf32>
    %mul3A_45 = arith.mulf %sub3A_42, %sub3A_44 : vector<4000x128xf32>
    %reduce_sum3A_46 = arith.constant dense<0.000000e+00> : vector<4000xf32>
    %reduce_sum3A_47 = vector.multi_reduction <add>, %mul3A_45, %reduce_sum3A_46 [1] : vector<4000x128xf32> to vector<4000xf32>
    %broadcast_in_dim3A_48 = vector.shape_cast %reduce_sum3A_47 : vector<4000xf32> to vector<4000x1xf32>
    %div3A_49 = arith.constant 1.280000e+02 : f32
    %div3A_50 = vector.broadcast %div3A_49 : f32 to vector<4000x1xf32>
    %div3A_51 = arith.divf %broadcast_in_dim3A_48, %div3A_50 : vector<4000x1xf32>
    %sub3A_52 = vector.broadcast %div3A_41 : vector<4000x1xf32> to vector<4000x128xf32>
    %sub3A_53 = arith.subf %add3A_38, %sub3A_52 : vector<4000x128xf32>
    %add3A_54 = arith.constant 9.99999974E-6 : f32
    %add3A_55 = vector.broadcast %add3A_54 : f32 to vector<4000x1xf32>
    %add3A_56 = arith.addf %div3A_51, %add3A_55 : vector<4000x1xf32>
    %rsqrt3A = math.rsqrt %add3A_56 : vector<4000x1xf32>
    %mul3A_57 = vector.broadcast %rsqrt3A : vector<4000x1xf32> to vector<4000x128xf32>
    %mul3A_58 = arith.mulf %sub3A_53, %mul3A_57 : vector<4000x128xf32>
    %get3A_59 = arith.constant 0 : index
    %get3A_60 = arith.constant 0 : index
    %get3A_61 = vector.load %arg8[%get3A_59, %get3A_60] : memref<1x128xf32, #tpu.memory_space<vmem>>, vector<1x128xf32>
    %mul3A_62 = vector.broadcast %get3A_61 : vector<1x128xf32> to vector<4000x128xf32>
    %mul3A_63 = arith.mulf %mul3A_58, %mul3A_62 : vector<4000x128xf32>
    %get3A_64 = arith.constant 0 : index
    %get3A_65 = arith.constant 0 : index
    %get3A_66 = vector.load %arg9[%get3A_64, %get3A_65] : memref<1x128xf32, #tpu.memory_space<vmem>>, vector<1x128xf32>
    %add3A_67 = vector.broadcast %get3A_66 : vector<1x128xf32> to vector<4000x128xf32>
    %add3A_68 = arith.addf %mul3A_63, %add3A_67 : vector<4000x128xf32>
    %add3A_69 = arith.addf %add3A_68, %get3A_1 : vector<4000x128xf32>
    %swap3A = arith.constant 0 : index
    %swap3A_70 = arith.constant 0 : index
    %swap3A_71 = vector.load %arg11[%swap3A, %swap3A_70] : memref<4000x128xf32, #tpu.memory_space<vmem>>, vector<4000x128xf32>
    tpu.vector_store %arg11[%swap3A, %swap3A_70], %add3A_69 {strides = array<i32>} : memref<4000x128xf32, #tpu.memory_space<vmem>>, vector<4000x128xf32>,
    return
  }
  func.func @transform_0(%arg0: i32) -> (i32, i32) {
    %add3A = arith.constant 32 : i32
    %add3A_0 = arith.addi %add3A, %arg0 : i32
    %c0_i32 = arith.constant 0 : i32
    %c0_i32_1 = arith.constant 0 : i32
    return %add3A_0, %c0_i32 : i32, i32
  }
  func.func @transform_1(%arg0: i32) -> (i32, i32) {
    %c0_i32 = arith.constant 0 : i32
    %c0_i32_0 = arith.constant 0 : i32
    return %arg0, %c0_i32 : i32, i32
  }
  func.func @transform_2(%arg0: i32) -> (i32, i32) {
    %c0_i32 = arith.constant 0 : i32
    %c0_i32_0 = arith.constant 0 : i32
    return %arg0, %c0_i32 : i32, i32
  }
  func.func @transform_3(%arg0: i32) -> (i32, i32) {
    %c0_i32 = arith.constant 0 : i32
    %c0_i32_0 = arith.constant 0 : i32
    %c0_i32_1 = arith.constant 0 : i32
    return %c0_i32, %c0_i32_0 : i32, i32
  }
  func.func @transform_4(%arg0: i32) -> (i32, i32) {
    %c0_i32 = arith.constant 0 : i32
    %c0_i32_0 = arith.constant 0 : i32
    %c0_i32_1 = arith.constant 0 : i32
    return %c0_i32, %c0_i32_0 : i32, i32
  }
  func.func @transform_5(%arg0: i32) -> (i32, i32) {
    %c0_i32 = arith.constant 0 : i32
    %c0_i32_0 = arith.constant 0 : i32
    %c0_i32_1 = arith.constant 0 : i32
    return %c0_i32, %c0_i32_0 : i32, i32
  }
  func.func @transform_6(%arg0: i32) -> (i32, i32) {
    %c0_i32 = arith.constant 0 : i32
    %c0_i32_0 = arith.constant 0 : i32
    %c0_i32_1 = arith.constant 0 : i32
    return %c0_i32, %c0_i32_0 : i32, i32
  }
  func.func @transform_7(%arg0: i32) -> (i32, i32) {
    %c0_i32 = arith.constant 0 : i32
    %c0_i32_0 = arith.constant 0 : i32
    %c0_i32_1 = arith.constant 0 : i32
    return %c0_i32, %c0_i32_0 : i32, i32
  }
  func.func @transform_8(%arg0: i32) -> (i32, i32) {
    %c0_i32 = arith.constant 0 : i32
    %c0_i32_0 = arith.constant 0 : i32
    %c0_i32_1 = arith.constant 0 : i32
    return %c0_i32, %c0_i32_0 : i32, i32
  }
  func.func @transform_10(%arg0: i32) -> (i32, i32) {
    %add3A = arith.constant 32 : i32
    %add3A_0 = arith.addi %add3A, %arg0 : i32
    %c0_i32 = arith.constant 0 : i32
    %c0_i32_1 = arith.constant 0 : i32
    return %add3A_0, %c0_i32 : i32, i32
  }
}

module attributes {stable_mosaic.version = 14 : i64} {
  func.func @body(%arg0: i32, %arg1: memref<4000x128xf32, #tpu.memory_space<vmem>>, %arg2: memref<4000x128xi32, #tpu.memory_space<vmem>>, %arg3: memref<4000x128xi32, #tpu.memory_space<vmem>>, %arg4: memref<128x128xbf16, #tpu.memory_space<vmem>>, %arg5: memref<128x128xbf16, #tpu.memory_space<vmem>>, %arg6: memref<1x128xf32, #tpu.memory_space<vmem>>, %arg7: memref<1x128xf32, #tpu.memory_space<vmem>>, %arg8: memref<1x128xf32, #tpu.memory_space<vmem>>, %arg9: memref<1x128xf32, #tpu.memory_space<vmem>>, %arg10: memref<320000x128xf32, #tpu.memory_space<any>>, %arg11: memref<4000x128xf32, #tpu.memory_space<vmem>>) attributes {dimension_semantics = [#tpu.dimension_semantics<arbitrary>], iteration_bounds = array<i64: 16>, scalar_prefetch = 0 : i64, scratch_operands = 0 : i64, tpu.core_type = #tpu.core_type<tc>, window_params = [{transform_indices = @transform_0, window_bounds = array<i64: 4000, 128>}, {transform_indices = @transform_1, window_bounds = array<i64: 4000, 128>}, {transform_indices = @transform_2, window_bounds = array<i64: 4000, 128>}, {pipeline_mode = #tpu.pipeline_mode<synchronous>, transform_indices = @transform_3, window_bounds = array<i64: 128, 128>}, {pipeline_mode = #tpu.pipeline_mode<synchronous>, transform_indices = @transform_4, window_bounds = array<i64: 128, 128>}, {pipeline_mode = #tpu.pipeline_mode<synchronous>, transform_indices = @transform_5, window_bounds = array<i64: 1, 128>}, {pipeline_mode = #tpu.pipeline_mode<synchronous>, transform_indices = @transform_6, window_bounds = array<i64: 1, 128>}, {pipeline_mode = #tpu.pipeline_mode<synchronous>, transform_indices = @transform_7, window_bounds = array<i64: 1, 128>}, {pipeline_mode = #tpu.pipeline_mode<synchronous>, transform_indices = @transform_8, window_bounds = array<i64: 1, 128>}, {}, {transform_indices = @transform_10, window_bounds = array<i64: 4000, 128>}]} {
    %get3A = arith.constant 0 : index
    %get3A_0 = arith.constant 0 : index
    %get3A_1 = vector.load %arg1[%get3A, %get3A_0] : memref<4000x128xf32, #tpu.memory_space<vmem>>, vector<4000x128xf32>
    %get3A_2 = arith.constant 0 : index
    %get3A_3 = arith.constant 0 : index
    %get3A_4 = vector.load %arg2[%get3A_2, %get3A_3] : memref<4000x128xi32, #tpu.memory_space<vmem>>, vector<4000x128xi32>
    %shift_left3A = arith.constant 16 : i32
    %shift_left3A_5 = vector.broadcast %shift_left3A : i32 to vector<4000x128xi32>
    %shift_left3A_6 = arith.shli %get3A_4, %shift_left3A_5 : vector<4000x128xi32>
    %bitcast_convert_type3A = tpu.bitcast %shift_left3A_6 : vector<4000x128xi32> -> vector<4000x128xf32>
    %get3A_7 = arith.constant 0 : index
    %get3A_8 = arith.constant 0 : index
    %get3A_9 = vector.load %arg3[%get3A_7, %get3A_8] : memref<4000x128xi32, #tpu.memory_space<vmem>>, vector<4000x128xi32>
    %and3A = arith.constant -65536 : i32
    %and3A_10 = vector.broadcast %and3A : i32 to vector<4000x128xi32>
    %and3A_11 = arith.andi %get3A_9, %and3A_10 : vector<4000x128xi32>
    %bitcast_convert_type3A_12 = tpu.bitcast %and3A_11 : vector<4000x128xi32> -> vector<4000x128xf32>
    %convert_element_type3A = arith.truncf %get3A_1 : vector<4000x128xf32> to vector<4000x128xbf16>
    %get3A_13 = arith.constant 0 : index
    %get3A_14 = arith.constant 0 : index
    %get3A_15 = vector.load %arg4[%get3A_13, %get3A_14] : memref<128x128xbf16, #tpu.memory_space<vmem>>, vector<128x128xbf16>
    %dot_general3A = arith.constant dense<0.000000e+00> : vector<4000x128xf32>
    %dot_general3A_16 = tpu.matmul %convert_element_type3A, %get3A_15, %dot_general3A {dimension_numbers = #tpu.dot_dimension_numbers<[1], [0], [0], [1], [0, 0, 1, 1], [], []>, transpose_lhs_hint = false} : vector<4000x128xbf16>, vector<128x128xbf16>, vector<4000x128xf32> -> vector<4000x128xf32>
    %add3A = arith.addf %dot_general3A_16, %bitcast_convert_type3A : vector<4000x128xf32>
    %add3A_17 = arith.addf %add3A, %bitcast_convert_type3A_12 : vector<4000x128xf32>
    %get3A_18 = arith.constant 0 : index
    %get3A_19 = arith.constant 0 : index
    %get3A_20 = vector.load %arg6[%get3A_18, %get3A_19] : memref<1x128xf32, #tpu.memory_space<vmem>>, vector<1x128xf32>
    %add3A_21 = vector.broadcast %get3A_20 : vector<1x128xf32> to vector<4000x128xf32>
    %add3A_22 = arith.addf %add3A_17, %add3A_21 : vector<4000x128xf32>
    %logistic3A = arith.negf %add3A_22 : vector<4000x128xf32>
    %logistic3A_23 = math.exp %logistic3A : vector<4000x128xf32>
    %logistic3A_24 = arith.constant 1.000000e+00 : f32
    %logistic3A_25 = vector.broadcast %logistic3A_24 : f32 to vector<4000x128xf32>
    %logistic3A_26 = arith.addf %logistic3A_25, %logistic3A_23 : vector<4000x128xf32>
    %logistic3A_27 = arith.divf %logistic3A_25, %logistic3A_26 : vector<4000x128xf32>
    %mul3A = arith.mulf %add3A_22, %logistic3A_27 : vector<4000x128xf32>
    %convert_element_type3A_28 = arith.truncf %mul3A : vector<4000x128xf32> to vector<4000x128xbf16>
    %get3A_29 = arith.constant 0 : index
    %get3A_30 = arith.constant 0 : index
    %get3A_31 = vector.load %arg5[%get3A_29, %get3A_30] : memref<128x128xbf16, #tpu.memory_space<vmem>>, vector<128x128xbf16>
    %dot_general3A_32 = arith.constant dense<0.000000e+00> : vector<4000x128xf32>
    %dot_general3A_33 = tpu.matmul %convert_element_type3A_28, %get3A_31, %dot_general3A_32 {dimension_numbers = #tpu.dot_dimension_numbers<[1], [0], [0], [1], [0, 0, 1, 1], [], []>, transpose_lhs_hint = false} : vector<4000x128xbf16>, vector<128x128xbf16>, vector<4000x128xf32> -> vector<4000x128xf32>
    %get3A_34 = arith.constant 0 : index
    %get3A_35 = arith.constant 0 : index
    %get3A_36 = vector.load %arg7[%get3A_34, %get3A_35] : memref<1x128xf32, #tpu.memory_space<vmem>>, vector<1x128xf32>
    %add3A_37 = vector.broadcast %get3A_36 : vector<1x128xf32> to vector<4000x128xf32>
    %add3A_38 = arith.addf %dot_general3A_33, %add3A_37 : vector<4000x128xf32>
    %reduce_sum3A = arith.constant dense<0.000000e+00> : vector<4000xf32>
    %reduce_sum3A_39 = vector.multi_reduction <add>, %add3A_38, %reduce_sum3A [1] : vector<4000x128xf32> to vector<4000xf32>
    %broadcast_in_dim3A = vector.shape_cast %reduce_sum3A_39 : vector<4000xf32> to vector<4000x1xf32>
    %div3A = arith.constant 1.280000e+02 : f32
    %div3A_40 = vector.broadcast %div3A : f32 to vector<4000x1xf32>
    %div3A_41 = arith.divf %broadcast_in_dim3A, %div3A_40 : vector<4000x1xf32>
    %sub3A = vector.broadcast %div3A_41 : vector<4000x1xf32> to vector<4000x128xf32>
    %sub3A_42 = arith.subf %add3A_38, %sub3A : vector<4000x128xf32>
    %sub3A_43 = vector.broadcast %div3A_41 : vector<4000x1xf32> to vector<4000x128xf32>
    %sub3A_44 = arith.subf %add3A_38, %sub3A_43 : vector<4000x128xf32>
    %mul3A_45 = arith.mulf %sub3A_42, %sub3A_44 : vector<4000x128xf32>
    %reduce_sum3A_46 = arith.constant dense<0.000000e+00> : vector<4000xf32>
    %reduce_sum3A_47 = vector.multi_reduction <add>, %mul3A_45, %reduce_sum3A_46 [1] : vector<4000x128xf32> to vector<4000xf32>
    %broadcast_in_dim3A_48 = vector.shape_cast %reduce_sum3A_47 : vector<4000xf32> to vector<4000x1xf32>
    %div3A_49 = arith.constant 1.280000e+02 : f32
    %div3A_50 = vector.broadcast %div3A_49 : f32 to vector<4000x1xf32>
    %div3A_51 = arith.divf %broadcast_in_dim3A_48, %div3A_50 : vector<4000x1xf32>
    %sub3A_52 = vector.broadcast %div3A_41 : vector<4000x1xf32> to vector<4000x128xf32>
    %sub3A_53 = arith.subf %add3A_38, %sub3A_52 : vector<4000x128xf32>
    %add3A_54 = arith.constant 9.99999974E-6 : f32
    %add3A_55 = vector.broadcast %add3A_54 : f32 to vector<4000x1xf32>
    %add3A_56 = arith.addf %div3A_51, %add3A_55 : vector<4000x1xf32>
    %rsqrt3A = math.rsqrt %add3A_56 : vector<4000x1xf32>
    %mul3A_57 = vector.broadcast %rsqrt3A : vector<4000x1xf32> to vector<4000x128xf32>
    %mul3A_58 = arith.mulf %sub3A_53, %mul3A_57 : vector<4000x128xf32>
    %get3A_59 = arith.constant 0 : index
    %get3A_60 = arith.constant 0 : index
    %get3A_61 = vector.load %arg8[%get3A_59, %get3A_60] : memref<1x128xf32, #tpu.memory_space<vmem>>, vector<1x128xf32>
    %mul3A_62 = vector.broadcast %get3A_61 : vector<1x128xf32> to vector<4000x128xf32>
    %mul3A_63 = arith.mulf %mul3A_58, %mul3A_62 : vector<4000x128xf32>
    %get3A_64 = arith.constant 0 : index
    %get3A_65 = arith.constant 0 : index
    %get3A_66 = vector.load %arg9[%get3A_64, %get3A_65] : memref<1x128xf32, #tpu.memory_space<vmem>>, vector<1x128xf32>
    %add3A_67 = vector.broadcast %get3A_66 : vector<1x128xf32> to vector<4000x128xf32>
    %add3A_68 = arith.addf %mul3A_63, %add3A_67 : vector<4000x128xf32>
    %add3A_69 = arith.addf %add3A_68, %get3A_1 : vector<4000x128xf32>
    %swap3A = arith.constant 0 : index
    %swap3A_70 = arith.constant 0 : index
    %swap3A_71 = vector.load %arg11[%swap3A, %swap3A_70] : memref<4000x128xf32, #tpu.memory_space<vmem>>, vector<4000x128xf32>
    tpu.vector_store %arg11[%swap3A, %swap3A_70], %add3A_69 {strides = array<i32>} : memref<4000x128xf32, #tpu.memory_space<vmem>>, vector<4000x128xf32>,
    return
  }
  func.func @transform_0(%arg0: i32) -> (i32, i32) {
    %add3A = arith.constant 48 : i32
    %add3A_0 = arith.addi %add3A, %arg0 : i32
    %c0_i32 = arith.constant 0 : i32
    %c0_i32_1 = arith.constant 0 : i32
    return %add3A_0, %c0_i32 : i32, i32
  }
  func.func @transform_1(%arg0: i32) -> (i32, i32) {
    %c0_i32 = arith.constant 0 : i32
    %c0_i32_0 = arith.constant 0 : i32
    return %arg0, %c0_i32 : i32, i32
  }
  func.func @transform_2(%arg0: i32) -> (i32, i32) {
    %c0_i32 = arith.constant 0 : i32
    %c0_i32_0 = arith.constant 0 : i32
    return %arg0, %c0_i32 : i32, i32
  }
  func.func @transform_3(%arg0: i32) -> (i32, i32) {
    %c0_i32 = arith.constant 0 : i32
    %c0_i32_0 = arith.constant 0 : i32
    %c0_i32_1 = arith.constant 0 : i32
    return %c0_i32, %c0_i32_0 : i32, i32
  }
  func.func @transform_4(%arg0: i32) -> (i32, i32) {
    %c0_i32 = arith.constant 0 : i32
    %c0_i32_0 = arith.constant 0 : i32
    %c0_i32_1 = arith.constant 0 : i32
    return %c0_i32, %c0_i32_0 : i32, i32
  }
  func.func @transform_5(%arg0: i32) -> (i32, i32) {
    %c0_i32 = arith.constant 0 : i32
    %c0_i32_0 = arith.constant 0 : i32
    %c0_i32_1 = arith.constant 0 : i32
    return %c0_i32, %c0_i32_0 : i32, i32
  }
  func.func @transform_6(%arg0: i32) -> (i32, i32) {
    %c0_i32 = arith.constant 0 : i32
    %c0_i32_0 = arith.constant 0 : i32
    %c0_i32_1 = arith.constant 0 : i32
    return %c0_i32, %c0_i32_0 : i32, i32
  }
  func.func @transform_7(%arg0: i32) -> (i32, i32) {
    %c0_i32 = arith.constant 0 : i32
    %c0_i32_0 = arith.constant 0 : i32
    %c0_i32_1 = arith.constant 0 : i32
    return %c0_i32, %c0_i32_0 : i32, i32
  }
  func.func @transform_8(%arg0: i32) -> (i32, i32) {
    %c0_i32 = arith.constant 0 : i32
    %c0_i32_0 = arith.constant 0 : i32
    %c0_i32_1 = arith.constant 0 : i32
    return %c0_i32, %c0_i32_0 : i32, i32
  }
  func.func @transform_10(%arg0: i32) -> (i32, i32) {
    %add3A = arith.constant 48 : i32
    %add3A_0 = arith.addi %add3A, %arg0 : i32
    %c0_i32 = arith.constant 0 : i32
    %c0_i32_1 = arith.constant 0 : i32
    return %add3A_0, %c0_i32 : i32, i32
  }
}

module attributes {stable_mosaic.version = 14 : i64} {
  func.func @body(%arg0: i32, %arg1: memref<4000x128xf32, #tpu.memory_space<vmem>>, %arg2: memref<4000x128xi32, #tpu.memory_space<vmem>>, %arg3: memref<4000x128xi32, #tpu.memory_space<vmem>>, %arg4: memref<128x128xbf16, #tpu.memory_space<vmem>>, %arg5: memref<128x128xbf16, #tpu.memory_space<vmem>>, %arg6: memref<1x128xf32, #tpu.memory_space<vmem>>, %arg7: memref<1x128xf32, #tpu.memory_space<vmem>>, %arg8: memref<1x128xf32, #tpu.memory_space<vmem>>, %arg9: memref<1x128xf32, #tpu.memory_space<vmem>>, %arg10: memref<320000x128xf32, #tpu.memory_space<any>>, %arg11: memref<4000x128xf32, #tpu.memory_space<vmem>>) attributes {dimension_semantics = [#tpu.dimension_semantics<arbitrary>], iteration_bounds = array<i64: 16>, scalar_prefetch = 0 : i64, scratch_operands = 0 : i64, tpu.core_type = #tpu.core_type<tc>, window_params = [{transform_indices = @transform_0, window_bounds = array<i64: 4000, 128>}, {transform_indices = @transform_1, window_bounds = array<i64: 4000, 128>}, {transform_indices = @transform_2, window_bounds = array<i64: 4000, 128>}, {pipeline_mode = #tpu.pipeline_mode<synchronous>, transform_indices = @transform_3, window_bounds = array<i64: 128, 128>}, {pipeline_mode = #tpu.pipeline_mode<synchronous>, transform_indices = @transform_4, window_bounds = array<i64: 128, 128>}, {pipeline_mode = #tpu.pipeline_mode<synchronous>, transform_indices = @transform_5, window_bounds = array<i64: 1, 128>}, {pipeline_mode = #tpu.pipeline_mode<synchronous>, transform_indices = @transform_6, window_bounds = array<i64: 1, 128>}, {pipeline_mode = #tpu.pipeline_mode<synchronous>, transform_indices = @transform_7, window_bounds = array<i64: 1, 128>}, {pipeline_mode = #tpu.pipeline_mode<synchronous>, transform_indices = @transform_8, window_bounds = array<i64: 1, 128>}, {}, {transform_indices = @transform_10, window_bounds = array<i64: 4000, 128>}]} {
    %get3A = arith.constant 0 : index
    %get3A_0 = arith.constant 0 : index
    %get3A_1 = vector.load %arg1[%get3A, %get3A_0] : memref<4000x128xf32, #tpu.memory_space<vmem>>, vector<4000x128xf32>
    %get3A_2 = arith.constant 0 : index
    %get3A_3 = arith.constant 0 : index
    %get3A_4 = vector.load %arg2[%get3A_2, %get3A_3] : memref<4000x128xi32, #tpu.memory_space<vmem>>, vector<4000x128xi32>
    %shift_left3A = arith.constant 16 : i32
    %shift_left3A_5 = vector.broadcast %shift_left3A : i32 to vector<4000x128xi32>
    %shift_left3A_6 = arith.shli %get3A_4, %shift_left3A_5 : vector<4000x128xi32>
    %bitcast_convert_type3A = tpu.bitcast %shift_left3A_6 : vector<4000x128xi32> -> vector<4000x128xf32>
    %get3A_7 = arith.constant 0 : index
    %get3A_8 = arith.constant 0 : index
    %get3A_9 = vector.load %arg3[%get3A_7, %get3A_8] : memref<4000x128xi32, #tpu.memory_space<vmem>>, vector<4000x128xi32>
    %and3A = arith.constant -65536 : i32
    %and3A_10 = vector.broadcast %and3A : i32 to vector<4000x128xi32>
    %and3A_11 = arith.andi %get3A_9, %and3A_10 : vector<4000x128xi32>
    %bitcast_convert_type3A_12 = tpu.bitcast %and3A_11 : vector<4000x128xi32> -> vector<4000x128xf32>
    %convert_element_type3A = arith.truncf %get3A_1 : vector<4000x128xf32> to vector<4000x128xbf16>
    %get3A_13 = arith.constant 0 : index
    %get3A_14 = arith.constant 0 : index
    %get3A_15 = vector.load %arg4[%get3A_13, %get3A_14] : memref<128x128xbf16, #tpu.memory_space<vmem>>, vector<128x128xbf16>
    %dot_general3A = arith.constant dense<0.000000e+00> : vector<4000x128xf32>
    %dot_general3A_16 = tpu.matmul %convert_element_type3A, %get3A_15, %dot_general3A {dimension_numbers = #tpu.dot_dimension_numbers<[1], [0], [0], [1], [0, 0, 1, 1], [], []>, transpose_lhs_hint = false} : vector<4000x128xbf16>, vector<128x128xbf16>, vector<4000x128xf32> -> vector<4000x128xf32>
    %add3A = arith.addf %dot_general3A_16, %bitcast_convert_type3A : vector<4000x128xf32>
    %add3A_17 = arith.addf %add3A, %bitcast_convert_type3A_12 : vector<4000x128xf32>
    %get3A_18 = arith.constant 0 : index
    %get3A_19 = arith.constant 0 : index
    %get3A_20 = vector.load %arg6[%get3A_18, %get3A_19] : memref<1x128xf32, #tpu.memory_space<vmem>>, vector<1x128xf32>
    %add3A_21 = vector.broadcast %get3A_20 : vector<1x128xf32> to vector<4000x128xf32>
    %add3A_22 = arith.addf %add3A_17, %add3A_21 : vector<4000x128xf32>
    %logistic3A = arith.negf %add3A_22 : vector<4000x128xf32>
    %logistic3A_23 = math.exp %logistic3A : vector<4000x128xf32>
    %logistic3A_24 = arith.constant 1.000000e+00 : f32
    %logistic3A_25 = vector.broadcast %logistic3A_24 : f32 to vector<4000x128xf32>
    %logistic3A_26 = arith.addf %logistic3A_25, %logistic3A_23 : vector<4000x128xf32>
    %logistic3A_27 = arith.divf %logistic3A_25, %logistic3A_26 : vector<4000x128xf32>
    %mul3A = arith.mulf %add3A_22, %logistic3A_27 : vector<4000x128xf32>
    %convert_element_type3A_28 = arith.truncf %mul3A : vector<4000x128xf32> to vector<4000x128xbf16>
    %get3A_29 = arith.constant 0 : index
    %get3A_30 = arith.constant 0 : index
    %get3A_31 = vector.load %arg5[%get3A_29, %get3A_30] : memref<128x128xbf16, #tpu.memory_space<vmem>>, vector<128x128xbf16>
    %dot_general3A_32 = arith.constant dense<0.000000e+00> : vector<4000x128xf32>
    %dot_general3A_33 = tpu.matmul %convert_element_type3A_28, %get3A_31, %dot_general3A_32 {dimension_numbers = #tpu.dot_dimension_numbers<[1], [0], [0], [1], [0, 0, 1, 1], [], []>, transpose_lhs_hint = false} : vector<4000x128xbf16>, vector<128x128xbf16>, vector<4000x128xf32> -> vector<4000x128xf32>
    %get3A_34 = arith.constant 0 : index
    %get3A_35 = arith.constant 0 : index
    %get3A_36 = vector.load %arg7[%get3A_34, %get3A_35] : memref<1x128xf32, #tpu.memory_space<vmem>>, vector<1x128xf32>
    %add3A_37 = vector.broadcast %get3A_36 : vector<1x128xf32> to vector<4000x128xf32>
    %add3A_38 = arith.addf %dot_general3A_33, %add3A_37 : vector<4000x128xf32>
    %reduce_sum3A = arith.constant dense<0.000000e+00> : vector<4000xf32>
    %reduce_sum3A_39 = vector.multi_reduction <add>, %add3A_38, %reduce_sum3A [1] : vector<4000x128xf32> to vector<4000xf32>
    %broadcast_in_dim3A = vector.shape_cast %reduce_sum3A_39 : vector<4000xf32> to vector<4000x1xf32>
    %div3A = arith.constant 1.280000e+02 : f32
    %div3A_40 = vector.broadcast %div3A : f32 to vector<4000x1xf32>
    %div3A_41 = arith.divf %broadcast_in_dim3A, %div3A_40 : vector<4000x1xf32>
    %sub3A = vector.broadcast %div3A_41 : vector<4000x1xf32> to vector<4000x128xf32>
    %sub3A_42 = arith.subf %add3A_38, %sub3A : vector<4000x128xf32>
    %sub3A_43 = vector.broadcast %div3A_41 : vector<4000x1xf32> to vector<4000x128xf32>
    %sub3A_44 = arith.subf %add3A_38, %sub3A_43 : vector<4000x128xf32>
    %mul3A_45 = arith.mulf %sub3A_42, %sub3A_44 : vector<4000x128xf32>
    %reduce_sum3A_46 = arith.constant dense<0.000000e+00> : vector<4000xf32>
    %reduce_sum3A_47 = vector.multi_reduction <add>, %mul3A_45, %reduce_sum3A_46 [1] : vector<4000x128xf32> to vector<4000xf32>
    %broadcast_in_dim3A_48 = vector.shape_cast %reduce_sum3A_47 : vector<4000xf32> to vector<4000x1xf32>
    %div3A_49 = arith.constant 1.280000e+02 : f32
    %div3A_50 = vector.broadcast %div3A_49 : f32 to vector<4000x1xf32>
    %div3A_51 = arith.divf %broadcast_in_dim3A_48, %div3A_50 : vector<4000x1xf32>
    %sub3A_52 = vector.broadcast %div3A_41 : vector<4000x1xf32> to vector<4000x128xf32>
    %sub3A_53 = arith.subf %add3A_38, %sub3A_52 : vector<4000x128xf32>
    %add3A_54 = arith.constant 9.99999974E-6 : f32
    %add3A_55 = vector.broadcast %add3A_54 : f32 to vector<4000x1xf32>
    %add3A_56 = arith.addf %div3A_51, %add3A_55 : vector<4000x1xf32>
    %rsqrt3A = math.rsqrt %add3A_56 : vector<4000x1xf32>
    %mul3A_57 = vector.broadcast %rsqrt3A : vector<4000x1xf32> to vector<4000x128xf32>
    %mul3A_58 = arith.mulf %sub3A_53, %mul3A_57 : vector<4000x128xf32>
    %get3A_59 = arith.constant 0 : index
    %get3A_60 = arith.constant 0 : index
    %get3A_61 = vector.load %arg8[%get3A_59, %get3A_60] : memref<1x128xf32, #tpu.memory_space<vmem>>, vector<1x128xf32>
    %mul3A_62 = vector.broadcast %get3A_61 : vector<1x128xf32> to vector<4000x128xf32>
    %mul3A_63 = arith.mulf %mul3A_58, %mul3A_62 : vector<4000x128xf32>
    %get3A_64 = arith.constant 0 : index
    %get3A_65 = arith.constant 0 : index
    %get3A_66 = vector.load %arg9[%get3A_64, %get3A_65] : memref<1x128xf32, #tpu.memory_space<vmem>>, vector<1x128xf32>
    %add3A_67 = vector.broadcast %get3A_66 : vector<1x128xf32> to vector<4000x128xf32>
    %add3A_68 = arith.addf %mul3A_63, %add3A_67 : vector<4000x128xf32>
    %add3A_69 = arith.addf %add3A_68, %get3A_1 : vector<4000x128xf32>
    %swap3A = arith.constant 0 : index
    %swap3A_70 = arith.constant 0 : index
    %swap3A_71 = vector.load %arg11[%swap3A, %swap3A_70] : memref<4000x128xf32, #tpu.memory_space<vmem>>, vector<4000x128xf32>
    tpu.vector_store %arg11[%swap3A, %swap3A_70], %add3A_69 {strides = array<i32>} : memref<4000x128xf32, #tpu.memory_space<vmem>>, vector<4000x128xf32>,
    return
  }
  func.func @transform_0(%arg0: i32) -> (i32, i32) {
    %add3A = arith.constant 64 : i32
    %add3A_0 = arith.addi %add3A, %arg0 : i32
    %c0_i32 = arith.constant 0 : i32
    %c0_i32_1 = arith.constant 0 : i32
    return %add3A_0, %c0_i32 : i32, i32
  }
  func.func @transform_1(%arg0: i32) -> (i32, i32) {
    %c0_i32 = arith.constant 0 : i32
    %c0_i32_0 = arith.constant 0 : i32
    return %arg0, %c0_i32 : i32, i32
  }
  func.func @transform_2(%arg0: i32) -> (i32, i32) {
    %c0_i32 = arith.constant 0 : i32
    %c0_i32_0 = arith.constant 0 : i32
    return %arg0, %c0_i32 : i32, i32
  }
  func.func @transform_3(%arg0: i32) -> (i32, i32) {
    %c0_i32 = arith.constant 0 : i32
    %c0_i32_0 = arith.constant 0 : i32
    %c0_i32_1 = arith.constant 0 : i32
    return %c0_i32, %c0_i32_0 : i32, i32
  }
  func.func @transform_4(%arg0: i32) -> (i32, i32) {
    %c0_i32 = arith.constant 0 : i32
    %c0_i32_0 = arith.constant 0 : i32
    %c0_i32_1 = arith.constant 0 : i32
    return %c0_i32, %c0_i32_0 : i32, i32
  }
  func.func @transform_5(%arg0: i32) -> (i32, i32) {
    %c0_i32 = arith.constant 0 : i32
    %c0_i32_0 = arith.constant 0 : i32
    %c0_i32_1 = arith.constant 0 : i32
    return %c0_i32, %c0_i32_0 : i32, i32
  }
  func.func @transform_6(%arg0: i32) -> (i32, i32) {
    %c0_i32 = arith.constant 0 : i32
    %c0_i32_0 = arith.constant 0 : i32
    %c0_i32_1 = arith.constant 0 : i32
    return %c0_i32, %c0_i32_0 : i32, i32
  }
  func.func @transform_7(%arg0: i32) -> (i32, i32) {
    %c0_i32 = arith.constant 0 : i32
    %c0_i32_0 = arith.constant 0 : i32
    %c0_i32_1 = arith.constant 0 : i32
    return %c0_i32, %c0_i32_0 : i32, i32
  }
  func.func @transform_8(%arg0: i32) -> (i32, i32) {
    %c0_i32 = arith.constant 0 : i32
    %c0_i32_0 = arith.constant 0 : i32
    %c0_i32_1 = arith.constant 0 : i32
    return %c0_i32, %c0_i32_0 : i32, i32
  }
  func.func @transform_10(%arg0: i32) -> (i32, i32) {
    %add3A = arith.constant 64 : i32
    %add3A_0 = arith.addi %add3A, %arg0 : i32
    %c0_i32 = arith.constant 0 : i32
    %c0_i32_1 = arith.constant 0 : i32
    return %add3A_0, %c0_i32 : i32, i32
  }
}

</mosaic_0001>

<sc_bundles>
// kernel: kernel.13.cloned.1.call-start
scs
__scs_entry_jumppad:
0x0: {  	(pc) =	sbr.rel $0x88, $3  }
0x1: {  	(tag) =	ssettag $0x0;
	lr =	simm.s32 $0x1  }
0x2: {  	[smem:$0x3F98] =	sst lr;
	_ =	strace $0xD0000000  }
0x3: {  	_ = 	snop  }
0x4: {  	_ = 	snop  }
0x5: {  	_ = 	snop  }
0x6: {  	_ = 	snop  }
0x7: {  	_ = 	snop  }
__scs_overlays_trampoline_lowered:
0x8: {  	[smem:$0x3FA7] =	sst s0  }
0x9: {  	[smem:$0x3FA8] =	sst s1  }
0xa: {  	[smem:$0x3FA9] =	sst s2  }
0xb: {  	[smem:$0x3FAA] =	sst s3  }
0xc: {  	[smem:$0x3FAB] =	sst s4  }
0xd: {  	[smem:$0x3FAC] =	sst s5  }
0xe: {  	[smem:$0x3FAD] =	sst s6  }
0xf: {  	[smem:$0x3FAE] =	sst s7  }
0x10: {  	[smem:$0x3FAF] =	sst s8  }
0x11: {  	[smem:$0x3FB0] =	sst s9;
	s0 =	simm.s32 @!p0 $0x0  }
0x12: {  	s1 =	sld [smem:$0x3F96];
	s0 =	simm.s32 @p0 $0x1  }
0x13: {  	[smem:$0x3FB1] =	sst s0;
	s0 =	simm.s32 @!p1 $0x0  }
0x14: {  	s2 =	sld [smem:$0x3F95];
	s0 =	simm.s32 @p1 $0x1  }
0x15: {  	[smem:$0x3FB2] =	sst s0;
	s0 =	simm.s32 @!p2 $0x0  }
0x16: {  	s3 =	sld [smem:$0x3FDB];
	s0 =	simm.s32 @p2 $0x1  }
0x17: {  	s4 =	simm.s32 $0x1BF5;
	[smem:$0x3FB4] =	sst s0  }
0x18: {  	s0 =	sld [smem:$0x3F97];
	_ =	swait.ge [sflag:s4], $0x0  }
0x19: {  	s7 =	sld [smem:$0x3F98]  }
0x1a: {  	s8 =	sadd.s32 $0xFFFFE003, lr  }
0x1b: {  	s9 =	sadd.s32 $0xFFFFFEF7, lr;
	s5 =	simm.s32 $0xFFFFFFFF;
	p2 =	slt.u32 s8, $0xFFFFF086  }
0x1c: {  	p1 =	slt.u32 s9, $0xF7A;
	s5 =	simm.s32 @!p2 $0x0  }
0x1d: {  	s5 =	simm.s32 @p1 $0x1;
	p0 =	seq.s32 s7, s2  }
0x1e: {  	s7 =	smul.u32 @!p0 $0xF7A, s2;
	p2 =	seq.s32 @!p0 s5, $0x0  }
0x1f: {  	s9 =	smul.u32 $0xF7A, s1;
	s8 =	simm.s32 @!p0 $0x1BF5;
	p2 =	por !p2, p0  }
0x20: {  	[sflag:s8] =	ssyncset.s32 @!p0 $0xFFFFF086;
	s6 =	sadd.s32 @!p0 s3, s7;
	s7 =	simm.s32 @!p0 $0x108  }
0x21: {  	s3 =	sadd.s32 s3, s9;
	s6 =	sadd.s32 @!p0 $0x88, s6;
	s7 =	simm.s32 @p2 $0x1082  }
0x22: {  	[simem:s7], [sflag:s8] =	dma.local @!p0 [hbm:s6], $0xF7A  }
0x23: {  	s9 =	sor.u32 $0xD0000000, s2;
	s6 =	simm.s32 $0x108;
	_ =	swait.ge @!p0 [sflag:s8], $0x0  }
0x24: {  	s3 =	sadd.s32 $0x88, s3;
	s6 =	simm.s32 @!p1 $0x1082;
	[sflag:s4] =	ssyncset.s32 $0xFFFFF086  }
0x25: {  	[simem:s6], [sflag:s4] =	dma.local [hbm:s3], $0xF7A  }
0x26: {  	[smem:$0x3F98] =	sst s1;
	(tag) =	ssettag s2;
	_ =	strace s9  }
0x27: {  	s1 =	sld [smem:$0x3FA8]  }
0x28: {  	s2 =	sld [smem:$0x3FA9]  }
0x29: {  	s4 =	sld [smem:$0x3FAB]  }
0x2a: {  	p0 =	seq.s32 s5, $0x0;
	s5 =	sld [smem:$0x3FAC]  }
0x2b: {  	s6 =	sld [smem:$0x3FAD]  }
0x2c: {  	s7 =	sld [smem:$0x3FAE]  }
0x2d: {  	s3 =	simm.s32 $0x108;
	s8 =	sld [smem:$0x3FAF]  }
0x2e: {  	s3 =	simm.s32 @!p0 $0x1082;
	s9 =	sld [smem:$0x3FB0]  }
0x2f: {  	lr =	sadd.s32 s0, s3;
	s0 =	sld [smem:$0x3FA7]  }
0x30: {  	s3 =	sld [smem:$0x3FAA]  }
0x31: {  	[smem:$0x3FB3] =	sst s10  }
0x32: {  	s10 =	sld [smem:$0x3FB1];
	_ =	sdelay $0x3  }
0x33: {  	p0 =	seq.s32 s10, $0x1;
	s10 =	sld [smem:$0x3FB3];
	_ =	sdelay $0x3  }
0x34: {  	[smem:$0x3FB3] =	sst s10  }
0x35: {  	s10 =	sld [smem:$0x3FB2];
	_ =	sdelay $0x3  }
0x36: {  	p1 =	seq.s32 s10, $0x1;
	s10 =	sld [smem:$0x3FB3];
	_ =	sdelay $0x3  }
0x37: {  	[smem:$0x3FB3] =	sst s10  }
0x38: {  	s10 =	sld [smem:$0x3FB4]  }
0x39: {  	_ = 	snop;
	(pc) =	sbr.ind lr, $3  }
0x3a: {  	_ = 	snop  }
0x3b: {  	_ = 	snop  }
0x3c: {  	p2 =	seq.s32 s10, $0x1;
	s10 =	sld [smem:$0x3FB3]  }
0x3d: {  	_ =	shalt  }
0x3e: {  	_ =	shalt  }
0x3f: {  	_ =	shalt  }
0x40: {  	_ =	shalt  }
0x41: {  	_ =	shalt  }
0x42: {  	_ =	shalt  }
0x43: {  	_ =	shalt  }
0x44: {  	_ =	shalt  }
0x45: {  	_ =	shalt  }
0x46: {  	_ =	shalt  }
0x47: {  	_ =	shalt  }
0x48: {  	_ =	shalt  }
0x49: {  	_ =	shalt  }
0x4a: {  	_ =	shalt  }
0x4b: {  	_ =	shalt  }
0x4c: {  	_ =	shalt  }
0x4d: {  	_ =	shalt  }
0x4e: {  	_ =	shalt  }
0x4f: {  	_ =	shalt  }
0x50: {  	_ =	shalt  }
0x51: {  	_ =	shalt  }
0x52: {  	_ =	shalt  }
0x53: {  	_ =	shalt  }
0x54: {  	_ =	shalt  }
0x55: {  	_ =	shalt  }
0x56: {  	_ =	shalt  }
0x57: {  	_ =	shalt  }
0x58: {  	_ =	shalt  }
0x59: {  	_ =	shalt  }
0x5a: {  	_ =	shalt  }
0x5b: {  	_ =	shalt  }
0x5c: {  	_ =	shalt  }
0x5d: {  	_ =	shalt  }
0x5e: {  	_ =	shalt  }
0x5f: {  	_ =	shalt  }
0x60: {  	_ =	shalt  }
0x61: {  	_ =	shalt  }
0x62: {  	_ =	shalt  }
0x63: {  	_ =	shalt  }
0x64: {  	_ =	shalt  }
0x65: {  	_ =	shalt  }
0x66: {  	_ =	shalt  }
0x67: {  	_ =	shalt  }
0x68: {  	_ =	shalt  }
0x69: {  	_ =	shalt  }
0x6a: {  	_ =	shalt  }
0x6b: {  	_ =	shalt  }
0x6c: {  	_ =	shalt  }
0x6d: {  	_ =	shalt  }
0x6e: {  	_ =	shalt  }
0x6f: {  	_ =	shalt  }
0x70: {  	_ =	shalt  }
0x71: {  	_ =	shalt  }
0x72: {  	_ =	shalt  }
0x73: {  	_ =	shalt  }
0x74: {  	_ =	shalt  }
0x75: {  	_ =	shalt  }
0x76: {  	_ =	shalt  }
0x77: {  	_ =	shalt  }
0x78: {  	_ =	shalt  }
0x79: {  	_ =	shalt  }
0x7a: {  	_ =	shalt  }
0x7b: {  	_ =	shalt  }
0x7c: {  	_ =	shalt  }
0x7d: {  	_ =	shalt  }
0x7e: {  	_ =	shalt  }
0x7f: {  	_ =	shalt  }
0x80: {  	_ =	shalt  }
0x81: {  	_ =	shalt  }
0x82: {  	_ =	shalt  }
0x83: {  	_ =	shalt  }
0x84: {  	_ =	shalt  }
0x85: {  	_ =	shalt  }
0x86: {  	_ =	shalt  }
0x87: {  	_ =	shalt  }
.Lfunc_end0:
.L_simem_size_0:
called_computation_lowered:
.L_overlay_start_0:
0x88: {  	s0 =	sld [smem:$0x3FD9]  }
0x89: {  	s1 =	sld [smem:$0x3FFE];
	_ =	sdelay $0x3  }
0x8a: {  	s0 =	sadd.s32 s1, s0  }
0x8b: {  	[smem:$0x3FBF] =	sst s0  }
0x8c: {  	_ = 	snop  }
0x8d: {  	s0 =	sld [smem:$0x3FD0];
	_ =	sdelay $0x2  }
0x8e: {  	s13 =	simm.s32 $0xE;
	s2 =	simm.s32 $0x10  }
0x8f: {  	[smem:s2], [sflag:s13] =	dma.local [hbm:s0], $0x1  }
0x90: {  	_ =	swait.eq [sflag:s13], $0x1  }
0x91: {  	[sflag:s13] =	ssyncset.done $0x0  }
0x92: {  	[sflag:s13] =	ssyncadd.s32 $0xFFFFFFFF  }
0x93: {  	s14 =	sld [smem:$0x11];
	(tm) =	ssettm $0x1  }
0x94: {  	s15 =	sld [smem:$0x3FFB];
	_ =	sdelay $0x3  }
0x95: {  	_ =	strace s15  }
0x96: {  	s1 =	sld [smem:$0x3FFC];
	_ =	sdelay $0x3  }
0x97: {  	_ =	strace s1  }
0x98: {  	s1 =	sld [smem:$0x3FFD];
	_ =	sdelay $0x3  }
0x99: {  	_ =	strace s1  }
0x9a: {  	_ =	strace $0x8FFFFFFF  }
0x9b: {  	s16 =	sld [smem:$0x3FDB];
	_ =	sdelay $0x1  }
0x9c: {  	s17 =	simm.s32 $_scs_section_size  }
0x9d: {  	s3 =	simm.s32 $_size__tile_overlayer_lowered;
	s4 =	simm.s32 $_tile_overlayer_lowered  }
0x9e: {  	s20 =	simm.s32 $0x1BFF;
	s19 =	sshll.u32 s4, $0x1;
	s1 =	sadd.s32 s17, s16  }
0x9f: {  	s5 =	simm.s32 $0x0;
	s18 =	sshll.u32 s3, $0x1;
	s3 =	sadd.s32 s19, s1  }
0xa0: {  	[timem:s5], [sflag:s20] =	dma.local [hbm:s3], s18  }
0xa1: {  	_ =	swait.ge [sflag:s20], s18  }
0xa2: {  	s2 =	ssub.s32 $0x0, s18;
	[sflag:s20] =	ssyncset.done $0x0  }
0xa3: {  	[sflag:s20] =	ssyncadd.s32 s2;
	_ =	sdelay $0x1  }
0xa4: {  	s21 =	simm.s32 $0x1B8B  }
0xa5: {  	_ =	swait.ge [sflag:s21], $0x1  }
0xa6: {  	[sflag:s21] =	ssyncset.done $0x0  }
0xa7: {  	s23 =	simm.s32 $0x1B8E;
	s22 =	sld [smem:$0x3FFE];
	[sflag:s21] =	ssyncadd.s32 $0xFFFFFFFF  }
0xa8: {  	s24 =	simm.s32 $execute0_lowered;
	[smem:$0x3FD2] =	sst s23  }
0xa9: {  	s3 =	sshll.u32 s24, $0x1;
	_ =	strace $0x80000046;
	[dreg:$0x1] =	wrdreg $0xFFFFFFFF  }
0xaa: {  	s25 =	simm.s32 $_size_execute0_lowered;
	s1 =	sadd.s32 s1, s3;
	[dreg:$0x0] =	wrdreg $0x0  }
0xab: {  	s3 =	sshll.u32 s25, $0x1;
	[dreg:$0x2] =	wrdreg s1  }
0xac: {  	[dreg:$0x3] =	wrdreg s3  }
0xad: {  	[dreg:$0x4] =	wrdreg $0xC0  }
0xae: {  	_ =	task [dreg:s5], $0x5FFFF  }
0xaf: {  	[dreg:$0x1] =	wrdreg $0xFFFFFFFF  }
0xb0: {  	[dreg:$0x0] =	wrdreg $0x60  }
0xb1: {  	[dreg:$0x2] =	wrdreg s14  }
0xb2: {  	[dreg:$0x3] =	wrdreg s22  }
0xb3: {  	[dreg:$0x4] =	wrdreg $0x20000  }
0xb4: {  	[dreg:$0x5] =	wrdreg $0x9  }
0xb5: {  	_ =	task.clear_ibuf [dreg:s5], $0x6FFFF;
	_ =	strace $0x90000046  }
0xb6: {  	s26 =	simm.s32 $0x9;
	_ =	strace $0x80000048  }
0xb7: {  	_ =	swait.ge [sflag:s26], $0x1  }
0xb8: {  	[sflag:s26] =	ssyncadd.s32 $0xFFFFFFFF  }
0xb9: {  	_ =	strace $0x90000048  }
0xba: {  	_ =	sfence  }
0xbb: {  	s28 =	sld [smem:$0x0];
	_ =	sdelay $0x1  }
0xbc: {  	s29 =	srdreg.scid  }
0xbd: {  	s30 =	sshll.u32 s29, $0xD;
	s31 =	sshrl.u32 s29, $0x2  }
0xbe: {  	s2 =	sand.u32 $0x4000, s30;
	s1 =	sand.u32 $0x1, s29;
	s0 =	sadd.s32 s31, s28  }
0xbf: {  	s1 =	sor.u32 s2, s1;
	s0 =	sshll.u32 s0, $0x11  }
0xc0: {  	s0 =	sor.u32 s0, s1  }
0xc1: {  	s0 =	sadd.s32 $0x8F2B, s0  }
0xc2: {  	[sflag:s0] =	ssyncadd.remote.s32 $0x1  }
0xc3: {  	_ =	sfence.sel $0xFFFF  }
0xc4: {  	[dreg:$0x0] =	wrdreg $0xFFFFFFFF;
	(pc) =	sbr.abs _section_cstart, $3  }
0xc5: {  	[dreg:$0x1] =	wrdreg $0xFFFFFFFF  }
0xc6: {  	_ =	task.clear_ibuf [dreg:s5], $0x2FFFF;
	_ =	strace $0x9FFFFFFF  }
0xc7: {  	(tm) =	ssettm $0x7FFFFFFF  }
tec
execute0_lowered:
.L_overlay_start_1:
0x0: {  	(tag) =	ssettag $0x1  }
0x1: {  	s3 =	rddreg [dreg:$0x0]  }
0x2: {  	s10 =	rddreg [dreg:$0x1]  }
0x3: {  	s1 =	rddreg [dreg:$0x2]  }
0x4: {  	s0 =	rddreg [dreg:$0x3];
	s2 =	simm.s32 $0x0;
	s6 =	stileid.u32  }
0x5: {  	[smem:$0x7FF] =	sst s2;
	p0 =	sne.s32 s6, $0x0  }
0x6: {  	_ =	strace $0x80000047;
	s4 =	sshrl.u32 @!p0 s1, $0x3;
	s5 =	simm.s32 @!p0 $0x1C05  }
0x7: {  	[spmem:s4], [sflag:s5] =	dma.local @!p0 [hbm:s3], $0x27100  }
0x8: {  	s3 =	simm.s32 @!p0 $0x5  }
0x9: {  	s26 =	sshll.u32 s6, $0x9;
	_ =	swait.ge @!p0 [sflag:s3], $0x27100  }
0xa: {  	s4 =	sadd.s32 s26, s10;
	[sflag:s3] =	ssyncset.done @!p0 $0x0  }
0xb: {  	s29 =	simm.s32 $0x6;
	s28 =	sadd.s32 $0xDA00, s4;
	[sflag:s3] =	ssyncadd.s32 @!p0 $0xFFFD8F00  }
0xc: {  	[tilespmem:s2], [sflag:$0x6] =	stream.linear.gather [hbm4b:s28+s2], $0x1000, $0x38;
	[tilespmem:$0x1D880] =	vst v63  }
0xd: {  	_ =	swait.ge [sflag:s29], $0x1000  }
0xe: {  	[sflag:s29] =	ssyncset.done $0x0  }
0xf: {  	s30 =	simm.s32 $0x1000;
	s4 =	sadd.s32 $0x3C00, s4;
	[sflag:s29] =	ssyncadd.s32 $0xFFFFF000  }
0x10: {  	[tilespmem:s30], [sflag:$0x6] =	stream.linear.gather [hbm4b:s4+s2], $0x1000, $0x38;
	[tilespmem:$0x1D880] =	vst v63  }
0x11: {  	_ =	swait.ge [sflag:s29], $0x1000  }
0x12: {  	[sflag:s29] =	ssyncset.done $0x0  }
0x13: {  	s5 =	simm.s32 $0x1;
	[sflag:s29] =	ssyncadd.s32 $0xFFFFF000  }
0x14: {  	s3 =	simm.s32 $0x80;
	s4 =	simm.s32 $0x15880;
	[bflag:$0x0] =	sbarrier.arrive $0xFFFF  }
0x15: {  	[tilespmem:s4], [sflag:$0x1] =	stream.indirect.gather [spmem:s1], $0x80, s2, s3, $0xb8;
	[tilespmem:$0x1D880] =	vst v63  }
0x16: {  	_ =	swait.ge [sflag:s5], $0x4000  }
0x17: {  	s11 =	sadd.s32 $0x17800, s10;
	s12 =	sshll.u32 s6, $0x10;
	[sflag:s5] =	ssyncset.done $0x0  }
0x18: {  	s6 =	sadd.s32 s11, s12;
	[sflag:s5] =	ssyncadd.s32 $0xFFFFC000  }
0x19: {  	[hbm4b:s6+s2] =	stream.linear.scatter [tilespmem:s4], [sflag:$0x3], $0x4000, $0x38;
	[tilespmem:$0x1D880] =	vst v63  }
0x1a: {  	s7 =	simm.s32 $0x19880;
	s8 =	simm.s32 $0x2  }
0x1b: {  	[tilespmem:s7], [sflag:$0x2] =	stream.indirect.gather [spmem:s1], $0x80, s3, s3, $0xb8;
	[tilespmem:$0x1D880] =	vst v63  }
0x1c: {  	_ =	swait.ge [sflag:s8], $0x4000  }
0x1d: {  	[sflag:s8] =	ssyncset.done $0x0  }
0x1e: {  	s13 =	simm.s32 $0x100;
	s9 =	sadd.s32 $0x800, s6;
	[sflag:s8] =	ssyncadd.s32 $0xFFFFC000  }
0x1f: {  	[hbm4b:s9+s2] =	stream.linear.scatter [tilespmem:s7], [sflag:$0x4], $0x4000, $0x38;
	[tilespmem:$0x1D880] =	vst v63  }
0x20: {  	s14 =	simm.s32 $0x4;
	s15 =	simm.s32 $0x0;
	s9 =	simm.s32 $0x3  }
.Ltmp0:
0x21: {  	s10 =	sadd.s32 $0x117800, s10;
	_ =	swait.ge [sflag:s9], $0x4000;
	(pc) =	sbr.rel .LBB2_1-.Ltmp0, $4  }
0x22: {  	s16 =	simm.s32 $0x1;
	s31 =	sadd.s32 s12, s10;
	[sflag:s9] =	ssyncset.done $0x0  }
0x23: {  	s12 =	sadd.s32 s12, s11;
	s10 =	sadd.s32 $0xFFFF0000, s31;
	[sflag:s9] =	ssyncadd.s32 $0xFFFFC000  }
0x24: {  	[tilespmem:s4], [sflag:$0x1] =	stream.indirect.gather [spmem:s1], $0x80, s13, s3, $0xb8;
	[tilespmem:$0x1D880] =	vst v63  }
0x25: {  	s11 =	sadd.s32 $0xFFFF1800, s31;
	s12 =	sadd.s32 $0x1800, s12;
	s13 =	simm.s32 $0x200  }
.LBB2_2:
0x26: {  	s17 =	sadd.s32 s15, s12  }
0x27: {  	[hbm4b:s17+s2] =	stream.linear.scatter [tilespmem:s7], [sflag:$0x4], $0x4000, $0x38;
	[tilespmem:$0x1D880] =	vst v63  }
.LBB2_4:
0x28: {  	s15 =	sadd.s32 $0x1000, s15  }
0x29: {  	p1 =	sne.s32 s15, $0x1F000  }
.Ltmp1:
0x2a: {  	_ =	swait.ge [sflag:s9], $0x4000;
	(pc) =	sbr.rel @!p1 .LBB2_5-.Ltmp1, $4  }
0x2b: {  	[sflag:s9] =	ssyncset.done $0x0  }
0x2c: {  	[sflag:s9] =	ssyncadd.s32 $0xFFFFC000  }
0x2d: {  	[tilespmem:s4], [sflag:$0x1] =	stream.indirect.gather [spmem:s1], $0x80, s13, s3, $0xb8;
	[tilespmem:$0x1D880] =	vst v63  }
0x2e: {  	s16 =	sadd.s32 $0x1, s16;
	s13 =	sadd.s32 $0x100, s13  }
.LBB2_1:
0x2f: {  	p1 =	sgt.u32 s16, $0xF;
	s17 =	smov.u32 s6  }
0x30: {  	_ =	swait.ge [sflag:s5], $0x4000;
	s17 =	smov.u32 @p1 s10  }
0x31: {  	[sflag:s5] =	ssyncset.done $0x0;
	s17 =	sadd.s32 s15, s17  }
0x32: {  	[sflag:s5] =	ssyncadd.s32 $0xFFFFC000;
	s17 =	sadd.s32 $0x1000, s17  }
0x33: {  	[hbm4b:s17+s2] =	stream.linear.scatter [tilespmem:s4], [sflag:$0x3], $0x4000, $0x38;
	[tilespmem:$0x1D880] =	vst v63  }
0x34: {  	_ =	swait.ge [sflag:s14], $0x4000  }
0x35: {  	[sflag:s14] =	ssyncset.done $0x0  }
.Ltmp2:
0x36: {  	s31 =	sadd.s32 $0xFFFFFF80, s13;
	[sflag:s14] =	ssyncadd.s32 $0xFFFFC000;
	(pc) =	sbr.rel @!p1 .LBB2_2-.Ltmp2, $4  }
0x37: {  	[tilespmem:s7], [sflag:$0x2] =	stream.indirect.gather [spmem:s1], $0x80, s31, s3, $0xb8;
	[tilespmem:$0x1D880] =	vst v63  }
0x38: {  	_ =	swait.ge [sflag:s8], $0x4000  }
0x39: {  	[sflag:s8] =	ssyncset.done $0x0  }
0x3a: {  	[sflag:s8] =	ssyncadd.s32 $0xFFFFC000  }
0x3b: {  	p1 =	seq.s32 s15, $0x1E000  }
.Ltmp3:
0x3c: {  	_ = 	snop;
	(pc) =	sbr.rel @!p1 .LBB2_4-.Ltmp3, $3  }
0x3d: {  	_ =	sdelay $0x1  }
0x3e: {  	s17 =	sadd.s32 s15, s11  }
0x3f: {  	[hbm4b:s17+s2] =	stream.linear.scatter [tilespmem:s7], [sflag:$0x4], $0x4000, $0x38;
	[tilespmem:$0x1D880] =	vst v63  }
.LBB2_5:
0x40: {  	s1 =	simm.s32 $0x3  }
0x41: {  	_ =	swait.ge [sflag:s1], $0x4000  }
0x42: {  	[sflag:s1] =	ssyncset.done $0x0  }
0x43: {  	s31 =	simm.s32 $0x4;
	[sflag:s1] =	ssyncadd.s32 $0xFFFFC000  }
0x44: {  	_ =	swait.ge [sflag:s31], $0x4000  }
0x45: {  	[sflag:s31] =	ssyncset.done $0x0  }
0x46: {  	[sflag:s31] =	ssyncadd.s32 $0xFFFFC000  }
0x47: {  	_ =	sfence.sel $0x180000  }
0x48: {  	[bflag:$0x0] =	sbarrier.arrive $0xFFFF  }
0x49: {  	_ =	strace $0x90000047  }
0x4a: {  	s0 =	sadd.s32 @!p0 $0x100000, s0;
	[bflag:$0x2] =	sbarrier.arrive $0xFFFF  }
0x4b: {  	[sflag:s0] =	ssyncadd.tile.s32 @!p0 $0x1;
	_ =	shalt  }
.Lfunc_end2:
_tile_overlayer_lowered:
.L_overlay_start_2:
0x4c: {  	(tag) =	ssettag $0x2  }
0x4d: {  	s0 =	rddreg [dreg:$0x0];
	s2 =	stileid.u32  }
0x4e: {  	s1 =	rddreg [dreg:$0x1];
	p0 =	sne.s32 s2, $0x0  }
0x4f: {  	s3 =	rddreg [dreg:$0x2];
	[bflag:$0x3] =	sbarrier.arrive $0xFFFF;
	s2 =	simm.s32 @!p0 $0x1C06  }
0x50: {  	[timem:s3], [sflag:s2] =	dma.local @!p0 [hbm:s0], s1  }
0x51: {  	s0 =	simm.s32 @!p0 $0x6  }
0x52: {  	_ =	swait.ge @!p0 [sflag:s0], s1  }
0x53: {  	s1 =	ssub.s32 @!p0 $0x0, s1;
	[sflag:s0] =	ssyncset.done @!p0 $0x0  }
0x54: {  	[sflag:s0] =	ssyncadd.s32 @!p0 s1  }
0x55: {  	[bflag:$0x3] =	sbarrier.arrive $0xFFFF  }
0x56: {  	_ =	shalt  }

// kernel: kernel.16.cloned.1.call-start
scs
__scs_entry_jumppad:
0x0: {  	(pc) =	sbr.rel $0x88, $3  }
0x1: {  	(tag) =	ssettag $0x0;
	lr =	simm.s32 $0x1  }
0x2: {  	[smem:$0x3F98] =	sst lr;
	_ =	strace $0xD0000000  }
0x3: {  	_ = 	snop  }
0x4: {  	_ = 	snop  }
0x5: {  	_ = 	snop  }
0x6: {  	_ = 	snop  }
0x7: {  	_ = 	snop  }
__scs_overlays_trampoline_lowered:
0x8: {  	[smem:$0x3FA7] =	sst s0  }
0x9: {  	[smem:$0x3FA8] =	sst s1  }
0xa: {  	[smem:$0x3FA9] =	sst s2  }
0xb: {  	[smem:$0x3FAA] =	sst s3  }
0xc: {  	[smem:$0x3FAB] =	sst s4  }
0xd: {  	[smem:$0x3FAC] =	sst s5  }
0xe: {  	[smem:$0x3FAD] =	sst s6  }
0xf: {  	[smem:$0x3FAE] =	sst s7  }
0x10: {  	[smem:$0x3FAF] =	sst s8  }
0x11: {  	[smem:$0x3FB0] =	sst s9;
	s0 =	simm.s32 @!p0 $0x0  }
0x12: {  	s1 =	sld [smem:$0x3F96];
	s0 =	simm.s32 @p0 $0x1  }
0x13: {  	[smem:$0x3FB1] =	sst s0;
	s0 =	simm.s32 @!p1 $0x0  }
0x14: {  	s2 =	sld [smem:$0x3F95];
	s0 =	simm.s32 @p1 $0x1  }
0x15: {  	[smem:$0x3FB2] =	sst s0;
	s0 =	simm.s32 @!p2 $0x0  }
0x16: {  	s3 =	sld [smem:$0x3FDB];
	s0 =	simm.s32 @p2 $0x1  }
0x17: {  	s4 =	simm.s32 $0x1BF5;
	[smem:$0x3FB4] =	sst s0  }
0x18: {  	s0 =	sld [smem:$0x3F97];
	_ =	swait.ge [sflag:s4], $0x0  }
0x19: {  	s7 =	sld [smem:$0x3F98]  }
0x1a: {  	s8 =	sadd.s32 $0xFFFFE003, lr  }
0x1b: {  	s9 =	sadd.s32 $0xFFFFFEF7, lr;
	s5 =	simm.s32 $0xFFFFFFFF;
	p2 =	slt.u32 s8, $0xFFFFF086  }
0x1c: {  	p1 =	slt.u32 s9, $0xF7A;
	s5 =	simm.s32 @!p2 $0x0  }
0x1d: {  	s5 =	simm.s32 @p1 $0x1;
	p0 =	seq.s32 s7, s2  }
0x1e: {  	s7 =	smul.u32 @!p0 $0xF7A, s2;
	p2 =	seq.s32 @!p0 s5, $0x0  }
0x1f: {  	s9 =	smul.u32 $0xF7A, s1;
	s8 =	simm.s32 @!p0 $0x1BF5;
	p2 =	por !p2, p0  }
0x20: {  	[sflag:s8] =	ssyncset.s32 @!p0 $0xFFFFF086;
	s6 =	sadd.s32 @!p0 s3, s7;
	s7 =	simm.s32 @!p0 $0x108  }
0x21: {  	s3 =	sadd.s32 s3, s9;
	s6 =	sadd.s32 @!p0 $0x88, s6;
	s7 =	simm.s32 @p2 $0x1082  }
0x22: {  	[simem:s7], [sflag:s8] =	dma.local @!p0 [hbm:s6], $0xF7A  }
0x23: {  	s9 =	sor.u32 $0xD0000000, s2;
	s6 =	simm.s32 $0x108;
	_ =	swait.ge @!p0 [sflag:s8], $0x0  }
0x24: {  	s3 =	sadd.s32 $0x88, s3;
	s6 =	simm.s32 @!p1 $0x1082;
	[sflag:s4] =	ssyncset.s32 $0xFFFFF086  }
0x25: {  	[simem:s6], [sflag:s4] =	dma.local [hbm:s3], $0xF7A  }
0x26: {  	[smem:$0x3F98] =	sst s1;
	(tag) =	ssettag s2;
	_ =	strace s9  }
0x27: {  	s1 =	sld [smem:$0x3FA8]  }
0x28: {  	s2 =	sld [smem:$0x3FA9]  }
0x29: {  	s4 =	sld [smem:$0x3FAB]  }
0x2a: {  	p0 =	seq.s32 s5, $0x0;
	s5 =	sld [smem:$0x3FAC]  }
0x2b: {  	s6 =	sld [smem:$0x3FAD]  }
0x2c: {  	s7 =	sld [smem:$0x3FAE]  }
0x2d: {  	s3 =	simm.s32 $0x108;
	s8 =	sld [smem:$0x3FAF]  }
0x2e: {  	s3 =	simm.s32 @!p0 $0x1082;
	s9 =	sld [smem:$0x3FB0]  }
0x2f: {  	lr =	sadd.s32 s0, s3;
	s0 =	sld [smem:$0x3FA7]  }
0x30: {  	s3 =	sld [smem:$0x3FAA]  }
0x31: {  	[smem:$0x3FB3] =	sst s10  }
0x32: {  	s10 =	sld [smem:$0x3FB1];
	_ =	sdelay $0x3  }
0x33: {  	p0 =	seq.s32 s10, $0x1;
	s10 =	sld [smem:$0x3FB3];
	_ =	sdelay $0x3  }
0x34: {  	[smem:$0x3FB3] =	sst s10  }
0x35: {  	s10 =	sld [smem:$0x3FB2];
	_ =	sdelay $0x3  }
0x36: {  	p1 =	seq.s32 s10, $0x1;
	s10 =	sld [smem:$0x3FB3];
	_ =	sdelay $0x3  }
0x37: {  	[smem:$0x3FB3] =	sst s10  }
0x38: {  	s10 =	sld [smem:$0x3FB4]  }
0x39: {  	_ = 	snop;
	(pc) =	sbr.ind lr, $3  }
0x3a: {  	_ = 	snop  }
0x3b: {  	_ = 	snop  }
0x3c: {  	p2 =	seq.s32 s10, $0x1;
	s10 =	sld [smem:$0x3FB3]  }
0x3d: {  	_ =	shalt  }
0x3e: {  	_ =	shalt  }
0x3f: {  	_ =	shalt  }
0x40: {  	_ =	shalt  }
0x41: {  	_ =	shalt  }
0x42: {  	_ =	shalt  }
0x43: {  	_ =	shalt  }
0x44: {  	_ =	shalt  }
0x45: {  	_ =	shalt  }
0x46: {  	_ =	shalt  }
0x47: {  	_ =	shalt  }
0x48: {  	_ =	shalt  }
0x49: {  	_ =	shalt  }
0x4a: {  	_ =	shalt  }
0x4b: {  	_ =	shalt  }
0x4c: {  	_ =	shalt  }
0x4d: {  	_ =	shalt  }
0x4e: {  	_ =	shalt  }
0x4f: {  	_ =	shalt  }
0x50: {  	_ =	shalt  }
0x51: {  	_ =	shalt  }
0x52: {  	_ =	shalt  }
0x53: {  	_ =	shalt  }
0x54: {  	_ =	shalt  }
0x55: {  	_ =	shalt  }
0x56: {  	_ =	shalt  }
0x57: {  	_ =	shalt  }
0x58: {  	_ =	shalt  }
0x59: {  	_ =	shalt  }
0x5a: {  	_ =	shalt  }
0x5b: {  	_ =	shalt  }
0x5c: {  	_ =	shalt  }
0x5d: {  	_ =	shalt  }
0x5e: {  	_ =	shalt  }
0x5f: {  	_ =	shalt  }
0x60: {  	_ =	shalt  }
0x61: {  	_ =	shalt  }
0x62: {  	_ =	shalt  }
0x63: {  	_ =	shalt  }
0x64: {  	_ =	shalt  }
0x65: {  	_ =	shalt  }
0x66: {  	_ =	shalt  }
0x67: {  	_ =	shalt  }
0x68: {  	_ =	shalt  }
0x69: {  	_ =	shalt  }
0x6a: {  	_ =	shalt  }
0x6b: {  	_ =	shalt  }
0x6c: {  	_ =	shalt  }
0x6d: {  	_ =	shalt  }
0x6e: {  	_ =	shalt  }
0x6f: {  	_ =	shalt  }
0x70: {  	_ =	shalt  }
0x71: {  	_ =	shalt  }
0x72: {  	_ =	shalt  }
0x73: {  	_ =	shalt  }
0x74: {  	_ =	shalt  }
0x75: {  	_ =	shalt  }
0x76: {  	_ =	shalt  }
0x77: {  	_ =	shalt  }
0x78: {  	_ =	shalt  }
0x79: {  	_ =	shalt  }
0x7a: {  	_ =	shalt  }
0x7b: {  	_ =	shalt  }
0x7c: {  	_ =	shalt  }
0x7d: {  	_ =	shalt  }
0x7e: {  	_ =	shalt  }
0x7f: {  	_ =	shalt  }
0x80: {  	_ =	shalt  }
0x81: {  	_ =	shalt  }
0x82: {  	_ =	shalt  }
0x83: {  	_ =	shalt  }
0x84: {  	_ =	shalt  }
0x85: {  	_ =	shalt  }
0x86: {  	_ =	shalt  }
0x87: {  	_ =	shalt  }
.Lfunc_end0:
.L_simem_size_0:
called_computation.1_lowered:
.L_overlay_start_0:
0x88: {  	s0 =	sld [smem:$0x3FD9]  }
0x89: {  	s1 =	sld [smem:$0x3FFE];
	_ =	sdelay $0x3  }
0x8a: {  	s0 =	sadd.s32 s1, s0  }
0x8b: {  	[smem:$0x3FBF] =	sst s0  }
0x8c: {  	_ = 	snop  }
0x8d: {  	s0 =	sld [smem:$0x3FD0];
	_ =	sdelay $0x2  }
0x8e: {  	s13 =	simm.s32 $0xE;
	s2 =	simm.s32 $0x10  }
0x8f: {  	[smem:s2], [sflag:s13] =	dma.local [hbm:s0], $0x1  }
0x90: {  	_ =	swait.eq [sflag:s13], $0x1  }
0x91: {  	[sflag:s13] =	ssyncset.done $0x0  }
0x92: {  	[sflag:s13] =	ssyncadd.s32 $0xFFFFFFFF  }
0x93: {  	s14 =	sld [smem:$0x11];
	(tm) =	ssettm $0x1  }
0x94: {  	s15 =	sld [smem:$0x3FFB];
	_ =	sdelay $0x3  }
0x95: {  	_ =	strace s15  }
0x96: {  	s1 =	sld [smem:$0x3FFC];
	_ =	sdelay $0x3  }
0x97: {  	_ =	strace s1  }
0x98: {  	s1 =	sld [smem:$0x3FFD];
	_ =	sdelay $0x3  }
0x99: {  	_ =	strace s1  }
0x9a: {  	_ =	strace $0x8FFFFFFF  }
0x9b: {  	s16 =	sld [smem:$0x3FDB];
	_ =	sdelay $0x1  }
0x9c: {  	s17 =	simm.s32 $_scs_section_size  }
0x9d: {  	s3 =	simm.s32 $_size__tile_overlayer_lowered;
	s4 =	simm.s32 $_tile_overlayer_lowered  }
0x9e: {  	s20 =	simm.s32 $0x1BFF;
	s19 =	sshll.u32 s4, $0x1;
	s1 =	sadd.s32 s17, s16  }
0x9f: {  	s5 =	simm.s32 $0x0;
	s18 =	sshll.u32 s3, $0x1;
	s3 =	sadd.s32 s19, s1  }
0xa0: {  	[timem:s5], [sflag:s20] =	dma.local [hbm:s3], s18  }
0xa1: {  	_ =	swait.ge [sflag:s20], s18  }
0xa2: {  	s2 =	ssub.s32 $0x0, s18;
	[sflag:s20] =	ssyncset.done $0x0  }
0xa3: {  	[sflag:s20] =	ssyncadd.s32 s2;
	_ =	sdelay $0x1  }
0xa4: {  	s21 =	simm.s32 $0x1B8B  }
0xa5: {  	_ =	swait.ge [sflag:s21], $0x1  }
0xa6: {  	[sflag:s21] =	ssyncset.done $0x0  }
0xa7: {  	s23 =	simm.s32 $0x1B8E;
	s22 =	sld [smem:$0x3FFE];
	[sflag:s21] =	ssyncadd.s32 $0xFFFFFFFF  }
0xa8: {  	s24 =	simm.s32 $execute0_lowered;
	[smem:$0x3FD2] =	sst s23  }
0xa9: {  	s3 =	sshll.u32 s24, $0x1;
	_ =	strace $0x80000049;
	[dreg:$0x1] =	wrdreg $0xFFFFFFFF  }
0xaa: {  	s25 =	simm.s32 $_size_execute0_lowered;
	s1 =	sadd.s32 s1, s3;
	[dreg:$0x0] =	wrdreg $0x0  }
0xab: {  	s3 =	sshll.u32 s25, $0x1;
	[dreg:$0x2] =	wrdreg s1  }
0xac: {  	[dreg:$0x3] =	wrdreg s3  }
0xad: {  	[dreg:$0x4] =	wrdreg $0xC0  }
0xae: {  	_ =	task [dreg:s5], $0x5FFFF  }
0xaf: {  	[dreg:$0x1] =	wrdreg $0xFFFFFFFF  }
0xb0: {  	[dreg:$0x0] =	wrdreg $0x60  }
0xb1: {  	[dreg:$0x2] =	wrdreg s14  }
0xb2: {  	[dreg:$0x3] =	wrdreg s22  }
0xb3: {  	[dreg:$0x4] =	wrdreg $0x20000  }
0xb4: {  	[dreg:$0x5] =	wrdreg $0xA  }
0xb5: {  	_ =	task.clear_ibuf [dreg:s5], $0x6FFFF;
	_ =	strace $0x90000049  }
0xb6: {  	s26 =	simm.s32 $0xA;
	_ =	strace $0x8000004B  }
0xb7: {  	_ =	swait.ge [sflag:s26], $0x1  }
0xb8: {  	[sflag:s26] =	ssyncadd.s32 $0xFFFFFFFF  }
0xb9: {  	_ =	strace $0x9000004B  }
0xba: {  	_ =	sfence  }
0xbb: {  	s28 =	sld [smem:$0x0];
	_ =	sdelay $0x1  }
0xbc: {  	s29 =	srdreg.scid  }
0xbd: {  	s30 =	sshll.u32 s29, $0xD;
	s31 =	sshrl.u32 s29, $0x2  }
0xbe: {  	s2 =	sand.u32 $0x4000, s30;
	s1 =	sand.u32 $0x1, s29;
	s0 =	sadd.s32 s31, s28  }
0xbf: {  	s1 =	sor.u32 s2, s1;
	s0 =	sshll.u32 s0, $0x11  }
0xc0: {  	s0 =	sor.u32 s0, s1  }
0xc1: {  	s0 =	sadd.s32 $0x8F2B, s0  }
0xc2: {  	[sflag:s0] =	ssyncadd.remote.s32 $0x1  }
0xc3: {  	_ =	sfence.sel $0xFFFF  }
0xc4: {  	[dreg:$0x0] =	wrdreg $0xFFFFFFFF;
	(pc) =	sbr.abs _section_cstart, $3  }
0xc5: {  	[dreg:$0x1] =	wrdreg $0xFFFFFFFF  }
0xc6: {  	_ =	task.clear_ibuf [dreg:s5], $0x2FFFF;
	_ =	strace $0x9FFFFFFF  }
0xc7: {  	(tm) =	ssettm $0x7FFFFFFF  }
tec
execute0_lowered:
.L_overlay_start_1:
0x0: {  	(tag) =	ssettag $0x1  }
0x1: {  	s3 =	rddreg [dreg:$0x0]  }
0x2: {  	s10 =	rddreg [dreg:$0x1]  }
0x3: {  	s1 =	rddreg [dreg:$0x2]  }
0x4: {  	s0 =	rddreg [dreg:$0x3];
	s2 =	simm.s32 $0x0;
	s6 =	stileid.u32  }
0x5: {  	[smem:$0x7FF] =	sst s2;
	p0 =	sne.s32 s6, $0x0  }
0x6: {  	_ =	strace $0x8000004A;
	s4 =	sshrl.u32 @!p0 s1, $0x3;
	s5 =	simm.s32 @!p0 $0x1C05  }
0x7: {  	[spmem:s4], [sflag:s5] =	dma.local @!p0 [hbm:s3], $0x27100  }
0x8: {  	s3 =	simm.s32 @!p0 $0x5  }
0x9: {  	s26 =	sshll.u32 s6, $0x9;
	_ =	swait.ge @!p0 [sflag:s3], $0x27100  }
0xa: {  	s4 =	sadd.s32 s10, s26;
	[sflag:s3] =	ssyncset.done @!p0 $0x0  }
0xb: {  	s29 =	simm.s32 $0x6;
	s28 =	sadd.s32 $0xF940, s4;
	[sflag:s3] =	ssyncadd.s32 @!p0 $0xFFFD8F00  }
0xc: {  	[tilespmem:s2], [sflag:$0x6] =	stream.linear.gather [hbm4b:s28+s2], $0x1000, $0x38;
	[tilespmem:$0x1D880] =	vst v63  }
0xd: {  	_ =	swait.ge [sflag:s29], $0x1000  }
0xe: {  	[sflag:s29] =	ssyncset.done $0x0  }
0xf: {  	s30 =	simm.s32 $0x1000;
	s4 =	sadd.s32 $0x5B40, s4;
	[sflag:s29] =	ssyncadd.s32 $0xFFFFF000  }
0x10: {  	[tilespmem:s30], [sflag:$0x6] =	stream.linear.gather [hbm4b:s4+s2], $0x1000, $0x38;
	[tilespmem:$0x1D880] =	vst v63  }
0x11: {  	_ =	swait.ge [sflag:s29], $0x1000  }
0x12: {  	[sflag:s29] =	ssyncset.done $0x0  }
0x13: {  	s5 =	simm.s32 $0x1;
	[sflag:s29] =	ssyncadd.s32 $0xFFFFF000  }
0x14: {  	s3 =	simm.s32 $0x80;
	s4 =	simm.s32 $0x15880;
	[bflag:$0x0] =	sbarrier.arrive $0xFFFF  }
0x15: {  	[tilespmem:s4], [sflag:$0x1] =	stream.indirect.gather [spmem:s1], $0x80, s2, s3, $0xb8;
	[tilespmem:$0x1D880] =	vst v63  }
0x16: {  	_ =	swait.ge [sflag:s5], $0x4000  }
0x17: {  	s11 =	sadd.s32 $0x217800, s10;
	s12 =	sshll.u32 s6, $0x10;
	[sflag:s5] =	ssyncset.done $0x0  }
0x18: {  	s6 =	sadd.s32 s11, s12;
	[sflag:s5] =	ssyncadd.s32 $0xFFFFC000  }
0x19: {  	[hbm4b:s6+s2] =	stream.linear.scatter [tilespmem:s4], [sflag:$0x3], $0x4000, $0x38;
	[tilespmem:$0x1D880] =	vst v63  }
0x1a: {  	s7 =	simm.s32 $0x19880;
	s8 =	simm.s32 $0x2  }
0x1b: {  	[tilespmem:s7], [sflag:$0x2] =	stream.indirect.gather [spmem:s1], $0x80, s3, s3, $0xb8;
	[tilespmem:$0x1D880] =	vst v63  }
0x1c: {  	_ =	swait.ge [sflag:s8], $0x4000  }
0x1d: {  	[sflag:s8] =	ssyncset.done $0x0  }
0x1e: {  	s13 =	simm.s32 $0x100;
	s9 =	sadd.s32 $0x800, s6;
	[sflag:s8] =	ssyncadd.s32 $0xFFFFC000  }
0x1f: {  	[hbm4b:s9+s2] =	stream.linear.scatter [tilespmem:s7], [sflag:$0x4], $0x4000, $0x38;
	[tilespmem:$0x1D880] =	vst v63  }
0x20: {  	s14 =	simm.s32 $0x4;
	s15 =	simm.s32 $0x0;
	s9 =	simm.s32 $0x3  }
.Ltmp0:
0x21: {  	s10 =	sadd.s32 $0x317800, s10;
	_ =	swait.ge [sflag:s9], $0x4000;
	(pc) =	sbr.rel .LBB2_1-.Ltmp0, $4  }
0x22: {  	s16 =	simm.s32 $0x1;
	s31 =	sadd.s32 s12, s10;
	[sflag:s9] =	ssyncset.done $0x0  }
0x23: {  	s12 =	sadd.s32 s12, s11;
	s10 =	sadd.s32 $0xFFFF0000, s31;
	[sflag:s9] =	ssyncadd.s32 $0xFFFFC000  }
0x24: {  	[tilespmem:s4], [sflag:$0x1] =	stream.indirect.gather [spmem:s1], $0x80, s13, s3, $0xb8;
	[tilespmem:$0x1D880] =	vst v63  }
0x25: {  	s11 =	sadd.s32 $0xFFFF1800, s31;
	s12 =	sadd.s32 $0x1800, s12;
	s13 =	simm.s32 $0x200  }
.LBB2_2:
0x26: {  	s17 =	sadd.s32 s15, s12  }
0x27: {  	[hbm4b:s17+s2] =	stream.linear.scatter [tilespmem:s7], [sflag:$0x4], $0x4000, $0x38;
	[tilespmem:$0x1D880] =	vst v63  }
.LBB2_4:
0x28: {  	s15 =	sadd.s32 $0x1000, s15  }
0x29: {  	p1 =	sne.s32 s15, $0x1F000  }
.Ltmp1:
0x2a: {  	_ =	swait.ge [sflag:s9], $0x4000;
	(pc) =	sbr.rel @!p1 .LBB2_5-.Ltmp1, $4  }
0x2b: {  	[sflag:s9] =	ssyncset.done $0x0  }
0x2c: {  	[sflag:s9] =	ssyncadd.s32 $0xFFFFC000  }
0x2d: {  	[tilespmem:s4], [sflag:$0x1] =	stream.indirect.gather [spmem:s1], $0x80, s13, s3, $0xb8;
	[tilespmem:$0x1D880] =	vst v63  }
0x2e: {  	s16 =	sadd.s32 $0x1, s16;
	s13 =	sadd.s32 $0x100, s13  }
.LBB2_1:
0x2f: {  	p1 =	sgt.u32 s16, $0xF;
	s17 =	smov.u32 s6  }
0x30: {  	_ =	swait.ge [sflag:s5], $0x4000;
	s17 =	smov.u32 @p1 s10  }
0x31: {  	[sflag:s5] =	ssyncset.done $0x0;
	s17 =	sadd.s32 s15, s17  }
0x32: {  	[sflag:s5] =	ssyncadd.s32 $0xFFFFC000;
	s17 =	sadd.s32 $0x1000, s17  }
0x33: {  	[hbm4b:s17+s2] =	stream.linear.scatter [tilespmem:s4], [sflag:$0x3], $0x4000, $0x38;
	[tilespmem:$0x1D880] =	vst v63  }
0x34: {  	_ =	swait.ge [sflag:s14], $0x4000  }
0x35: {  	[sflag:s14] =	ssyncset.done $0x0  }
.Ltmp2:
0x36: {  	s31 =	sadd.s32 $0xFFFFFF80, s13;
	[sflag:s14] =	ssyncadd.s32 $0xFFFFC000;
	(pc) =	sbr.rel @!p1 .LBB2_2-.Ltmp2, $4  }
0x37: {  	[tilespmem:s7], [sflag:$0x2] =	stream.indirect.gather [spmem:s1], $0x80, s31, s3, $0xb8;
	[tilespmem:$0x1D880] =	vst v63  }
0x38: {  	_ =	swait.ge [sflag:s8], $0x4000  }
0x39: {  	[sflag:s8] =	ssyncset.done $0x0  }
0x3a: {  	[sflag:s8] =	ssyncadd.s32 $0xFFFFC000  }
0x3b: {  	p1 =	seq.s32 s15, $0x1E000  }
.Ltmp3:
0x3c: {  	_ = 	snop;
	(pc) =	sbr.rel @!p1 .LBB2_4-.Ltmp3, $3  }
0x3d: {  	_ =	sdelay $0x1  }
0x3e: {  	s17 =	sadd.s32 s15, s11  }
0x3f: {  	[hbm4b:s17+s2] =	stream.linear.scatter [tilespmem:s7], [sflag:$0x4], $0x4000, $0x38;
	[tilespmem:$0x1D880] =	vst v63  }
.LBB2_5:
0x40: {  	s1 =	simm.s32 $0x3  }
0x41: {  	_ =	swait.ge [sflag:s1], $0x4000  }
0x42: {  	[sflag:s1] =	ssyncset.done $0x0  }
0x43: {  	s31 =	simm.s32 $0x4;
	[sflag:s1] =	ssyncadd.s32 $0xFFFFC000  }
0x44: {  	_ =	swait.ge [sflag:s31], $0x4000  }
0x45: {  	[sflag:s31] =	ssyncset.done $0x0  }
0x46: {  	[sflag:s31] =	ssyncadd.s32 $0xFFFFC000  }
0x47: {  	_ =	sfence.sel $0x180000  }
0x48: {  	[bflag:$0x0] =	sbarrier.arrive $0xFFFF  }
0x49: {  	_ =	strace $0x9000004A  }
0x4a: {  	s0 =	sadd.s32 @!p0 $0x100000, s0;
	[bflag:$0x2] =	sbarrier.arrive $0xFFFF  }
0x4b: {  	[sflag:s0] =	ssyncadd.tile.s32 @!p0 $0x1;
	_ =	shalt  }
.Lfunc_end2:
_tile_overlayer_lowered:
.L_overlay_start_2:
0x4c: {  	(tag) =	ssettag $0x2  }
0x4d: {  	s0 =	rddreg [dreg:$0x0];
	s2 =	stileid.u32  }
0x4e: {  	s1 =	rddreg [dreg:$0x1];
	p0 =	sne.s32 s2, $0x0  }
0x4f: {  	s3 =	rddreg [dreg:$0x2];
	[bflag:$0x3] =	sbarrier.arrive $0xFFFF;
	s2 =	simm.s32 @!p0 $0x1C06  }
0x50: {  	[timem:s3], [sflag:s2] =	dma.local @!p0 [hbm:s0], s1  }
0x51: {  	s0 =	simm.s32 @!p0 $0x6  }
0x52: {  	_ =	swait.ge @!p0 [sflag:s0], s1  }
0x53: {  	s1 =	ssub.s32 @!p0 $0x0, s1;
	[sflag:s0] =	ssyncset.done @!p0 $0x0  }
0x54: {  	[sflag:s0] =	ssyncadd.s32 @!p0 s1  }
0x55: {  	[bflag:$0x3] =	sbarrier.arrive $0xFFFF  }
0x56: {  	_ =	shalt  }

// kernel: kernel.19.cloned.1.call-start
scs
__scs_entry_jumppad:
0x0: {  	(pc) =	sbr.rel $0x88, $3  }
0x1: {  	(tag) =	ssettag $0x0;
	lr =	simm.s32 $0x1  }
0x2: {  	[smem:$0x3F98] =	sst lr;
	_ =	strace $0xD0000000  }
0x3: {  	_ = 	snop  }
0x4: {  	_ = 	snop  }
0x5: {  	_ = 	snop  }
0x6: {  	_ = 	snop  }
0x7: {  	_ = 	snop  }
__scs_overlays_trampoline_lowered:
0x8: {  	[smem:$0x3FA7] =	sst s0  }
0x9: {  	[smem:$0x3FA8] =	sst s1  }
0xa: {  	[smem:$0x3FA9] =	sst s2  }
0xb: {  	[smem:$0x3FAA] =	sst s3  }
0xc: {  	[smem:$0x3FAB] =	sst s4  }
0xd: {  	[smem:$0x3FAC] =	sst s5  }
0xe: {  	[smem:$0x3FAD] =	sst s6  }
0xf: {  	[smem:$0x3FAE] =	sst s7  }
0x10: {  	[smem:$0x3FAF] =	sst s8  }
0x11: {  	[smem:$0x3FB0] =	sst s9;
	s0 =	simm.s32 @!p0 $0x0  }
0x12: {  	s1 =	sld [smem:$0x3F96];
	s0 =	simm.s32 @p0 $0x1  }
0x13: {  	[smem:$0x3FB1] =	sst s0;
	s0 =	simm.s32 @!p1 $0x0  }
0x14: {  	s2 =	sld [smem:$0x3F95];
	s0 =	simm.s32 @p1 $0x1  }
0x15: {  	[smem:$0x3FB2] =	sst s0;
	s0 =	simm.s32 @!p2 $0x0  }
0x16: {  	s3 =	sld [smem:$0x3FDB];
	s0 =	simm.s32 @p2 $0x1  }
0x17: {  	s4 =	simm.s32 $0x1BF5;
	[smem:$0x3FB4] =	sst s0  }
0x18: {  	s0 =	sld [smem:$0x3F97];
	_ =	swait.ge [sflag:s4], $0x0  }
0x19: {  	s7 =	sld [smem:$0x3F98]  }
0x1a: {  	s8 =	sadd.s32 $0xFFFFE003, lr  }
0x1b: {  	s9 =	sadd.s32 $0xFFFFFEF7, lr;
	s5 =	simm.s32 $0xFFFFFFFF;
	p2 =	slt.u32 s8, $0xFFFFF086  }
0x1c: {  	p1 =	slt.u32 s9, $0xF7A;
	s5 =	simm.s32 @!p2 $0x0  }
0x1d: {  	s5 =	simm.s32 @p1 $0x1;
	p0 =	seq.s32 s7, s2  }
0x1e: {  	s7 =	smul.u32 @!p0 $0xF7A, s2;
	p2 =	seq.s32 @!p0 s5, $0x0  }
0x1f: {  	s9 =	smul.u32 $0xF7A, s1;
	s8 =	simm.s32 @!p0 $0x1BF5;
	p2 =	por !p2, p0  }
0x20: {  	[sflag:s8] =	ssyncset.s32 @!p0 $0xFFFFF086;
	s6 =	sadd.s32 @!p0 s3, s7;
	s7 =	simm.s32 @!p0 $0x108  }
0x21: {  	s3 =	sadd.s32 s3, s9;
	s6 =	sadd.s32 @!p0 $0x88, s6;
	s7 =	simm.s32 @p2 $0x1082  }
0x22: {  	[simem:s7], [sflag:s8] =	dma.local @!p0 [hbm:s6], $0xF7A  }
0x23: {  	s9 =	sor.u32 $0xD0000000, s2;
	s6 =	simm.s32 $0x108;
	_ =	swait.ge @!p0 [sflag:s8], $0x0  }
0x24: {  	s3 =	sadd.s32 $0x88, s3;
	s6 =	simm.s32 @!p1 $0x1082;
	[sflag:s4] =	ssyncset.s32 $0xFFFFF086  }
0x25: {  	[simem:s6], [sflag:s4] =	dma.local [hbm:s3], $0xF7A  }
0x26: {  	[smem:$0x3F98] =	sst s1;
	(tag) =	ssettag s2;
	_ =	strace s9  }
0x27: {  	s1 =	sld [smem:$0x3FA8]  }
0x28: {  	s2 =	sld [smem:$0x3FA9]  }
0x29: {  	s4 =	sld [smem:$0x3FAB]  }
0x2a: {  	p0 =	seq.s32 s5, $0x0;
	s5 =	sld [smem:$0x3FAC]  }
0x2b: {  	s6 =	sld [smem:$0x3FAD]  }
0x2c: {  	s7 =	sld [smem:$0x3FAE]  }
0x2d: {  	s3 =	simm.s32 $0x108;
	s8 =	sld [smem:$0x3FAF]  }
0x2e: {  	s3 =	simm.s32 @!p0 $0x1082;
	s9 =	sld [smem:$0x3FB0]  }
0x2f: {  	lr =	sadd.s32 s0, s3;
	s0 =	sld [smem:$0x3FA7]  }
0x30: {  	s3 =	sld [smem:$0x3FAA]  }
0x31: {  	[smem:$0x3FB3] =	sst s10  }
0x32: {  	s10 =	sld [smem:$0x3FB1];
	_ =	sdelay $0x3  }
0x33: {  	p0 =	seq.s32 s10, $0x1;
	s10 =	sld [smem:$0x3FB3];
	_ =	sdelay $0x3  }
0x34: {  	[smem:$0x3FB3] =	sst s10  }
0x35: {  	s10 =	sld [smem:$0x3FB2];
	_ =	sdelay $0x3  }
0x36: {  	p1 =	seq.s32 s10, $0x1;
	s10 =	sld [smem:$0x3FB3];
	_ =	sdelay $0x3  }
0x37: {  	[smem:$0x3FB3] =	sst s10  }
0x38: {  	s10 =	sld [smem:$0x3FB4]  }
0x39: {  	_ = 	snop;
	(pc) =	sbr.ind lr, $3  }
0x3a: {  	_ = 	snop  }
0x3b: {  	_ = 	snop  }
0x3c: {  	p2 =	seq.s32 s10, $0x1;
	s10 =	sld [smem:$0x3FB3]  }
0x3d: {  	_ =	shalt  }
0x3e: {  	_ =	shalt  }
0x3f: {  	_ =	shalt  }
0x40: {  	_ =	shalt  }
0x41: {  	_ =	shalt  }
0x42: {  	_ =	shalt  }
0x43: {  	_ =	shalt  }
0x44: {  	_ =	shalt  }
0x45: {  	_ =	shalt  }
0x46: {  	_ =	shalt  }
0x47: {  	_ =	shalt  }
0x48: {  	_ =	shalt  }
0x49: {  	_ =	shalt  }
0x4a: {  	_ =	shalt  }
0x4b: {  	_ =	shalt  }
0x4c: {  	_ =	shalt  }
0x4d: {  	_ =	shalt  }
0x4e: {  	_ =	shalt  }
0x4f: {  	_ =	shalt  }
0x50: {  	_ =	shalt  }
0x51: {  	_ =	shalt  }
0x52: {  	_ =	shalt  }
0x53: {  	_ =	shalt  }
0x54: {  	_ =	shalt  }
0x55: {  	_ =	shalt  }
0x56: {  	_ =	shalt  }
0x57: {  	_ =	shalt  }
0x58: {  	_ =	shalt  }
0x59: {  	_ =	shalt  }
0x5a: {  	_ =	shalt  }
0x5b: {  	_ =	shalt  }
0x5c: {  	_ =	shalt  }
0x5d: {  	_ =	shalt  }
0x5e: {  	_ =	shalt  }
0x5f: {  	_ =	shalt  }
0x60: {  	_ =	shalt  }
0x61: {  	_ =	shalt  }
0x62: {  	_ =	shalt  }
0x63: {  	_ =	shalt  }
0x64: {  	_ =	shalt  }
0x65: {  	_ =	shalt  }
0x66: {  	_ =	shalt  }
0x67: {  	_ =	shalt  }
0x68: {  	_ =	shalt  }
0x69: {  	_ =	shalt  }
0x6a: {  	_ =	shalt  }
0x6b: {  	_ =	shalt  }
0x6c: {  	_ =	shalt  }
0x6d: {  	_ =	shalt  }
0x6e: {  	_ =	shalt  }
0x6f: {  	_ =	shalt  }
0x70: {  	_ =	shalt  }
0x71: {  	_ =	shalt  }
0x72: {  	_ =	shalt  }
0x73: {  	_ =	shalt  }
0x74: {  	_ =	shalt  }
0x75: {  	_ =	shalt  }
0x76: {  	_ =	shalt  }
0x77: {  	_ =	shalt  }
0x78: {  	_ =	shalt  }
0x79: {  	_ =	shalt  }
0x7a: {  	_ =	shalt  }
0x7b: {  	_ =	shalt  }
0x7c: {  	_ =	shalt  }
0x7d: {  	_ =	shalt  }
0x7e: {  	_ =	shalt  }
0x7f: {  	_ =	shalt  }
0x80: {  	_ =	shalt  }
0x81: {  	_ =	shalt  }
0x82: {  	_ =	shalt  }
0x83: {  	_ =	shalt  }
0x84: {  	_ =	shalt  }
0x85: {  	_ =	shalt  }
0x86: {  	_ =	shalt  }
0x87: {  	_ =	shalt  }
.Lfunc_end0:
.L_simem_size_0:
called_computation.2_lowered:
.L_overlay_start_0:
0x88: {  	s0 =	sld [smem:$0x3FD9]  }
0x89: {  	s1 =	sld [smem:$0x3FFE];
	_ =	sdelay $0x3  }
0x8a: {  	s0 =	sadd.s32 s1, s0  }
0x8b: {  	[smem:$0x3FBF] =	sst s0  }
0x8c: {  	_ = 	snop  }
0x8d: {  	s0 =	sld [smem:$0x3FD0];
	_ =	sdelay $0x2  }
0x8e: {  	s13 =	simm.s32 $0xE;
	s2 =	simm.s32 $0x10  }
0x8f: {  	[smem:s2], [sflag:s13] =	dma.local [hbm:s0], $0x1  }
0x90: {  	_ =	swait.eq [sflag:s13], $0x1  }
0x91: {  	[sflag:s13] =	ssyncset.done $0x0  }
0x92: {  	[sflag:s13] =	ssyncadd.s32 $0xFFFFFFFF  }
0x93: {  	s14 =	sld [smem:$0x11];
	(tm) =	ssettm $0x1  }
0x94: {  	s15 =	sld [smem:$0x3FFB];
	_ =	sdelay $0x3  }
0x95: {  	_ =	strace s15  }
0x96: {  	s1 =	sld [smem:$0x3FFC];
	_ =	sdelay $0x3  }
0x97: {  	_ =	strace s1  }
0x98: {  	s1 =	sld [smem:$0x3FFD];
	_ =	sdelay $0x3  }
0x99: {  	_ =	strace s1  }
0x9a: {  	_ =	strace $0x8FFFFFFF  }
0x9b: {  	s16 =	sld [smem:$0x3FDB];
	_ =	sdelay $0x1  }
0x9c: {  	s17 =	simm.s32 $_scs_section_size  }
0x9d: {  	s3 =	simm.s32 $_size__tile_overlayer_lowered;
	s4 =	simm.s32 $_tile_overlayer_lowered  }
0x9e: {  	s20 =	simm.s32 $0x1BFF;
	s19 =	sshll.u32 s4, $0x1;
	s1 =	sadd.s32 s17, s16  }
0x9f: {  	s5 =	simm.s32 $0x0;
	s18 =	sshll.u32 s3, $0x1;
	s3 =	sadd.s32 s19, s1  }
0xa0: {  	[timem:s5], [sflag:s20] =	dma.local [hbm:s3], s18  }
0xa1: {  	_ =	swait.ge [sflag:s20], s18  }
0xa2: {  	s2 =	ssub.s32 $0x0, s18;
	[sflag:s20] =	ssyncset.done $0x0  }
0xa3: {  	[sflag:s20] =	ssyncadd.s32 s2;
	_ =	sdelay $0x1  }
0xa4: {  	s21 =	simm.s32 $0x1B8B  }
0xa5: {  	_ =	swait.ge [sflag:s21], $0x1  }
0xa6: {  	[sflag:s21] =	ssyncset.done $0x0  }
0xa7: {  	s23 =	simm.s32 $0x1B8E;
	s22 =	sld [smem:$0x3FFE];
	[sflag:s21] =	ssyncadd.s32 $0xFFFFFFFF  }
0xa8: {  	s24 =	simm.s32 $execute0_lowered;
	[smem:$0x3FD2] =	sst s23  }
0xa9: {  	s3 =	sshll.u32 s24, $0x1;
	_ =	strace $0x8000004C;
	[dreg:$0x1] =	wrdreg $0xFFFFFFFF  }
0xaa: {  	s25 =	simm.s32 $_size_execute0_lowered;
	s1 =	sadd.s32 s1, s3;
	[dreg:$0x0] =	wrdreg $0x0  }
0xab: {  	s3 =	sshll.u32 s25, $0x1;
	[dreg:$0x2] =	wrdreg s1  }
0xac: {  	[dreg:$0x3] =	wrdreg s3  }
0xad: {  	[dreg:$0x4] =	wrdreg $0xC0  }
0xae: {  	_ =	task [dreg:s5], $0x5FFFF  }
0xaf: {  	[dreg:$0x1] =	wrdreg $0xFFFFFFFF  }
0xb0: {  	[dreg:$0x0] =	wrdreg $0x60  }
0xb1: {  	[dreg:$0x2] =	wrdreg s14  }
0xb2: {  	[dreg:$0x3] =	wrdreg s22  }
0xb3: {  	[dreg:$0x4] =	wrdreg $0x20000  }
0xb4: {  	[dreg:$0x5] =	wrdreg $0xB  }
0xb5: {  	_ =	task.clear_ibuf [dreg:s5], $0x6FFFF;
	_ =	strace $0x9000004C  }
0xb6: {  	s26 =	simm.s32 $0xB;
	_ =	strace $0x8000004E  }
0xb7: {  	_ =	swait.ge [sflag:s26], $0x1  }
0xb8: {  	[sflag:s26] =	ssyncadd.s32 $0xFFFFFFFF  }
0xb9: {  	_ =	strace $0x9000004E  }
0xba: {  	_ =	sfence  }
0xbb: {  	s28 =	sld [smem:$0x0];
	_ =	sdelay $0x1  }
0xbc: {  	s29 =	srdreg.scid  }
0xbd: {  	s30 =	sshll.u32 s29, $0xD;
	s31 =	sshrl.u32 s29, $0x2  }
0xbe: {  	s2 =	sand.u32 $0x4000, s30;
	s1 =	sand.u32 $0x1, s29;
	s0 =	sadd.s32 s31, s28  }
0xbf: {  	s1 =	sor.u32 s2, s1;
	s0 =	sshll.u32 s0, $0x11  }
0xc0: {  	s0 =	sor.u32 s0, s1  }
0xc1: {  	s0 =	sadd.s32 $0x8F2B, s0  }
0xc2: {  	[sflag:s0] =	ssyncadd.remote.s32 $0x1  }
0xc3: {  	_ =	sfence.sel $0xFFFF  }
0xc4: {  	[dreg:$0x0] =	wrdreg $0xFFFFFFFF;
	(pc) =	sbr.abs _section_cstart, $3  }
0xc5: {  	[dreg:$0x1] =	wrdreg $0xFFFFFFFF  }
0xc6: {  	_ =	task.clear_ibuf [dreg:s5], $0x2FFFF;
	_ =	strace $0x9FFFFFFF  }
0xc7: {  	(tm) =	ssettm $0x7FFFFFFF  }
tec
execute0_lowered:
.L_overlay_start_1:
0x0: {  	(tag) =	ssettag $0x1  }
0x1: {  	s3 =	rddreg [dreg:$0x0]  }
0x2: {  	s10 =	rddreg [dreg:$0x1]  }
0x3: {  	s1 =	rddreg [dreg:$0x2]  }
0x4: {  	s0 =	rddreg [dreg:$0x3];
	s2 =	simm.s32 $0x0;
	s6 =	stileid.u32  }
0x5: {  	[smem:$0x7FF] =	sst s2;
	p0 =	sne.s32 s6, $0x0  }
0x6: {  	_ =	strace $0x8000004D;
	s4 =	sshrl.u32 @!p0 s1, $0x3;
	s5 =	simm.s32 @!p0 $0x1C05  }
0x7: {  	[spmem:s4], [sflag:s5] =	dma.local @!p0 [hbm:s3], $0x27100  }
0x8: {  	s3 =	simm.s32 @!p0 $0x5  }
0x9: {  	s26 =	sshll.u32 s6, $0x9;
	_ =	swait.ge @!p0 [sflag:s3], $0x27100  }
0xa: {  	s4 =	sadd.s32 s10, s26;
	[sflag:s3] =	ssyncset.done @!p0 $0x0  }
0xb: {  	s29 =	simm.s32 $0x6;
	s28 =	sadd.s32 $0x11880, s4;
	[sflag:s3] =	ssyncadd.s32 @!p0 $0xFFFD8F00  }
0xc: {  	[tilespmem:s2], [sflag:$0x6] =	stream.linear.gather [hbm4b:s28+s2], $0x1000, $0x38;
	[tilespmem:$0x1D880] =	vst v63  }
0xd: {  	_ =	swait.ge [sflag:s29], $0x1000  }
0xe: {  	[sflag:s29] =	ssyncset.done $0x0  }
0xf: {  	s30 =	simm.s32 $0x1000;
	s4 =	sadd.s32 $0x7A80, s4;
	[sflag:s29] =	ssyncadd.s32 $0xFFFFF000  }
0x10: {  	[tilespmem:s30], [sflag:$0x6] =	stream.linear.gather [hbm4b:s4+s2], $0x1000, $0x38;
	[tilespmem:$0x1D880] =	vst v63  }
0x11: {  	_ =	swait.ge [sflag:s29], $0x1000  }
0x12: {  	[sflag:s29] =	ssyncset.done $0x0  }
0x13: {  	s5 =	simm.s32 $0x1;
	[sflag:s29] =	ssyncadd.s32 $0xFFFFF000  }
0x14: {  	s3 =	simm.s32 $0x80;
	s4 =	simm.s32 $0x15880;
	[bflag:$0x0] =	sbarrier.arrive $0xFFFF  }
0x15: {  	[tilespmem:s4], [sflag:$0x1] =	stream.indirect.gather [spmem:s1], $0x80, s2, s3, $0xb8;
	[tilespmem:$0x1D880] =	vst v63  }
0x16: {  	_ =	swait.ge [sflag:s5], $0x4000  }
0x17: {  	s11 =	sadd.s32 $0x417800, s10;
	s12 =	sshll.u32 s6, $0x10;
	[sflag:s5] =	ssyncset.done $0x0  }
0x18: {  	s6 =	sadd.s32 s11, s12;
	[sflag:s5] =	ssyncadd.s32 $0xFFFFC000  }
0x19: {  	[hbm4b:s6+s2] =	stream.linear.scatter [tilespmem:s4], [sflag:$0x3], $0x4000, $0x38;
	[tilespmem:$0x1D880] =	vst v63  }
0x1a: {  	s7 =	simm.s32 $0x19880;
	s8 =	simm.s32 $0x2  }
0x1b: {  	[tilespmem:s7], [sflag:$0x2] =	stream.indirect.gather [spmem:s1], $0x80, s3, s3, $0xb8;
	[tilespmem:$0x1D880] =	vst v63  }
0x1c: {  	_ =	swait.ge [sflag:s8], $0x4000  }
0x1d: {  	[sflag:s8] =	ssyncset.done $0x0  }
0x1e: {  	s13 =	simm.s32 $0x100;
	s9 =	sadd.s32 $0x800, s6;
	[sflag:s8] =	ssyncadd.s32 $0xFFFFC000  }
0x1f: {  	[hbm4b:s9+s2] =	stream.linear.scatter [tilespmem:s7], [sflag:$0x4], $0x4000, $0x38;
	[tilespmem:$0x1D880] =	vst v63  }
0x20: {  	s14 =	simm.s32 $0x4;
	s15 =	simm.s32 $0x0;
	s9 =	simm.s32 $0x3  }
.Ltmp0:
0x21: {  	s10 =	sadd.s32 $0x517800, s10;
	_ =	swait.ge [sflag:s9], $0x4000;
	(pc) =	sbr.rel .LBB2_1-.Ltmp0, $4  }
0x22: {  	s16 =	simm.s32 $0x1;
	s31 =	sadd.s32 s12, s10;
	[sflag:s9] =	ssyncset.done $0x0  }
0x23: {  	s12 =	sadd.s32 s12, s11;
	s10 =	sadd.s32 $0xFFFF0000, s31;
	[sflag:s9] =	ssyncadd.s32 $0xFFFFC000  }
0x24: {  	[tilespmem:s4], [sflag:$0x1] =	stream.indirect.gather [spmem:s1], $0x80, s13, s3, $0xb8;
	[tilespmem:$0x1D880] =	vst v63  }
0x25: {  	s11 =	sadd.s32 $0xFFFF1800, s31;
	s12 =	sadd.s32 $0x1800, s12;
	s13 =	simm.s32 $0x200  }
.LBB2_2:
0x26: {  	s17 =	sadd.s32 s15, s12  }
0x27: {  	[hbm4b:s17+s2] =	stream.linear.scatter [tilespmem:s7], [sflag:$0x4], $0x4000, $0x38;
	[tilespmem:$0x1D880] =	vst v63  }
.LBB2_4:
0x28: {  	s15 =	sadd.s32 $0x1000, s15  }
0x29: {  	p1 =	sne.s32 s15, $0x1F000  }
.Ltmp1:
0x2a: {  	_ =	swait.ge [sflag:s9], $0x4000;
	(pc) =	sbr.rel @!p1 .LBB2_5-.Ltmp1, $4  }
0x2b: {  	[sflag:s9] =	ssyncset.done $0x0  }
0x2c: {  	[sflag:s9] =	ssyncadd.s32 $0xFFFFC000  }
0x2d: {  	[tilespmem:s4], [sflag:$0x1] =	stream.indirect.gather [spmem:s1], $0x80, s13, s3, $0xb8;
	[tilespmem:$0x1D880] =	vst v63  }
0x2e: {  	s16 =	sadd.s32 $0x1, s16;
	s13 =	sadd.s32 $0x100, s13  }
.LBB2_1:
0x2f: {  	p1 =	sgt.u32 s16, $0xF;
	s17 =	smov.u32 s6  }
0x30: {  	_ =	swait.ge [sflag:s5], $0x4000;
	s17 =	smov.u32 @p1 s10  }
0x31: {  	[sflag:s5] =	ssyncset.done $0x0;
	s17 =	sadd.s32 s15, s17  }
0x32: {  	[sflag:s5] =	ssyncadd.s32 $0xFFFFC000;
	s17 =	sadd.s32 $0x1000, s17  }
0x33: {  	[hbm4b:s17+s2] =	stream.linear.scatter [tilespmem:s4], [sflag:$0x3], $0x4000, $0x38;
	[tilespmem:$0x1D880] =	vst v63  }
0x34: {  	_ =	swait.ge [sflag:s14], $0x4000  }
0x35: {  	[sflag:s14] =	ssyncset.done $0x0  }
.Ltmp2:
0x36: {  	s31 =	sadd.s32 $0xFFFFFF80, s13;
	[sflag:s14] =	ssyncadd.s32 $0xFFFFC000;
	(pc) =	sbr.rel @!p1 .LBB2_2-.Ltmp2, $4  }
0x37: {  	[tilespmem:s7], [sflag:$0x2] =	stream.indirect.gather [spmem:s1], $0x80, s31, s3, $0xb8;
	[tilespmem:$0x1D880] =	vst v63  }
0x38: {  	_ =	swait.ge [sflag:s8], $0x4000  }
0x39: {  	[sflag:s8] =	ssyncset.done $0x0  }
0x3a: {  	[sflag:s8] =	ssyncadd.s32 $0xFFFFC000  }
0x3b: {  	p1 =	seq.s32 s15, $0x1E000  }
.Ltmp3:
0x3c: {  	_ = 	snop;
	(pc) =	sbr.rel @!p1 .LBB2_4-.Ltmp3, $3  }
0x3d: {  	_ =	sdelay $0x1  }
0x3e: {  	s17 =	sadd.s32 s15, s11  }
0x3f: {  	[hbm4b:s17+s2] =	stream.linear.scatter [tilespmem:s7], [sflag:$0x4], $0x4000, $0x38;
	[tilespmem:$0x1D880] =	vst v63  }
.LBB2_5:
0x40: {  	s1 =	simm.s32 $0x3  }
0x41: {  	_ =	swait.ge [sflag:s1], $0x4000  }
0x42: {  	[sflag:s1] =	ssyncset.done $0x0  }
0x43: {  	s31 =	simm.s32 $0x4;
	[sflag:s1] =	ssyncadd.s32 $0xFFFFC000  }
0x44: {  	_ =	swait.ge [sflag:s31], $0x4000  }
0x45: {  	[sflag:s31] =	ssyncset.done $0x0  }
0x46: {  	[sflag:s31] =	ssyncadd.s32 $0xFFFFC000  }
0x47: {  	_ =	sfence.sel $0x180000  }
0x48: {  	[bflag:$0x0] =	sbarrier.arrive $0xFFFF  }
0x49: {  	_ =	strace $0x9000004D  }
0x4a: {  	s0 =	sadd.s32 @!p0 $0x100000, s0;
	[bflag:$0x2] =	sbarrier.arrive $0xFFFF  }
0x4b: {  	[sflag:s0] =	ssyncadd.tile.s32 @!p0 $0x1;
	_ =	shalt  }
.Lfunc_end2:
_tile_overlayer_lowered:
.L_overlay_start_2:
0x4c: {  	(tag) =	ssettag $0x2  }
0x4d: {  	s0 =	rddreg [dreg:$0x0];
	s2 =	stileid.u32  }
0x4e: {  	s1 =	rddreg [dreg:$0x1];
	p0 =	sne.s32 s2, $0x0  }
0x4f: {  	s3 =	rddreg [dreg:$0x2];
	[bflag:$0x3] =	sbarrier.arrive $0xFFFF;
	s2 =	simm.s32 @!p0 $0x1C06  }
0x50: {  	[timem:s3], [sflag:s2] =	dma.local @!p0 [hbm:s0], s1  }
0x51: {  	s0 =	simm.s32 @!p0 $0x6  }
0x52: {  	_ =	swait.ge @!p0 [sflag:s0], s1  }
0x53: {  	s1 =	ssub.s32 @!p0 $0x0, s1;
	[sflag:s0] =	ssyncset.done @!p0 $0x0  }
0x54: {  	[sflag:s0] =	ssyncadd.s32 @!p0 s1  }
0x55: {  	[bflag:$0x3] =	sbarrier.arrive $0xFFFF  }
0x56: {  	_ =	shalt  }

// kernel: kernel.22.cloned.1.call-start
scs
__scs_entry_jumppad:
0x0: {  	(pc) =	sbr.rel $0x88, $3  }
0x1: {  	(tag) =	ssettag $0x0;
	lr =	simm.s32 $0x1  }
0x2: {  	[smem:$0x3F98] =	sst lr;
	_ =	strace $0xD0000000  }
0x3: {  	_ = 	snop  }
0x4: {  	_ = 	snop  }
0x5: {  	_ = 	snop  }
0x6: {  	_ = 	snop  }
0x7: {  	_ = 	snop  }
__scs_overlays_trampoline_lowered:
0x8: {  	[smem:$0x3FA7] =	sst s0  }
0x9: {  	[smem:$0x3FA8] =	sst s1  }
0xa: {  	[smem:$0x3FA9] =	sst s2  }
0xb: {  	[smem:$0x3FAA] =	sst s3  }
0xc: {  	[smem:$0x3FAB] =	sst s4  }
0xd: {  	[smem:$0x3FAC] =	sst s5  }
0xe: {  	[smem:$0x3FAD] =	sst s6  }
0xf: {  	[smem:$0x3FAE] =	sst s7  }
0x10: {  	[smem:$0x3FAF] =	sst s8  }
0x11: {  	[smem:$0x3FB0] =	sst s9;
	s0 =	simm.s32 @!p0 $0x0  }
0x12: {  	s1 =	sld [smem:$0x3F96];
	s0 =	simm.s32 @p0 $0x1  }
0x13: {  	[smem:$0x3FB1] =	sst s0;
	s0 =	simm.s32 @!p1 $0x0  }
0x14: {  	s2 =	sld [smem:$0x3F95];
	s0 =	simm.s32 @p1 $0x1  }
0x15: {  	[smem:$0x3FB2] =	sst s0;
	s0 =	simm.s32 @!p2 $0x0  }
0x16: {  	s3 =	sld [smem:$0x3FDB];
	s0 =	simm.s32 @p2 $0x1  }
0x17: {  	s4 =	simm.s32 $0x1BF5;
	[smem:$0x3FB4] =	sst s0  }
0x18: {  	s0 =	sld [smem:$0x3F97];
	_ =	swait.ge [sflag:s4], $0x0  }
0x19: {  	s7 =	sld [smem:$0x3F98]  }
0x1a: {  	s8 =	sadd.s32 $0xFFFFE003, lr  }
0x1b: {  	s9 =	sadd.s32 $0xFFFFFEF7, lr;
	s5 =	simm.s32 $0xFFFFFFFF;
	p2 =	slt.u32 s8, $0xFFFFF086  }
0x1c: {  	p1 =	slt.u32 s9, $0xF7A;
	s5 =	simm.s32 @!p2 $0x0  }
0x1d: {  	s5 =	simm.s32 @p1 $0x1;
	p0 =	seq.s32 s7, s2  }
0x1e: {  	s7 =	smul.u32 @!p0 $0xF7A, s2;
	p2 =	seq.s32 @!p0 s5, $0x0  }
0x1f: {  	s9 =	smul.u32 $0xF7A, s1;
	s8 =	simm.s32 @!p0 $0x1BF5;
	p2 =	por !p2, p0  }
0x20: {  	[sflag:s8] =	ssyncset.s32 @!p0 $0xFFFFF086;
	s6 =	sadd.s32 @!p0 s3, s7;
	s7 =	simm.s32 @!p0 $0x108  }
0x21: {  	s3 =	sadd.s32 s3, s9;
	s6 =	sadd.s32 @!p0 $0x88, s6;
	s7 =	simm.s32 @p2 $0x1082  }
0x22: {  	[simem:s7], [sflag:s8] =	dma.local @!p0 [hbm:s6], $0xF7A  }
0x23: {  	s9 =	sor.u32 $0xD0000000, s2;
	s6 =	simm.s32 $0x108;
	_ =	swait.ge @!p0 [sflag:s8], $0x0  }
0x24: {  	s3 =	sadd.s32 $0x88, s3;
	s6 =	simm.s32 @!p1 $0x1082;
	[sflag:s4] =	ssyncset.s32 $0xFFFFF086  }
0x25: {  	[simem:s6], [sflag:s4] =	dma.local [hbm:s3], $0xF7A  }
0x26: {  	[smem:$0x3F98] =	sst s1;
	(tag) =	ssettag s2;
	_ =	strace s9  }
0x27: {  	s1 =	sld [smem:$0x3FA8]  }
0x28: {  	s2 =	sld [smem:$0x3FA9]  }
0x29: {  	s4 =	sld [smem:$0x3FAB]  }
0x2a: {  	p0 =	seq.s32 s5, $0x0;
	s5 =	sld [smem:$0x3FAC]  }
0x2b: {  	s6 =	sld [smem:$0x3FAD]  }
0x2c: {  	s7 =	sld [smem:$0x3FAE]  }
0x2d: {  	s3 =	simm.s32 $0x108;
	s8 =	sld [smem:$0x3FAF]  }
0x2e: {  	s3 =	simm.s32 @!p0 $0x1082;
	s9 =	sld [smem:$0x3FB0]  }
0x2f: {  	lr =	sadd.s32 s0, s3;
	s0 =	sld [smem:$0x3FA7]  }
0x30: {  	s3 =	sld [smem:$0x3FAA]  }
0x31: {  	[smem:$0x3FB3] =	sst s10  }
0x32: {  	s10 =	sld [smem:$0x3FB1];
	_ =	sdelay $0x3  }
0x33: {  	p0 =	seq.s32 s10, $0x1;
	s10 =	sld [smem:$0x3FB3];
	_ =	sdelay $0x3  }
0x34: {  	[smem:$0x3FB3] =	sst s10  }
0x35: {  	s10 =	sld [smem:$0x3FB2];
	_ =	sdelay $0x3  }
0x36: {  	p1 =	seq.s32 s10, $0x1;
	s10 =	sld [smem:$0x3FB3];
	_ =	sdelay $0x3  }
0x37: {  	[smem:$0x3FB3] =	sst s10  }
0x38: {  	s10 =	sld [smem:$0x3FB4]  }
0x39: {  	_ = 	snop;
	(pc) =	sbr.ind lr, $3  }
0x3a: {  	_ = 	snop  }
0x3b: {  	_ = 	snop  }
0x3c: {  	p2 =	seq.s32 s10, $0x1;
	s10 =	sld [smem:$0x3FB3]  }
0x3d: {  	_ =	shalt  }
0x3e: {  	_ =	shalt  }
0x3f: {  	_ =	shalt  }
0x40: {  	_ =	shalt  }
0x41: {  	_ =	shalt  }
0x42: {  	_ =	shalt  }
0x43: {  	_ =	shalt  }
0x44: {  	_ =	shalt  }
0x45: {  	_ =	shalt  }
0x46: {  	_ =	shalt  }
0x47: {  	_ =	shalt  }
0x48: {  	_ =	shalt  }
0x49: {  	_ =	shalt  }
0x4a: {  	_ =	shalt  }
0x4b: {  	_ =	shalt  }
0x4c: {  	_ =	shalt  }
0x4d: {  	_ =	shalt  }
0x4e: {  	_ =	shalt  }
0x4f: {  	_ =	shalt  }
0x50: {  	_ =	shalt  }
0x51: {  	_ =	shalt  }
0x52: {  	_ =	shalt  }
0x53: {  	_ =	shalt  }
0x54: {  	_ =	shalt  }
0x55: {  	_ =	shalt  }
0x56: {  	_ =	shalt  }
0x57: {  	_ =	shalt  }
0x58: {  	_ =	shalt  }
0x59: {  	_ =	shalt  }
0x5a: {  	_ =	shalt  }
0x5b: {  	_ =	shalt  }
0x5c: {  	_ =	shalt  }
0x5d: {  	_ =	shalt  }
0x5e: {  	_ =	shalt  }
0x5f: {  	_ =	shalt  }
0x60: {  	_ =	shalt  }
0x61: {  	_ =	shalt  }
0x62: {  	_ =	shalt  }
0x63: {  	_ =	shalt  }
0x64: {  	_ =	shalt  }
0x65: {  	_ =	shalt  }
0x66: {  	_ =	shalt  }
0x67: {  	_ =	shalt  }
0x68: {  	_ =	shalt  }
0x69: {  	_ =	shalt  }
0x6a: {  	_ =	shalt  }
0x6b: {  	_ =	shalt  }
0x6c: {  	_ =	shalt  }
0x6d: {  	_ =	shalt  }
0x6e: {  	_ =	shalt  }
0x6f: {  	_ =	shalt  }
0x70: {  	_ =	shalt  }
0x71: {  	_ =	shalt  }
0x72: {  	_ =	shalt  }
0x73: {  	_ =	shalt  }
0x74: {  	_ =	shalt  }
0x75: {  	_ =	shalt  }
0x76: {  	_ =	shalt  }
0x77: {  	_ =	shalt  }
0x78: {  	_ =	shalt  }
0x79: {  	_ =	shalt  }
0x7a: {  	_ =	shalt  }
0x7b: {  	_ =	shalt  }
0x7c: {  	_ =	shalt  }
0x7d: {  	_ =	shalt  }
0x7e: {  	_ =	shalt  }
0x7f: {  	_ =	shalt  }
0x80: {  	_ =	shalt  }
0x81: {  	_ =	shalt  }
0x82: {  	_ =	shalt  }
0x83: {  	_ =	shalt  }
0x84: {  	_ =	shalt  }
0x85: {  	_ =	shalt  }
0x86: {  	_ =	shalt  }
0x87: {  	_ =	shalt  }
.Lfunc_end0:
.L_simem_size_0:
called_computation.3_lowered:
.L_overlay_start_0:
0x88: {  	s0 =	sld [smem:$0x3FD9]  }
0x89: {  	s1 =	sld [smem:$0x3FFE];
	_ =	sdelay $0x3  }
0x8a: {  	s0 =	sadd.s32 s1, s0  }
0x8b: {  	[smem:$0x3FBF] =	sst s0  }
0x8c: {  	_ = 	snop  }
0x8d: {  	s0 =	sld [smem:$0x3FD0];
	_ =	sdelay $0x2  }
0x8e: {  	s13 =	simm.s32 $0xE;
	s2 =	simm.s32 $0x10  }
0x8f: {  	[smem:s2], [sflag:s13] =	dma.local [hbm:s0], $0x1  }
0x90: {  	_ =	swait.eq [sflag:s13], $0x1  }
0x91: {  	[sflag:s13] =	ssyncset.done $0x0  }
0x92: {  	[sflag:s13] =	ssyncadd.s32 $0xFFFFFFFF  }
0x93: {  	s14 =	sld [smem:$0x11];
	(tm) =	ssettm $0x1  }
0x94: {  	s15 =	sld [smem:$0x3FFB];
	_ =	sdelay $0x3  }
0x95: {  	_ =	strace s15  }
0x96: {  	s1 =	sld [smem:$0x3FFC];
	_ =	sdelay $0x3  }
0x97: {  	_ =	strace s1  }
0x98: {  	s1 =	sld [smem:$0x3FFD];
	_ =	sdelay $0x3  }
0x99: {  	_ =	strace s1  }
0x9a: {  	_ =	strace $0x8FFFFFFF  }
0x9b: {  	s16 =	sld [smem:$0x3FDB];
	_ =	sdelay $0x1  }
0x9c: {  	s17 =	simm.s32 $_scs_section_size  }
0x9d: {  	s3 =	simm.s32 $_size__tile_overlayer_lowered;
	s4 =	simm.s32 $_tile_overlayer_lowered  }
0x9e: {  	s20 =	simm.s32 $0x1BFF;
	s19 =	sshll.u32 s4, $0x1;
	s1 =	sadd.s32 s17, s16  }
0x9f: {  	s5 =	simm.s32 $0x0;
	s18 =	sshll.u32 s3, $0x1;
	s3 =	sadd.s32 s19, s1  }
0xa0: {  	[timem:s5], [sflag:s20] =	dma.local [hbm:s3], s18  }
0xa1: {  	_ =	swait.ge [sflag:s20], s18  }
0xa2: {  	s2 =	ssub.s32 $0x0, s18;
	[sflag:s20] =	ssyncset.done $0x0  }
0xa3: {  	[sflag:s20] =	ssyncadd.s32 s2;
	_ =	sdelay $0x1  }
0xa4: {  	s21 =	simm.s32 $0x1B8B  }
0xa5: {  	_ =	swait.ge [sflag:s21], $0x1  }
0xa6: {  	[sflag:s21] =	ssyncset.done $0x0  }
0xa7: {  	s23 =	simm.s32 $0x1B8E;
	s22 =	sld [smem:$0x3FFE];
	[sflag:s21] =	ssyncadd.s32 $0xFFFFFFFF  }
0xa8: {  	s24 =	simm.s32 $execute0_lowered;
	[smem:$0x3FD2] =	sst s23  }
0xa9: {  	s3 =	sshll.u32 s24, $0x1;
	_ =	strace $0x8000004F;
	[dreg:$0x1] =	wrdreg $0xFFFFFFFF  }
0xaa: {  	s25 =	simm.s32 $_size_execute0_lowered;
	s1 =	sadd.s32 s1, s3;
	[dreg:$0x0] =	wrdreg $0x0  }
0xab: {  	s3 =	sshll.u32 s25, $0x1;
	[dreg:$0x2] =	wrdreg s1  }
0xac: {  	[dreg:$0x3] =	wrdreg s3  }
0xad: {  	[dreg:$0x4] =	wrdreg $0xC0  }
0xae: {  	_ =	task [dreg:s5], $0x5FFFF  }
0xaf: {  	[dreg:$0x1] =	wrdreg $0xFFFFFFFF  }
0xb0: {  	[dreg:$0x0] =	wrdreg $0x60  }
0xb1: {  	[dreg:$0x2] =	wrdreg s14  }
0xb2: {  	[dreg:$0x3] =	wrdreg s22  }
0xb3: {  	[dreg:$0x4] =	wrdreg $0x20000  }
0xb4: {  	[dreg:$0x5] =	wrdreg $0xC  }
0xb5: {  	_ =	task.clear_ibuf [dreg:s5], $0x6FFFF;
	_ =	strace $0x9000004F  }
0xb6: {  	s26 =	simm.s32 $0xC;
	_ =	strace $0x80000051  }
0xb7: {  	_ =	swait.ge [sflag:s26], $0x1  }
0xb8: {  	[sflag:s26] =	ssyncadd.s32 $0xFFFFFFFF  }
0xb9: {  	_ =	strace $0x90000051  }
0xba: {  	_ =	sfence  }
0xbb: {  	s28 =	sld [smem:$0x0];
	_ =	sdelay $0x1  }
0xbc: {  	s29 =	srdreg.scid  }
0xbd: {  	s30 =	sshll.u32 s29, $0xD;
	s31 =	sshrl.u32 s29, $0x2  }
0xbe: {  	s2 =	sand.u32 $0x4000, s30;
	s1 =	sand.u32 $0x1, s29;
	s0 =	sadd.s32 s31, s28  }
0xbf: {  	s1 =	sor.u32 s2, s1;
	s0 =	sshll.u32 s0, $0x11  }
0xc0: {  	s0 =	sor.u32 s0, s1  }
0xc1: {  	s0 =	sadd.s32 $0x8F2B, s0  }
0xc2: {  	[sflag:s0] =	ssyncadd.remote.s32 $0x1  }
0xc3: {  	_ =	sfence.sel $0xFFFF  }
0xc4: {  	[dreg:$0x0] =	wrdreg $0xFFFFFFFF;
	(pc) =	sbr.abs _section_cstart, $3  }
0xc5: {  	[dreg:$0x1] =	wrdreg $0xFFFFFFFF  }
0xc6: {  	_ =	task.clear_ibuf [dreg:s5], $0x2FFFF;
	_ =	strace $0x9FFFFFFF  }
0xc7: {  	(tm) =	ssettm $0x7FFFFFFF  }
tec
execute0_lowered:
.L_overlay_start_1:
0x0: {  	(tag) =	ssettag $0x1  }
0x1: {  	s3 =	rddreg [dreg:$0x0]  }
0x2: {  	s10 =	rddreg [dreg:$0x1]  }
0x3: {  	s1 =	rddreg [dreg:$0x2]  }
0x4: {  	s0 =	rddreg [dreg:$0x3];
	s2 =	simm.s32 $0x0;
	s6 =	stileid.u32  }
0x5: {  	[smem:$0x7FF] =	sst s2;
	p0 =	sne.s32 s6, $0x0  }
0x6: {  	_ =	strace $0x80000050;
	s4 =	sshrl.u32 @!p0 s1, $0x3;
	s5 =	simm.s32 @!p0 $0x1C05  }
0x7: {  	[spmem:s4], [sflag:s5] =	dma.local @!p0 [hbm:s3], $0x27100  }
0x8: {  	s3 =	simm.s32 @!p0 $0x5  }
0x9: {  	s26 =	sshll.u32 s6, $0x9;
	_ =	swait.ge @!p0 [sflag:s3], $0x27100  }
0xa: {  	s4 =	sadd.s32 s10, s26;
	[sflag:s3] =	ssyncset.done @!p0 $0x0  }
0xb: {  	s29 =	simm.s32 $0x6;
	s28 =	sadd.s32 $0x137C0, s4;
	[sflag:s3] =	ssyncadd.s32 @!p0 $0xFFFD8F00  }
0xc: {  	[tilespmem:s2], [sflag:$0x6] =	stream.linear.gather [hbm4b:s28+s2], $0x1000, $0x38;
	[tilespmem:$0x1D880] =	vst v63  }
0xd: {  	_ =	swait.ge [sflag:s29], $0x1000  }
0xe: {  	[sflag:s29] =	ssyncset.done $0x0  }
0xf: {  	s30 =	simm.s32 $0x1000;
	s4 =	sadd.s32 $0x99C0, s4;
	[sflag:s29] =	ssyncadd.s32 $0xFFFFF000  }
0x10: {  	[tilespmem:s30], [sflag:$0x6] =	stream.linear.gather [hbm4b:s4+s2], $0x1000, $0x38;
	[tilespmem:$0x1D880] =	vst v63  }
0x11: {  	_ =	swait.ge [sflag:s29], $0x1000  }
0x12: {  	[sflag:s29] =	ssyncset.done $0x0  }
0x13: {  	s5 =	simm.s32 $0x1;
	[sflag:s29] =	ssyncadd.s32 $0xFFFFF000  }
0x14: {  	s3 =	simm.s32 $0x80;
	s4 =	simm.s32 $0x15880;
	[bflag:$0x0] =	sbarrier.arrive $0xFFFF  }
0x15: {  	[tilespmem:s4], [sflag:$0x1] =	stream.indirect.gather [spmem:s1], $0x80, s2, s3, $0xb8;
	[tilespmem:$0x1D880] =	vst v63  }
0x16: {  	_ =	swait.ge [sflag:s5], $0x4000  }
0x17: {  	s11 =	sadd.s32 $0x617800, s10;
	s12 =	sshll.u32 s6, $0x10;
	[sflag:s5] =	ssyncset.done $0x0  }
0x18: {  	s6 =	sadd.s32 s11, s12;
	[sflag:s5] =	ssyncadd.s32 $0xFFFFC000  }
0x19: {  	[hbm4b:s6+s2] =	stream.linear.scatter [tilespmem:s4], [sflag:$0x3], $0x4000, $0x38;
	[tilespmem:$0x1D880] =	vst v63  }
0x1a: {  	s7 =	simm.s32 $0x19880;
	s8 =	simm.s32 $0x2  }
0x1b: {  	[tilespmem:s7], [sflag:$0x2] =	stream.indirect.gather [spmem:s1], $0x80, s3, s3, $0xb8;
	[tilespmem:$0x1D880] =	vst v63  }
0x1c: {  	_ =	swait.ge [sflag:s8], $0x4000  }
0x1d: {  	[sflag:s8] =	ssyncset.done $0x0  }
0x1e: {  	s13 =	simm.s32 $0x100;
	s9 =	sadd.s32 $0x800, s6;
	[sflag:s8] =	ssyncadd.s32 $0xFFFFC000  }
0x1f: {  	[hbm4b:s9+s2] =	stream.linear.scatter [tilespmem:s7], [sflag:$0x4], $0x4000, $0x38;
	[tilespmem:$0x1D880] =	vst v63  }
0x20: {  	s14 =	simm.s32 $0x4;
	s15 =	simm.s32 $0x0;
	s9 =	simm.s32 $0x3  }
.Ltmp0:
0x21: {  	s10 =	sadd.s32 $0x717800, s10;
	_ =	swait.ge [sflag:s9], $0x4000;
	(pc) =	sbr.rel .LBB2_1-.Ltmp0, $4  }
0x22: {  	s16 =	simm.s32 $0x1;
	s31 =	sadd.s32 s12, s10;
	[sflag:s9] =	ssyncset.done $0x0  }
0x23: {  	s12 =	sadd.s32 s12, s11;
	s10 =	sadd.s32 $0xFFFF0000, s31;
	[sflag:s9] =	ssyncadd.s32 $0xFFFFC000  }
0x24: {  	[tilespmem:s4], [sflag:$0x1] =	stream.indirect.gather [spmem:s1], $0x80, s13, s3, $0xb8;
	[tilespmem:$0x1D880] =	vst v63  }
0x25: {  	s11 =	sadd.s32 $0xFFFF1800, s31;
	s12 =	sadd.s32 $0x1800, s12;
	s13 =	simm.s32 $0x200  }
.LBB2_2:
0x26: {  	s17 =	sadd.s32 s15, s12  }
0x27: {  	[hbm4b:s17+s2] =	stream.linear.scatter [tilespmem:s7], [sflag:$0x4], $0x4000, $0x38;
	[tilespmem:$0x1D880] =	vst v63  }
.LBB2_4:
0x28: {  	s15 =	sadd.s32 $0x1000, s15  }
0x29: {  	p1 =	sne.s32 s15, $0x1F000  }
.Ltmp1:
0x2a: {  	_ =	swait.ge [sflag:s9], $0x4000;
	(pc) =	sbr.rel @!p1 .LBB2_5-.Ltmp1, $4  }
0x2b: {  	[sflag:s9] =	ssyncset.done $0x0  }
0x2c: {  	[sflag:s9] =	ssyncadd.s32 $0xFFFFC000  }
0x2d: {  	[tilespmem:s4], [sflag:$0x1] =	stream.indirect.gather [spmem:s1], $0x80, s13, s3, $0xb8;
	[tilespmem:$0x1D880] =	vst v63  }
0x2e: {  	s16 =	sadd.s32 $0x1, s16;
	s13 =	sadd.s32 $0x100, s13  }
.LBB2_1:
0x2f: {  	p1 =	sgt.u32 s16, $0xF;
	s17 =	smov.u32 s6  }
0x30: {  	_ =	swait.ge [sflag:s5], $0x4000;
	s17 =	smov.u32 @p1 s10  }
0x31: {  	[sflag:s5] =	ssyncset.done $0x0;
	s17 =	sadd.s32 s15, s17  }
0x32: {  	[sflag:s5] =	ssyncadd.s32 $0xFFFFC000;
	s17 =	sadd.s32 $0x1000, s17  }
0x33: {  	[hbm4b:s17+s2] =	stream.linear.scatter [tilespmem:s4], [sflag:$0x3], $0x4000, $0x38;
	[tilespmem:$0x1D880] =	vst v63  }
0x34: {  	_ =	swait.ge [sflag:s14], $0x4000  }
0x35: {  	[sflag:s14] =	ssyncset.done $0x0  }
.Ltmp2:
0x36: {  	s31 =	sadd.s32 $0xFFFFFF80, s13;
	[sflag:s14] =	ssyncadd.s32 $0xFFFFC000;
	(pc) =	sbr.rel @!p1 .LBB2_2-.Ltmp2, $4  }
0x37: {  	[tilespmem:s7], [sflag:$0x2] =	stream.indirect.gather [spmem:s1], $0x80, s31, s3, $0xb8;
	[tilespmem:$0x1D880] =	vst v63  }
0x38: {  	_ =	swait.ge [sflag:s8], $0x4000  }
0x39: {  	[sflag:s8] =	ssyncset.done $0x0  }
0x3a: {  	[sflag:s8] =	ssyncadd.s32 $0xFFFFC000  }
0x3b: {  	p1 =	seq.s32 s15, $0x1E000  }
.Ltmp3:
0x3c: {  	_ = 	snop;
	(pc) =	sbr.rel @!p1 .LBB2_4-.Ltmp3, $3  }
0x3d: {  	_ =	sdelay $0x1  }
0x3e: {  	s17 =	sadd.s32 s15, s11  }
0x3f: {  	[hbm4b:s17+s2] =	stream.linear.scatter [tilespmem:s7], [sflag:$0x4], $0x4000, $0x38;
	[tilespmem:$0x1D880] =	vst v63  }
.LBB2_5:
0x40: {  	s1 =	simm.s32 $0x3  }
0x41: {  	_ =	swait.ge [sflag:s1], $0x4000  }
0x42: {  	[sflag:s1] =	ssyncset.done $0x0  }
0x43: {  	s31 =	simm.s32 $0x4;
	[sflag:s1] =	ssyncadd.s32 $0xFFFFC000  }
0x44: {  	_ =	swait.ge [sflag:s31], $0x4000  }
0x45: {  	[sflag:s31] =	ssyncset.done $0x0  }
0x46: {  	[sflag:s31] =	ssyncadd.s32 $0xFFFFC000  }
0x47: {  	_ =	sfence.sel $0x180000  }
0x48: {  	[bflag:$0x0] =	sbarrier.arrive $0xFFFF  }
0x49: {  	_ =	strace $0x90000050  }
0x4a: {  	s0 =	sadd.s32 @!p0 $0x100000, s0;
	[bflag:$0x2] =	sbarrier.arrive $0xFFFF  }
0x4b: {  	[sflag:s0] =	ssyncadd.tile.s32 @!p0 $0x1;
	_ =	shalt  }
.Lfunc_end2:
_tile_overlayer_lowered:
.L_overlay_start_2:
0x4c: {  	(tag) =	ssettag $0x2  }
0x4d: {  	s0 =	rddreg [dreg:$0x0];
	s2 =	stileid.u32  }
0x4e: {  	s1 =	rddreg [dreg:$0x1];
	p0 =	sne.s32 s2, $0x0  }
0x4f: {  	s3 =	rddreg [dreg:$0x2];
	[bflag:$0x3] =	sbarrier.arrive $0xFFFF;
	s2 =	simm.s32 @!p0 $0x1C06  }
0x50: {  	[timem:s3], [sflag:s2] =	dma.local @!p0 [hbm:s0], s1  }
0x51: {  	s0 =	simm.s32 @!p0 $0x6  }
0x52: {  	_ =	swait.ge @!p0 [sflag:s0], s1  }
0x53: {  	s1 =	ssub.s32 @!p0 $0x0, s1;
	[sflag:s0] =	ssyncset.done @!p0 $0x0  }
0x54: {  	[sflag:s0] =	ssyncadd.s32 @!p0 s1  }
0x55: {  	[bflag:$0x3] =	sbarrier.arrive $0xFFFF  }
0x56: {  	_ =	shalt  }

// kernel: kernel.25.cloned.1.call-start
scs
__scs_entry_jumppad:
0x0: {  	(pc) =	sbr.rel $0x88, $3  }
0x1: {  	(tag) =	ssettag $0x0;
	lr =	simm.s32 $0x1  }
0x2: {  	[smem:$0x3F98] =	sst lr;
	_ =	strace $0xD0000000  }
0x3: {  	_ = 	snop  }
0x4: {  	_ = 	snop  }
0x5: {  	_ = 	snop  }
0x6: {  	_ = 	snop  }
0x7: {  	_ = 	snop  }
__scs_overlays_trampoline_lowered:
0x8: {  	[smem:$0x3FA7] =	sst s0  }
0x9: {  	[smem:$0x3FA8] =	sst s1  }
0xa: {  	[smem:$0x3FA9] =	sst s2  }
0xb: {  	[smem:$0x3FAA] =	sst s3  }
0xc: {  	[smem:$0x3FAB] =	sst s4  }
0xd: {  	[smem:$0x3FAC] =	sst s5  }
0xe: {  	[smem:$0x3FAD] =	sst s6  }
0xf: {  	[smem:$0x3FAE] =	sst s7  }
0x10: {  	[smem:$0x3FAF] =	sst s8  }
0x11: {  	[smem:$0x3FB0] =	sst s9;
	s0 =	simm.s32 @!p0 $0x0  }
0x12: {  	s1 =	sld [smem:$0x3F96];
	s0 =	simm.s32 @p0 $0x1  }
0x13: {  	[smem:$0x3FB1] =	sst s0;
	s0 =	simm.s32 @!p1 $0x0  }
0x14: {  	s2 =	sld [smem:$0x3F95];
	s0 =	simm.s32 @p1 $0x1  }
0x15: {  	[smem:$0x3FB2] =	sst s0;
	s0 =	simm.s32 @!p2 $0x0  }
0x16: {  	s3 =	sld [smem:$0x3FDB];
	s0 =	simm.s32 @p2 $0x1  }
0x17: {  	s4 =	simm.s32 $0x1BF5;
	[smem:$0x3FB4] =	sst s0  }
0x18: {  	s0 =	sld [smem:$0x3F97];
	_ =	swait.ge [sflag:s4], $0x0  }
0x19: {  	s7 =	sld [smem:$0x3F98]  }
0x1a: {  	s8 =	sadd.s32 $0xFFFFE003, lr  }
0x1b: {  	s9 =	sadd.s32 $0xFFFFFEF7, lr;
	s5 =	simm.s32 $0xFFFFFFFF;
	p2 =	slt.u32 s8, $0xFFFFF086  }
0x1c: {  	p1 =	slt.u32 s9, $0xF7A;
	s5 =	simm.s32 @!p2 $0x0  }
0x1d: {  	s5 =	simm.s32 @p1 $0x1;
	p0 =	seq.s32 s7, s2  }
0x1e: {  	s7 =	smul.u32 @!p0 $0xF7A, s2;
	p2 =	seq.s32 @!p0 s5, $0x0  }
0x1f: {  	s9 =	smul.u32 $0xF7A, s1;
	s8 =	simm.s32 @!p0 $0x1BF5;
	p2 =	por !p2, p0  }
0x20: {  	[sflag:s8] =	ssyncset.s32 @!p0 $0xFFFFF086;
	s6 =	sadd.s32 @!p0 s3, s7;
	s7 =	simm.s32 @!p0 $0x108  }
0x21: {  	s3 =	sadd.s32 s3, s9;
	s6 =	sadd.s32 @!p0 $0x88, s6;
	s7 =	simm.s32 @p2 $0x1082  }
0x22: {  	[simem:s7], [sflag:s8] =	dma.local @!p0 [hbm:s6], $0xF7A  }
0x23: {  	s9 =	sor.u32 $0xD0000000, s2;
	s6 =	simm.s32 $0x108;
	_ =	swait.ge @!p0 [sflag:s8], $0x0  }
0x24: {  	s3 =	sadd.s32 $0x88, s3;
	s6 =	simm.s32 @!p1 $0x1082;
	[sflag:s4] =	ssyncset.s32 $0xFFFFF086  }
0x25: {  	[simem:s6], [sflag:s4] =	dma.local [hbm:s3], $0xF7A  }
0x26: {  	[smem:$0x3F98] =	sst s1;
	(tag) =	ssettag s2;
	_ =	strace s9  }
0x27: {  	s1 =	sld [smem:$0x3FA8]  }
0x28: {  	s2 =	sld [smem:$0x3FA9]  }
0x29: {  	s4 =	sld [smem:$0x3FAB]  }
0x2a: {  	p0 =	seq.s32 s5, $0x0;
	s5 =	sld [smem:$0x3FAC]  }
0x2b: {  	s6 =	sld [smem:$0x3FAD]  }
0x2c: {  	s7 =	sld [smem:$0x3FAE]  }
0x2d: {  	s3 =	simm.s32 $0x108;
	s8 =	sld [smem:$0x3FAF]  }
0x2e: {  	s3 =	simm.s32 @!p0 $0x1082;
	s9 =	sld [smem:$0x3FB0]  }
0x2f: {  	lr =	sadd.s32 s0, s3;
	s0 =	sld [smem:$0x3FA7]  }
0x30: {  	s3 =	sld [smem:$0x3FAA]  }
0x31: {  	[smem:$0x3FB3] =	sst s10  }
0x32: {  	s10 =	sld [smem:$0x3FB1];
	_ =	sdelay $0x3  }
0x33: {  	p0 =	seq.s32 s10, $0x1;
	s10 =	sld [smem:$0x3FB3];
	_ =	sdelay $0x3  }
0x34: {  	[smem:$0x3FB3] =	sst s10  }
0x35: {  	s10 =	sld [smem:$0x3FB2];
	_ =	sdelay $0x3  }
0x36: {  	p1 =	seq.s32 s10, $0x1;
	s10 =	sld [smem:$0x3FB3];
	_ =	sdelay $0x3  }
0x37: {  	[smem:$0x3FB3] =	sst s10  }
0x38: {  	s10 =	sld [smem:$0x3FB4]  }
0x39: {  	_ = 	snop;
	(pc) =	sbr.ind lr, $3  }
0x3a: {  	_ = 	snop  }
0x3b: {  	_ = 	snop  }
0x3c: {  	p2 =	seq.s32 s10, $0x1;
	s10 =	sld [smem:$0x3FB3]  }
0x3d: {  	_ =	shalt  }
0x3e: {  	_ =	shalt  }
0x3f: {  	_ =	shalt  }
0x40: {  	_ =	shalt  }
0x41: {  	_ =	shalt  }
0x42: {  	_ =	shalt  }
0x43: {  	_ =	shalt  }
0x44: {  	_ =	shalt  }
0x45: {  	_ =	shalt  }
0x46: {  	_ =	shalt  }
0x47: {  	_ =	shalt  }
0x48: {  	_ =	shalt  }
0x49: {  	_ =	shalt  }
0x4a: {  	_ =	shalt  }
0x4b: {  	_ =	shalt  }
0x4c: {  	_ =	shalt  }
0x4d: {  	_ =	shalt  }
0x4e: {  	_ =	shalt  }
0x4f: {  	_ =	shalt  }
0x50: {  	_ =	shalt  }
0x51: {  	_ =	shalt  }
0x52: {  	_ =	shalt  }
0x53: {  	_ =	shalt  }
0x54: {  	_ =	shalt  }
0x55: {  	_ =	shalt  }
0x56: {  	_ =	shalt  }
0x57: {  	_ =	shalt  }
0x58: {  	_ =	shalt  }
0x59: {  	_ =	shalt  }
0x5a: {  	_ =	shalt  }
0x5b: {  	_ =	shalt  }
0x5c: {  	_ =	shalt  }
0x5d: {  	_ =	shalt  }
0x5e: {  	_ =	shalt  }
0x5f: {  	_ =	shalt  }
0x60: {  	_ =	shalt  }
0x61: {  	_ =	shalt  }
0x62: {  	_ =	shalt  }
0x63: {  	_ =	shalt  }
0x64: {  	_ =	shalt  }
0x65: {  	_ =	shalt  }
0x66: {  	_ =	shalt  }
0x67: {  	_ =	shalt  }
0x68: {  	_ =	shalt  }
0x69: {  	_ =	shalt  }
0x6a: {  	_ =	shalt  }
0x6b: {  	_ =	shalt  }
0x6c: {  	_ =	shalt  }
0x6d: {  	_ =	shalt  }
0x6e: {  	_ =	shalt  }
0x6f: {  	_ =	shalt  }
0x70: {  	_ =	shalt  }
0x71: {  	_ =	shalt  }
0x72: {  	_ =	shalt  }
0x73: {  	_ =	shalt  }
0x74: {  	_ =	shalt  }
0x75: {  	_ =	shalt  }
0x76: {  	_ =	shalt  }
0x77: {  	_ =	shalt  }
0x78: {  	_ =	shalt  }
0x79: {  	_ =	shalt  }
0x7a: {  	_ =	shalt  }
0x7b: {  	_ =	shalt  }
0x7c: {  	_ =	shalt  }
0x7d: {  	_ =	shalt  }
0x7e: {  	_ =	shalt  }
0x7f: {  	_ =	shalt  }
0x80: {  	_ =	shalt  }
0x81: {  	_ =	shalt  }
0x82: {  	_ =	shalt  }
0x83: {  	_ =	shalt  }
0x84: {  	_ =	shalt  }
0x85: {  	_ =	shalt  }
0x86: {  	_ =	shalt  }
0x87: {  	_ =	shalt  }
.Lfunc_end0:
.L_simem_size_0:
called_computation.4_lowered:
.L_overlay_start_0:
0x88: {  	s0 =	sld [smem:$0x3FD9]  }
0x89: {  	s1 =	sld [smem:$0x3FFE];
	_ =	sdelay $0x3  }
0x8a: {  	s0 =	sadd.s32 s1, s0  }
0x8b: {  	[smem:$0x3FBF] =	sst s0  }
0x8c: {  	_ = 	snop  }
0x8d: {  	s0 =	sld [smem:$0x3FD0];
	_ =	sdelay $0x2  }
0x8e: {  	s13 =	simm.s32 $0xE;
	s2 =	simm.s32 $0x10  }
0x8f: {  	[smem:s2], [sflag:s13] =	dma.local [hbm:s0], $0x1  }
0x90: {  	_ =	swait.eq [sflag:s13], $0x1  }
0x91: {  	[sflag:s13] =	ssyncset.done $0x0  }
0x92: {  	[sflag:s13] =	ssyncadd.s32 $0xFFFFFFFF  }
0x93: {  	s14 =	sld [smem:$0x11];
	(tm) =	ssettm $0x1  }
0x94: {  	s15 =	sld [smem:$0x3FFB];
	_ =	sdelay $0x3  }
0x95: {  	_ =	strace s15  }
0x96: {  	s1 =	sld [smem:$0x3FFC];
	_ =	sdelay $0x3  }
0x97: {  	_ =	strace s1  }
0x98: {  	s1 =	sld [smem:$0x3FFD];
	_ =	sdelay $0x3  }
0x99: {  	_ =	strace s1  }
0x9a: {  	_ =	strace $0x8FFFFFFF  }
0x9b: {  	s16 =	sld [smem:$0x3FDB];
	_ =	sdelay $0x1  }
0x9c: {  	s17 =	simm.s32 $_scs_section_size  }
0x9d: {  	s3 =	simm.s32 $_size__tile_overlayer_lowered;
	s4 =	simm.s32 $_tile_overlayer_lowered  }
0x9e: {  	s20 =	simm.s32 $0x1BFF;
	s19 =	sshll.u32 s4, $0x1;
	s1 =	sadd.s32 s17, s16  }
0x9f: {  	s5 =	simm.s32 $0x0;
	s18 =	sshll.u32 s3, $0x1;
	s3 =	sadd.s32 s19, s1  }
0xa0: {  	[timem:s5], [sflag:s20] =	dma.local [hbm:s3], s18  }
0xa1: {  	_ =	swait.ge [sflag:s20], s18  }
0xa2: {  	s2 =	ssub.s32 $0x0, s18;
	[sflag:s20] =	ssyncset.done $0x0  }
0xa3: {  	[sflag:s20] =	ssyncadd.s32 s2;
	_ =	sdelay $0x1  }
0xa4: {  	s21 =	simm.s32 $0x1B8B  }
0xa5: {  	_ =	swait.ge [sflag:s21], $0x1  }
0xa6: {  	[sflag:s21] =	ssyncset.done $0x0  }
0xa7: {  	s23 =	simm.s32 $0x1B8E;
	s22 =	sld [smem:$0x3FFE];
	[sflag:s21] =	ssyncadd.s32 $0xFFFFFFFF  }
0xa8: {  	s24 =	simm.s32 $execute0_lowered;
	[smem:$0x3FD2] =	sst s23  }
0xa9: {  	s3 =	sshll.u32 s24, $0x1;
	_ =	strace $0x80000052;
	[dreg:$0x1] =	wrdreg $0xFFFFFFFF  }
0xaa: {  	s25 =	simm.s32 $_size_execute0_lowered;
	s1 =	sadd.s32 s1, s3;
	[dreg:$0x0] =	wrdreg $0x0  }
0xab: {  	s3 =	sshll.u32 s25, $0x1;
	[dreg:$0x2] =	wrdreg s1  }
0xac: {  	[dreg:$0x3] =	wrdreg s3  }
0xad: {  	[dreg:$0x4] =	wrdreg $0xC0  }
0xae: {  	_ =	task [dreg:s5], $0x5FFFF  }
0xaf: {  	[dreg:$0x1] =	wrdreg $0xFFFFFFFF  }
0xb0: {  	[dreg:$0x0] =	wrdreg $0x60  }
0xb1: {  	[dreg:$0x2] =	wrdreg s14  }
0xb2: {  	[dreg:$0x3] =	wrdreg s22  }
0xb3: {  	[dreg:$0x4] =	wrdreg $0x20000  }
0xb4: {  	[dreg:$0x5] =	wrdreg $0xD  }
0xb5: {  	_ =	task.clear_ibuf [dreg:s5], $0x6FFFF;
	_ =	strace $0x90000052  }
0xb6: {  	s26 =	simm.s32 $0xD;
	_ =	strace $0x80000054  }
0xb7: {  	_ =	swait.ge [sflag:s26], $0x1  }
0xb8: {  	[sflag:s26] =	ssyncadd.s32 $0xFFFFFFFF  }
0xb9: {  	_ =	strace $0x90000054  }
0xba: {  	_ =	sfence  }
0xbb: {  	s28 =	sld [smem:$0x0];
	_ =	sdelay $0x1  }
0xbc: {  	s29 =	srdreg.scid  }
0xbd: {  	s30 =	sshll.u32 s29, $0xD;
	s31 =	sshrl.u32 s29, $0x2  }
0xbe: {  	s2 =	sand.u32 $0x4000, s30;
	s1 =	sand.u32 $0x1, s29;
	s0 =	sadd.s32 s31, s28  }
0xbf: {  	s1 =	sor.u32 s2, s1;
	s0 =	sshll.u32 s0, $0x11  }
0xc0: {  	s0 =	sor.u32 s0, s1  }
0xc1: {  	s0 =	sadd.s32 $0x8F2B, s0  }
0xc2: {  	[sflag:s0] =	ssyncadd.remote.s32 $0x1  }
0xc3: {  	_ =	sfence.sel $0xFFFF  }
0xc4: {  	[dreg:$0x0] =	wrdreg $0xFFFFFFFF;
	(pc) =	sbr.abs _section_cstart, $3  }
0xc5: {  	[dreg:$0x1] =	wrdreg $0xFFFFFFFF  }
0xc6: {  	_ =	task.clear_ibuf [dreg:s5], $0x2FFFF;
	_ =	strace $0x9FFFFFFF  }
0xc7: {  	(tm) =	ssettm $0x7FFFFFFF  }
tec
execute0_lowered:
.L_overlay_start_1:
0x0: {  	(tag) =	ssettag $0x1  }
0x1: {  	s3 =	rddreg [dreg:$0x0]  }
0x2: {  	s10 =	rddreg [dreg:$0x1]  }
0x3: {  	s1 =	rddreg [dreg:$0x2]  }
0x4: {  	s0 =	rddreg [dreg:$0x3];
	s2 =	simm.s32 $0x0;
	s6 =	stileid.u32  }
0x5: {  	[smem:$0x7FF] =	sst s2;
	p0 =	sne.s32 s6, $0x0  }
0x6: {  	_ =	strace $0x80000053;
	s4 =	sshrl.u32 @!p0 s1, $0x3;
	s5 =	simm.s32 @!p0 $0x1C05  }
0x7: {  	[spmem:s4], [sflag:s5] =	dma.local @!p0 [hbm:s3], $0x27100  }
0x8: {  	s3 =	simm.s32 @!p0 $0x5  }
0x9: {  	s26 =	sshll.u32 s6, $0x9;
	_ =	swait.ge @!p0 [sflag:s3], $0x27100  }
0xa: {  	s4 =	sadd.s32 s10, s26;
	[sflag:s3] =	ssyncset.done @!p0 $0x0  }
0xb: {  	s29 =	simm.s32 $0x6;
	s28 =	sadd.s32 $0x15700, s4;
	[sflag:s3] =	ssyncadd.s32 @!p0 $0xFFFD8F00  }
0xc: {  	[tilespmem:s2], [sflag:$0x6] =	stream.linear.gather [hbm4b:s28+s2], $0x1000, $0x38;
	[tilespmem:$0x1D880] =	vst v63  }
0xd: {  	_ =	swait.ge [sflag:s29], $0x1000  }
0xe: {  	[sflag:s29] =	ssyncset.done $0x0  }
0xf: {  	s30 =	simm.s32 $0x1000;
	s4 =	sadd.s32 $0xB900, s4;
	[sflag:s29] =	ssyncadd.s32 $0xFFFFF000  }
0x10: {  	[tilespmem:s30], [sflag:$0x6] =	stream.linear.gather [hbm4b:s4+s2], $0x1000, $0x38;
	[tilespmem:$0x1D880] =	vst v63  }
0x11: {  	_ =	swait.ge [sflag:s29], $0x1000  }
0x12: {  	[sflag:s29] =	ssyncset.done $0x0  }
0x13: {  	s5 =	simm.s32 $0x1;
	[sflag:s29] =	ssyncadd.s32 $0xFFFFF000  }
0x14: {  	s3 =	simm.s32 $0x80;
	s4 =	simm.s32 $0x15880;
	[bflag:$0x0] =	sbarrier.arrive $0xFFFF  }
0x15: {  	[tilespmem:s4], [sflag:$0x1] =	stream.indirect.gather [spmem:s1], $0x80, s2, s3, $0xb8;
	[tilespmem:$0x1D880] =	vst v63  }
0x16: {  	_ =	swait.ge [sflag:s5], $0x4000  }
0x17: {  	s11 =	sadd.s32 $0x817800, s10;
	s12 =	sshll.u32 s6, $0x10;
	[sflag:s5] =	ssyncset.done $0x0  }
0x18: {  	s6 =	sadd.s32 s11, s12;
	[sflag:s5] =	ssyncadd.s32 $0xFFFFC000  }
0x19: {  	[hbm4b:s6+s2] =	stream.linear.scatter [tilespmem:s4], [sflag:$0x3], $0x4000, $0x38;
	[tilespmem:$0x1D880] =	vst v63  }
0x1a: {  	s7 =	simm.s32 $0x19880;
	s8 =	simm.s32 $0x2  }
0x1b: {  	[tilespmem:s7], [sflag:$0x2] =	stream.indirect.gather [spmem:s1], $0x80, s3, s3, $0xb8;
	[tilespmem:$0x1D880] =	vst v63  }
0x1c: {  	_ =	swait.ge [sflag:s8], $0x4000  }
0x1d: {  	[sflag:s8] =	ssyncset.done $0x0  }
0x1e: {  	s13 =	simm.s32 $0x100;
	s9 =	sadd.s32 $0x800, s6;
	[sflag:s8] =	ssyncadd.s32 $0xFFFFC000  }
0x1f: {  	[hbm4b:s9+s2] =	stream.linear.scatter [tilespmem:s7], [sflag:$0x4], $0x4000, $0x38;
	[tilespmem:$0x1D880] =	vst v63  }
0x20: {  	s14 =	simm.s32 $0x4;
	s15 =	simm.s32 $0x0;
	s9 =	simm.s32 $0x3  }
.Ltmp0:
0x21: {  	s10 =	sadd.s32 $0x917800, s10;
	_ =	swait.ge [sflag:s9], $0x4000;
	(pc) =	sbr.rel .LBB2_1-.Ltmp0, $4  }
0x22: {  	s16 =	simm.s32 $0x1;
	s31 =	sadd.s32 s12, s10;
	[sflag:s9] =	ssyncset.done $0x0  }
0x23: {  	s12 =	sadd.s32 s12, s11;
	s10 =	sadd.s32 $0xFFFF0000, s31;
	[sflag:s9] =	ssyncadd.s32 $0xFFFFC000  }
0x24: {  	[tilespmem:s4], [sflag:$0x1] =	stream.indirect.gather [spmem:s1], $0x80, s13, s3, $0xb8;
	[tilespmem:$0x1D880] =	vst v63  }
0x25: {  	s11 =	sadd.s32 $0xFFFF1800, s31;
	s12 =	sadd.s32 $0x1800, s12;
	s13 =	simm.s32 $0x200  }
.LBB2_2:
0x26: {  	s17 =	sadd.s32 s15, s12  }
0x27: {  	[hbm4b:s17+s2] =	stream.linear.scatter [tilespmem:s7], [sflag:$0x4], $0x4000, $0x38;
	[tilespmem:$0x1D880] =	vst v63  }
.LBB2_4:
0x28: {  	s15 =	sadd.s32 $0x1000, s15  }
0x29: {  	p1 =	sne.s32 s15, $0x1F000  }
.Ltmp1:
0x2a: {  	_ =	swait.ge [sflag:s9], $0x4000;
	(pc) =	sbr.rel @!p1 .LBB2_5-.Ltmp1, $4  }
0x2b: {  	[sflag:s9] =	ssyncset.done $0x0  }
0x2c: {  	[sflag:s9] =	ssyncadd.s32 $0xFFFFC000  }
0x2d: {  	[tilespmem:s4], [sflag:$0x1] =	stream.indirect.gather [spmem:s1], $0x80, s13, s3, $0xb8;
	[tilespmem:$0x1D880] =	vst v63  }
0x2e: {  	s16 =	sadd.s32 $0x1, s16;
	s13 =	sadd.s32 $0x100, s13  }
.LBB2_1:
0x2f: {  	p1 =	sgt.u32 s16, $0xF;
	s17 =	smov.u32 s6  }
0x30: {  	_ =	swait.ge [sflag:s5], $0x4000;
	s17 =	smov.u32 @p1 s10  }
0x31: {  	[sflag:s5] =	ssyncset.done $0x0;
	s17 =	sadd.s32 s15, s17  }
0x32: {  	[sflag:s5] =	ssyncadd.s32 $0xFFFFC000;
	s17 =	sadd.s32 $0x1000, s17  }
0x33: {  	[hbm4b:s17+s2] =	stream.linear.scatter [tilespmem:s4], [sflag:$0x3], $0x4000, $0x38;
	[tilespmem:$0x1D880] =	vst v63  }
0x34: {  	_ =	swait.ge [sflag:s14], $0x4000  }
0x35: {  	[sflag:s14] =	ssyncset.done $0x0  }
.Ltmp2:
0x36: {  	s31 =	sadd.s32 $0xFFFFFF80, s13;
	[sflag:s14] =	ssyncadd.s32 $0xFFFFC000;
	(pc) =	sbr.rel @!p1 .LBB2_2-.Ltmp2, $4  }
0x37: {  	[tilespmem:s7], [sflag:$0x2] =	stream.indirect.gather [spmem:s1], $0x80, s31, s3, $0xb8;
	[tilespmem:$0x1D880] =	vst v63  }
0x38: {  	_ =	swait.ge [sflag:s8], $0x4000  }
0x39: {  	[sflag:s8] =	ssyncset.done $0x0  }
0x3a: {  	[sflag:s8] =	ssyncadd.s32 $0xFFFFC000  }
0x3b: {  	p1 =	seq.s32 s15, $0x1E000  }
.Ltmp3:
0x3c: {  	_ = 	snop;
	(pc) =	sbr.rel @!p1 .LBB2_4-.Ltmp3, $3  }
0x3d: {  	_ =	sdelay $0x1  }
0x3e: {  	s17 =	sadd.s32 s15, s11  }
0x3f: {  	[hbm4b:s17+s2] =	stream.linear.scatter [tilespmem:s7], [sflag:$0x4], $0x4000, $0x38;
	[tilespmem:$0x1D880] =	vst v63  }
.LBB2_5:
0x40: {  	s1 =	simm.s32 $0x3  }
0x41: {  	_ =	swait.ge [sflag:s1], $0x4000  }
0x42: {  	[sflag:s1] =	ssyncset.done $0x0  }
0x43: {  	s31 =	simm.s32 $0x4;
	[sflag:s1] =	ssyncadd.s32 $0xFFFFC000  }
0x44: {  	_ =	swait.ge [sflag:s31], $0x4000  }
0x45: {  	[sflag:s31] =	ssyncset.done $0x0  }
0x46: {  	[sflag:s31] =	ssyncadd.s32 $0xFFFFC000  }
0x47: {  	_ =	sfence.sel $0x180000  }
0x48: {  	[bflag:$0x0] =	sbarrier.arrive $0xFFFF  }
0x49: {  	_ =	strace $0x90000053  }
0x4a: {  	s0 =	sadd.s32 @!p0 $0x100000, s0;
	[bflag:$0x2] =	sbarrier.arrive $0xFFFF  }
0x4b: {  	[sflag:s0] =	ssyncadd.tile.s32 @!p0 $0x1;
	_ =	shalt  }
.Lfunc_end2:
_tile_overlayer_lowered:
.L_overlay_start_2:
0x4c: {  	(tag) =	ssettag $0x2  }
0x4d: {  	s0 =	rddreg [dreg:$0x0];
	s2 =	stileid.u32  }
0x4e: {  	s1 =	rddreg [dreg:$0x1];
	p0 =	sne.s32 s2, $0x0  }
0x4f: {  	s3 =	rddreg [dreg:$0x2];
	[bflag:$0x3] =	sbarrier.arrive $0xFFFF;
	s2 =	simm.s32 @!p0 $0x1C06  }
0x50: {  	[timem:s3], [sflag:s2] =	dma.local @!p0 [hbm:s0], s1  }
0x51: {  	s0 =	simm.s32 @!p0 $0x6  }
0x52: {  	_ =	swait.ge @!p0 [sflag:s0], s1  }
0x53: {  	s1 =	ssub.s32 @!p0 $0x0, s1;
	[sflag:s0] =	ssyncset.done @!p0 $0x0  }
0x54: {  	[sflag:s0] =	ssyncadd.s32 @!p0 s1  }
0x55: {  	[bflag:$0x3] =	sbarrier.arrive $0xFFFF  }
0x56: {  	_ =	shalt  }

</sc_bundles>
